<compile_context>
chip_gen: v7x
topology: tpu7x:2x2x1
jax: 0.10.2.dev20260603
libtpu: 0.0.44.dev20260713+nightly
codegen_flags: <defaults>
</compile_context>

<pallas_src>
import functools

import jax
import jax.numpy as jnp
from jax import lax
from jax.experimental import pallas as pl
from jax.experimental.pallas import tpu as pltpu
from jax.experimental.pallas import tpu_sc as plsc

NC = 2
NS = 16
NW = NC * NS
CH = 128
NBUF = 8


def _sc_mesh():
    return plsc.VectorSubcoreMesh(core_axis_name="c", subcore_axis_name="s")


def _deg_kernel(nc0, nc1, nacc, dst_hbm, ones_hbm, zeros_hbm, out_hbm,
                dst_v, ones_v, accum):
    cid = lax.axis_index("c")
    sid = lax.axis_index("s")
    nchunk = lax.select(cid == 0, jnp.int32(nc0), jnp.int32(nc1))
    rows = nacc // NS
    pltpu.sync_copy(dst_hbm.at[cid, sid], dst_v)
    pltpu.sync_copy(ones_hbm, ones_v)
    pltpu.sync_copy(zeros_hbm, accum.at[pl.ds(sid * rows, rows)])
    plsc.subcore_barrier()

    def body(j, carry):
        pltpu.sync_copy(ones_v, accum.at[dst_v.at[j]], add=True)
        return carry

    lax.fori_loop(0, nchunk, body, 0)
    plsc.subcore_barrier()
    pltpu.sync_copy(accum.at[pl.ds(sid * rows, rows)],
                    out_hbm.at[cid, pl.ds(sid * rows, rows)])


def _agg_kernel(nc0, nc1, nacc, hp_hbm, src_hbm, dst_hbm, zeros_hbm, out_hbm,
                src_v, dst_v, *scratch):
    cid = lax.axis_index("c")
    sid = lax.axis_index("s")
    nchunk = lax.select(cid == 0, jnp.int32(nc0), jnp.int32(nc1))
    rows = nacc // NS
    bufs = scratch[:NBUF]
    accum = scratch[NBUF]
    gsem = scratch[NBUF + 1:2 * NBUF + 1]
    ssem = scratch[2 * NBUF + 1:]
    pltpu.sync_copy(src_hbm.at[cid, sid], src_v)
    pltpu.sync_copy(dst_hbm.at[cid, sid], dst_v)
    pltpu.sync_copy(zeros_hbm, accum.at[pl.ds(sid * rows, rows)])
    plsc.subcore_barrier()

    for b in range(NBUF):
        pltpu.async_copy(hp_hbm.at[src_v.at[b]], bufs[b], gsem[b])

    def body(i, carry):
        base = i * NBUF
        for b in range(NBUF):
            j = base + b
            pltpu.make_async_copy(hp_hbm.at[src_v.at[j]], bufs[b],
                                  gsem[b]).wait()
            pltpu.async_copy(bufs[b], accum.at[dst_v.at[j]], ssem[b],
                             add=True)
        for b in range(NBUF):
            j = base + b
            jn = j + NBUF
            pltpu.make_async_copy(bufs[b], accum.at[dst_v.at[j]],
                                  ssem[b]).wait()

            @pl.when(jn < nchunk)
            def _():
                pltpu.async_copy(hp_hbm.at[src_v.at[jn]], bufs[b], gsem[b])

        return carry

    lax.fori_loop(0, nchunk // NBUF, body, 0)
    plsc.subcore_barrier()
    pltpu.sync_copy(accum.at[pl.ds(sid * rows, rows)],
                    out_hbm.at[cid, pl.ds(sid * rows, rows)])


def _stage_a_body(n, x_ref, w1_ref, d_ref, o_ref):
    deg = d_ref[0, :n, 0:1] + d_ref[1, :n, 0:1] + 1.0
    dis = lax.rsqrt(deg)
    hw = jnp.dot(x_ref[...], w1_ref[...], preferred_element_type=jnp.float32)
    o_ref[...] = hw * dis


def _stage_b_body(n, a_ref, hp_ref, d_ref, b1_ref, w2_ref, o_ref):
    deg = d_ref[0, :n, 0:1] + d_ref[1, :n, 0:1] + 1.0
    dis = lax.rsqrt(deg)
    agg = a_ref[0, :n] + a_ref[1, :n] + hp_ref[...]
    h1 = jax.nn.relu(agg * dis + b1_ref[...])
    o_ref[...] = jnp.dot(h1, w2_ref[...], preferred_element_type=jnp.float32) * dis


def _stage_c_body(n, g, ptr_ref, a_ref, hp_ref, d_ref, b2_ref, wp_ref,
                  bp_ref, o_ref):
    deg = d_ref[0, :n, 0:1] + d_ref[1, :n, 0:1] + 1.0
    dis = lax.rsqrt(deg)
    agg = a_ref[0, :n] + a_ref[1, :n] + hp_ref[...]
    h2 = jax.nn.relu(agg * dis + b2_ref[...])
    idx = lax.broadcasted_iota(jnp.int32, (n, 1), 0)
    means = []
    for gi in range(g):
        lo = ptr_ref[gi]
        hi = ptr_ref[gi + 1]
        m = (idx >= lo) & (idx < hi)
        s = jnp.sum(jnp.where(m, h2, 0.0), axis=0, keepdims=True)
        cnt = jnp.maximum((hi - lo).astype(jnp.float32), 1.0)
        means.append(s / cnt)
    mean = jnp.concatenate(means, axis=0)
    o_ref[...] = jnp.dot(mean, wp_ref[...],
                         preferred_element_type=jnp.float32) + bp_ref[...]


def kernel(x, edge_index, ptr, W1, b1, W2, b2, Wp, bp):
    n, d = x.shape
    h = W1.shape[1]
    g = ptr.shape[0] - 1
    e = edge_index.shape[1]

    F0 = 0.875
    ept0 = max(int(e * F0 / NS) // (CH * NBUF) * (CH * NBUF), CH * NBUF)
    e1 = max(e - NS * ept0, 0)
    ept1 = max(-(-(-(-e1 // NS)) // (CH * NBUF)) * (CH * NBUF), CH * NBUF)
    nc0, nc1 = ept0 // CH, ept1 // CH
    ncmax = max(nc0, nc1)
    rows_per_tile = ((-(-n // NS)) + 7) // 8 * 8
    nacc = NS * rows_per_tile

    def _layout(flat, fill):
        if nc0 == nc1:
            pad = jnp.full((NC * NS * ncmax * CH - e,), fill, jnp.int32)
            return jnp.concatenate([flat, pad]).reshape(NC, NS, ncmax, CH)
        b0 = flat[:NS * ept0].reshape(NS, nc0, CH)
        b0 = jnp.pad(b0, ((0, 0), (0, ncmax - nc0), (0, 0)),
                     constant_values=fill)
        b1 = jnp.pad(flat[NS * ept0:], (0, NS * ept1 - (e - NS * ept0)),
                     constant_values=fill).reshape(NS, nc1, CH)
        b1 = jnp.pad(b1, ((0, 0), (0, ncmax - nc1), (0, 0)),
                     constant_values=fill)
        return jnp.stack([b0, b1])

    src = _layout(edge_index[0], 0)
    dst = _layout(edge_index[1], n)

    ones16 = jnp.ones((CH, 16), jnp.float32)
    zeros16 = jnp.zeros((rows_per_tile, 16), jnp.float32)
    zerosh = jnp.zeros((rows_per_tile, h), jnp.float32)

    deg_call = pl.kernel(
        functools.partial(_deg_kernel, nc0, nc1, nacc),
        out_type=jax.ShapeDtypeStruct((NC, nacc, 16), jnp.float32),
        mesh=_sc_mesh(),
        scratch_types=[
            pltpu.VMEM((ncmax, CH), jnp.int32),
            pltpu.VMEM((CH, 16), jnp.float32),
            pltpu.VMEM_SHARED((nacc, 16), jnp.float32),
        ],
        compiler_params=pltpu.CompilerParams(use_tc_tiling_on_sc=False),
    )
    degp = deg_call(dst, ones16, zeros16)

    agg_call = pl.kernel(
        functools.partial(_agg_kernel, nc0, nc1, nacc),
        out_type=jax.ShapeDtypeStruct((NC, nacc, h), jnp.float32),
        mesh=_sc_mesh(),
        scratch_types=[
            pltpu.VMEM((ncmax, CH), jnp.int32),
            pltpu.VMEM((ncmax, CH), jnp.int32),
        ] + [pltpu.VMEM((CH, h), jnp.float32)] * NBUF + [
            pltpu.VMEM_SHARED((nacc, h), jnp.float32),
        ] + [pltpu.SemaphoreType.DMA] * (2 * NBUF),
        compiler_params=pltpu.CompilerParams(use_tc_tiling_on_sc=False),
    )

    h1p = pl.pallas_call(
        functools.partial(_stage_a_body, n),
        out_shape=jax.ShapeDtypeStruct((n, h), jnp.float32),
    )(x, W1, degp)

    agg1 = agg_call(h1p, src, dst, zerosh)

    h2p = pl.pallas_call(
        functools.partial(_stage_b_body, n),
        out_shape=jax.ShapeDtypeStruct((n, h), jnp.float32),
    )(agg1, h1p, degp, b1.reshape(1, h), W2)

    agg2 = agg_call(h2p, src, dst, zerosh)

    out = pl.pallas_call(
        functools.partial(_stage_c_body, n, g),
        out_shape=jax.ShapeDtypeStruct((g, 1), jnp.float32),
        in_specs=[pl.BlockSpec(memory_space=pltpu.SMEM)] +
                 [pl.BlockSpec()] * 6,
    )(ptr, agg2, h2p, degp, b2.reshape(1, h), Wp, bp.reshape(1, 1))
    return out

# --- scband reference (transcript-rebuilt; emitter-appended) ---
"""Pipeline reference for scband-gcn-34961033789882 (READ-ONLY COPY).

The authoritative reference and input builder live on the scoring server;
editing this copy changes nothing except your own understanding.
"""

import jax, jax.numpy as jnp
import numpy as np

N = 10000
E = 320000
D = 128
H = 32
G = 8


def setup_inputs(seed: int = 0) -> dict:
    key = jax.random.key(seed)
    ks = jax.random.split(key, 8)
    x = jax.random.normal(ks[0], (N, D), dtype=jnp.float32)
    edge_index = jax.random.randint(ks[1], (2, E), 0, N, dtype=jnp.int32)
    ptr = jnp.round(jnp.linspace(0, N, G + 1)).astype(jnp.int32)
    W1 = jax.random.normal(ks[2], (D, H), dtype=jnp.float32) * (1.0 / np.sqrt(D))
    b1 = jnp.zeros((H,), dtype=jnp.float32)
    W2 = jax.random.normal(ks[3], (H, H), dtype=jnp.float32) * (1.0 / np.sqrt(H))
    b2 = jnp.zeros((H,), dtype=jnp.float32)
    Wp = jax.random.normal(ks[4], (H, 1), dtype=jnp.float32) * (1.0 / np.sqrt(H))
    bp = jnp.zeros((1,), dtype=jnp.float32)
    return {"x": x, "edge_index": edge_index, "ptr": ptr,
            "W1": W1, "b1": b1, "W2": W2, "b2": b2, "Wp": Wp, "bp": bp}


def _gcn_conv(h, src, dst, W, b):
    # GCNConv: linear transform, then propagate with sym-normalized adjacency
    # (self-loops already appended to src/dst by caller).
    n = h.shape[0]
    deg = jnp.zeros((n,), dtype=jnp.float32).at[dst].add(1.0)
    deg_inv_sqrt = jnp.where(deg > 0, deg ** -0.5, 0.0)
    norm = deg_inv_sqrt[src] * deg_inv_sqrt[dst]
    hw = h @ W
    msgs = jnp.take(hw, src, axis=0) * norm[:, None]
    out = jnp.zeros((n, hw.shape[1]), dtype=hw.dtype).at[dst].add(msgs)
    return out + b


def reference(x, edge_index, ptr, W1, b1, W2, b2, Wp, bp):
    n = x.shape[0]
    loop = jnp.arange(n, dtype=edge_index.dtype)
    src = jnp.concatenate([edge_index[0], loop])
    dst = jnp.concatenate([edge_index[1], loop])

    h = jax.nn.relu(_gcn_conv(x, src, dst, W1, b1))
    h = jax.nn.relu(_gcn_conv(h, src, dst, W2, b2))

    # mean readout per graph using ptr (cumulative node offsets)
    seg = jnp.zeros((n,), dtype=jnp.int32).at[ptr[1:-1]].add(1)
    seg = jnp.cumsum(seg)
    sums = jax.ops.segment_sum(h, seg, num_segments=G)
    counts = (ptr[1:] - ptr[:-1]).astype(jnp.float32)
    mean = sums / jnp.maximum(counts, 1.0)[:, None]

    # regression predictor head
    out = mean @ Wp + bp
    return out

if __name__ == "__main__":
    import jax
    _d = setup_inputs()
    print(jax.jit(kernel)(*tuple(_d.values())))

</pallas_src>

<mosaic_0001>
#map = affine_map<(d0, d1) -> (0, 0)>
#map1 = affine_map<(d0, d1) -> (0, 0, 0, 0)>
#map2 = affine_map<(d0, d1) -> (0, 0, 0)>
module attributes {stable_mosaic.version = 14 : i64} {
  func.func @_agg_kernel(%arg0: i32, %arg1: i32, %arg2: memref<10000x32xf32, #tpu.memory_space<hbm>>, %arg3: memref<2x16x136x128xi32, #tpu.memory_space<hbm>>, %arg4: memref<2x16x136x128xi32, #tpu.memory_space<hbm>>, %arg5: memref<632x32xf32, #tpu.memory_space<hbm>>, %arg6: memref<2x10112x32xf32, #tpu.memory_space<hbm>>, %arg7: memref<136x128xi32, #tpu.memory_space<vmem>>, %arg8: memref<136x128xi32, #tpu.memory_space<vmem>>, %arg9: memref<128x32xf32, #tpu.memory_space<vmem>>, %arg10: memref<128x32xf32, #tpu.memory_space<vmem>>, %arg11: memref<128x32xf32, #tpu.memory_space<vmem>>, %arg12: memref<128x32xf32, #tpu.memory_space<vmem>>, %arg13: memref<128x32xf32, #tpu.memory_space<vmem>>, %arg14: memref<128x32xf32, #tpu.memory_space<vmem>>, %arg15: memref<128x32xf32, #tpu.memory_space<vmem>>, %arg16: memref<128x32xf32, #tpu.memory_space<vmem>>, %arg17: memref<10112x32xf32, #tpu.memory_space<vmem_shared>>, %arg18: memref<!tpu.dma_semaphore, #tpu.memory_space<semaphore_mem>>, %arg19: memref<!tpu.dma_semaphore, #tpu.memory_space<semaphore_mem>>, %arg20: memref<!tpu.dma_semaphore, #tpu.memory_space<semaphore_mem>>, %arg21: memref<!tpu.dma_semaphore, #tpu.memory_space<semaphore_mem>>, %arg22: memref<!tpu.dma_semaphore, #tpu.memory_space<semaphore_mem>>, %arg23: memref<!tpu.dma_semaphore, #tpu.memory_space<semaphore_mem>>, %arg24: memref<!tpu.dma_semaphore, #tpu.memory_space<semaphore_mem>>, %arg25: memref<!tpu.dma_semaphore, #tpu.memory_space<semaphore_mem>>, %arg26: memref<!tpu.dma_semaphore, #tpu.memory_space<semaphore_mem>>, %arg27: memref<!tpu.dma_semaphore, #tpu.memory_space<semaphore_mem>>, %arg28: memref<!tpu.dma_semaphore, #tpu.memory_space<semaphore_mem>>, %arg29: memref<!tpu.dma_semaphore, #tpu.memory_space<semaphore_mem>>, %arg30: memref<!tpu.dma_semaphore, #tpu.memory_space<semaphore_mem>>, %arg31: memref<!tpu.dma_semaphore, #tpu.memory_space<semaphore_mem>>, %arg32: memref<!tpu.dma_semaphore, #tpu.memory_space<semaphore_mem>>, %arg33: memref<!tpu.dma_semaphore, #tpu.memory_space<semaphore_mem>>) attributes {dimension_semantics = [#tpu.dimension_semantics<core_parallel>, #tpu.dimension_semantics<subcore_parallel>], iteration_bounds = array<i64: 2, 16>, scalar_prefetch = 0 : i64, scratch_operands = 27 : i64, tpu.core_type = #tpu.core_type<sc_vector_subcore>, window_params = [{transform_indices = #map}, {transform_indices = #map1}, {transform_indices = #map1}, {transform_indices = #map}, {transform_indices = #map2}]} {
    %eq3A = arith.constant 0 : i32
    %eq3A_0 = arith.cmpi eq, %arg0, %eq3A : i32
    %select_n3A = arith.constant 24 : i32
    %select_n3A_1 = arith.constant 136 : i32
    %select_n3A_2 = arith.select %eq3A_0, %select_n3A_1, %select_n3A : i32
    "tpu.region"() ({
      %run_scoped3A = tpu.sem_alloc : memref<!tpu.dma_semaphore, #tpu.memory_space<semaphore_mem>>
      %dma_start3A_90 = arith.constant 0 : i32
      %dma_start3A_91 = arith.constant 0 : i32
      %dma_start3A_92 = tpu.memref_slice %arg3[%arg0, %arg1, %dma_start3A_90, %dma_start3A_91] : memref<2x16x136x128xi32, #tpu.memory_space<hbm>> -> memref<1x1x136x128xi32, #tpu.memory_space<hbm>>
      %dma_start3A_93 = tpu.memref_squeeze %dma_start3A_92 : memref<1x1x136x128xi32, #tpu.memory_space<hbm>> -> memref<136x128xi32, #tpu.memory_space<hbm>>
      %dma_start3A_94 = arith.constant 0 : i32
      %dma_start3A_95 = arith.constant 0 : i32
      %dma_start3A_96 = tpu.memref_slice %arg3[%arg0, %arg1, %dma_start3A_94, %dma_start3A_95] : memref<2x16x136x128xi32, #tpu.memory_space<hbm>> -> memref<1x1x136x128xi32, #tpu.memory_space<hbm>>
      %dma_start3A_97 = tpu.memref_squeeze %dma_start3A_96 : memref<1x1x136x128xi32, #tpu.memory_space<hbm>> -> memref<136x128xi32, #tpu.memory_space<hbm>>
      tpu.enqueue_dma source(%dma_start3A_97 : memref<136x128xi32, #tpu.memory_space<hbm>>) target(%arg7 : memref<136x128xi32, #tpu.memory_space<vmem>>) target_semaphore(%run_scoped3A : memref<!tpu.dma_semaphore, #tpu.memory_space<semaphore_mem>>)
      %dma_wait3A = arith.constant 0 : i32
      %dma_wait3A_98 = arith.constant 0 : i32
      %dma_wait3A_99 = tpu.memref_slice %arg3[%arg0, %arg1, %dma_wait3A, %dma_wait3A_98] : memref<2x16x136x128xi32, #tpu.memory_space<hbm>> -> memref<1x1x136x128xi32, #tpu.memory_space<hbm>>
      %dma_wait3A_100 = tpu.memref_squeeze %dma_wait3A_99 : memref<1x1x136x128xi32, #tpu.memory_space<hbm>> -> memref<136x128xi32, #tpu.memory_space<hbm>>
      %dma_wait3A_101 = arith.constant 0 : i32
      %dma_wait3A_102 = arith.constant 0 : i32
      %dma_wait3A_103 = tpu.memref_slice %arg3[%arg0, %arg1, %dma_wait3A_101, %dma_wait3A_102] : memref<2x16x136x128xi32, #tpu.memory_space<hbm>> -> memref<1x1x136x128xi32, #tpu.memory_space<hbm>>
      %dma_wait3A_104 = tpu.memref_squeeze %dma_wait3A_103 : memref<1x1x136x128xi32, #tpu.memory_space<hbm>> -> memref<136x128xi32, #tpu.memory_space<hbm>>
      tpu.wait_dma2 semaphore(%run_scoped3A : memref<!tpu.dma_semaphore, #tpu.memory_space<semaphore_mem>>) src(%dma_wait3A_104 : memref<136x128xi32, #tpu.memory_space<hbm>>) dst(%arg7 : memref<136x128xi32, #tpu.memory_space<vmem>>)
      tpu.yield
    }) : () -> ()
    "tpu.region"() ({
      %run_scoped3A = tpu.sem_alloc : memref<!tpu.dma_semaphore, #tpu.memory_space<semaphore_mem>>
      %dma_start3A_90 = arith.constant 0 : i32
      %dma_start3A_91 = arith.constant 0 : i32
      %dma_start3A_92 = tpu.memref_slice %arg4[%arg0, %arg1, %dma_start3A_90, %dma_start3A_91] : memref<2x16x136x128xi32, #tpu.memory_space<hbm>> -> memref<1x1x136x128xi32, #tpu.memory_space<hbm>>
      %dma_start3A_93 = tpu.memref_squeeze %dma_start3A_92 : memref<1x1x136x128xi32, #tpu.memory_space<hbm>> -> memref<136x128xi32, #tpu.memory_space<hbm>>
      %dma_start3A_94 = arith.constant 0 : i32
      %dma_start3A_95 = arith.constant 0 : i32
      %dma_start3A_96 = tpu.memref_slice %arg4[%arg0, %arg1, %dma_start3A_94, %dma_start3A_95] : memref<2x16x136x128xi32, #tpu.memory_space<hbm>> -> memref<1x1x136x128xi32, #tpu.memory_space<hbm>>
      %dma_start3A_97 = tpu.memref_squeeze %dma_start3A_96 : memref<1x1x136x128xi32, #tpu.memory_space<hbm>> -> memref<136x128xi32, #tpu.memory_space<hbm>>
      tpu.enqueue_dma source(%dma_start3A_97 : memref<136x128xi32, #tpu.memory_space<hbm>>) target(%arg8 : memref<136x128xi32, #tpu.memory_space<vmem>>) target_semaphore(%run_scoped3A : memref<!tpu.dma_semaphore, #tpu.memory_space<semaphore_mem>>)
      %dma_wait3A = arith.constant 0 : i32
      %dma_wait3A_98 = arith.constant 0 : i32
      %dma_wait3A_99 = tpu.memref_slice %arg4[%arg0, %arg1, %dma_wait3A, %dma_wait3A_98] : memref<2x16x136x128xi32, #tpu.memory_space<hbm>> -> memref<1x1x136x128xi32, #tpu.memory_space<hbm>>
      %dma_wait3A_100 = tpu.memref_squeeze %dma_wait3A_99 : memref<1x1x136x128xi32, #tpu.memory_space<hbm>> -> memref<136x128xi32, #tpu.memory_space<hbm>>
      %dma_wait3A_101 = arith.constant 0 : i32
      %dma_wait3A_102 = arith.constant 0 : i32
      %dma_wait3A_103 = tpu.memref_slice %arg4[%arg0, %arg1, %dma_wait3A_101, %dma_wait3A_102] : memref<2x16x136x128xi32, #tpu.memory_space<hbm>> -> memref<1x1x136x128xi32, #tpu.memory_space<hbm>>
      %dma_wait3A_104 = tpu.memref_squeeze %dma_wait3A_103 : memref<1x1x136x128xi32, #tpu.memory_space<hbm>> -> memref<136x128xi32, #tpu.memory_space<hbm>>
      tpu.wait_dma2 semaphore(%run_scoped3A : memref<!tpu.dma_semaphore, #tpu.memory_space<semaphore_mem>>) src(%dma_wait3A_104 : memref<136x128xi32, #tpu.memory_space<hbm>>) dst(%arg8 : memref<136x128xi32, #tpu.memory_space<vmem>>)
      tpu.yield
    }) : () -> ()
    %mul3A = arith.constant 632 : i32
    %mul3A_3 = arith.muli %arg1, %mul3A : i32
    "tpu.region"() ({
      %run_scoped3A = tpu.sem_alloc : memref<!tpu.dma_semaphore, #tpu.memory_space<semaphore_mem>>
      %dma_start3A_90 = arith.constant 0 : i32
      %dma_start3A_91 = tpu.memref_slice %arg17[%mul3A_3, %dma_start3A_90] : memref<10112x32xf32, #tpu.memory_space<vmem_shared>> -> memref<632x32xf32, #tpu.memory_space<vmem_shared>>
      tpu.enqueue_dma source(%arg5 : memref<632x32xf32, #tpu.memory_space<hbm>>) target(%dma_start3A_91 : memref<632x32xf32, #tpu.memory_space<vmem_shared>>) target_semaphore(%run_scoped3A : memref<!tpu.dma_semaphore, #tpu.memory_space<semaphore_mem>>)
      %dma_wait3A = arith.constant 0 : i32
      %dma_wait3A_92 = tpu.memref_slice %arg17[%mul3A_3, %dma_wait3A] : memref<10112x32xf32, #tpu.memory_space<vmem_shared>> -> memref<632x32xf32, #tpu.memory_space<vmem_shared>>
      tpu.wait_dma2 semaphore(%run_scoped3A : memref<!tpu.dma_semaphore, #tpu.memory_space<semaphore_mem>>) src(%arg5 : memref<632x32xf32, #tpu.memory_space<hbm>>) dst(%dma_wait3A_92 : memref<632x32xf32, #tpu.memory_space<vmem_shared>>)
      tpu.yield
    }) : () -> ()
    %barrier3A = arith.constant 0 : index
    tpu.barrier barrier_id(%barrier3A)
    %dma_start3A = arith.constant 0 : i32
    %dma_start3A_4 = arith.constant 0 : i32
    %dma_start3A_5 = tpu.memref_slice %arg7[%dma_start3A, %dma_start3A_4] : memref<136x128xi32, #tpu.memory_space<vmem>> -> memref<1x128xi32, #tpu.memory_space<vmem>>
    %dma_start3A_6 = tpu.memref_squeeze %dma_start3A_5 : memref<1x128xi32, #tpu.memory_space<vmem>> -> memref<128xi32, #tpu.memory_space<vmem>>
    %dma_start3A_7 = arith.constant 0 : i32
    %dma_start3A_8 = arith.constant 0 : i32
    %dma_start3A_9 = tpu.memref_slice %arg2[%dma_start3A_7, %dma_start3A_8] : memref<10000x32xf32, #tpu.memory_space<hbm>> -> memref<10000x32xf32, #tpu.memory_space<hbm>>
    tpu.enqueue_indirect_dma source(%dma_start3A_9 : memref<10000x32xf32, #tpu.memory_space<hbm>>) target(%arg9 : memref<128x32xf32, #tpu.memory_space<vmem>>) offsets(%dma_start3A_6 : memref<128xi32, #tpu.memory_space<vmem>>) semaphore(%arg18 : memref<!tpu.dma_semaphore, #tpu.memory_space<semaphore_mem>>)
    %dma_start3A_10 = arith.constant 1 : i32
    %dma_start3A_11 = arith.constant 0 : i32
    %dma_start3A_12 = tpu.memref_slice %arg7[%dma_start3A_10, %dma_start3A_11] : memref<136x128xi32, #tpu.memory_space<vmem>> -> memref<1x128xi32, #tpu.memory_space<vmem>>
    %dma_start3A_13 = tpu.memref_squeeze %dma_start3A_12 : memref<1x128xi32, #tpu.memory_space<vmem>> -> memref<128xi32, #tpu.memory_space<vmem>>
    %dma_start3A_14 = arith.constant 0 : i32
    %dma_start3A_15 = arith.constant 0 : i32
    %dma_start3A_16 = tpu.memref_slice %arg2[%dma_start3A_14, %dma_start3A_15] : memref<10000x32xf32, #tpu.memory_space<hbm>> -> memref<10000x32xf32, #tpu.memory_space<hbm>>
    tpu.enqueue_indirect_dma source(%dma_start3A_16 : memref<10000x32xf32, #tpu.memory_space<hbm>>) target(%arg10 : memref<128x32xf32, #tpu.memory_space<vmem>>) offsets(%dma_start3A_13 : memref<128xi32, #tpu.memory_space<vmem>>) semaphore(%arg19 : memref<!tpu.dma_semaphore, #tpu.memory_space<semaphore_mem>>)
    %dma_start3A_17 = arith.constant 2 : i32
    %dma_start3A_18 = arith.constant 0 : i32
    %dma_start3A_19 = tpu.memref_slice %arg7[%dma_start3A_17, %dma_start3A_18] : memref<136x128xi32, #tpu.memory_space<vmem>> -> memref<1x128xi32, #tpu.memory_space<vmem>>
    %dma_start3A_20 = tpu.memref_squeeze %dma_start3A_19 : memref<1x128xi32, #tpu.memory_space<vmem>> -> memref<128xi32, #tpu.memory_space<vmem>>
    %dma_start3A_21 = arith.constant 0 : i32
    %dma_start3A_22 = arith.constant 0 : i32
    %dma_start3A_23 = tpu.memref_slice %arg2[%dma_start3A_21, %dma_start3A_22] : memref<10000x32xf32, #tpu.memory_space<hbm>> -> memref<10000x32xf32, #tpu.memory_space<hbm>>
    tpu.enqueue_indirect_dma source(%dma_start3A_23 : memref<10000x32xf32, #tpu.memory_space<hbm>>) target(%arg11 : memref<128x32xf32, #tpu.memory_space<vmem>>) offsets(%dma_start3A_20 : memref<128xi32, #tpu.memory_space<vmem>>) semaphore(%arg20 : memref<!tpu.dma_semaphore, #tpu.memory_space<semaphore_mem>>)
    %dma_start3A_24 = arith.constant 3 : i32
    %dma_start3A_25 = arith.constant 0 : i32
    %dma_start3A_26 = tpu.memref_slice %arg7[%dma_start3A_24, %dma_start3A_25] : memref<136x128xi32, #tpu.memory_space<vmem>> -> memref<1x128xi32, #tpu.memory_space<vmem>>
    %dma_start3A_27 = tpu.memref_squeeze %dma_start3A_26 : memref<1x128xi32, #tpu.memory_space<vmem>> -> memref<128xi32, #tpu.memory_space<vmem>>
    %dma_start3A_28 = arith.constant 0 : i32
    %dma_start3A_29 = arith.constant 0 : i32
    %dma_start3A_30 = tpu.memref_slice %arg2[%dma_start3A_28, %dma_start3A_29] : memref<10000x32xf32, #tpu.memory_space<hbm>> -> memref<10000x32xf32, #tpu.memory_space<hbm>>
    tpu.enqueue_indirect_dma source(%dma_start3A_30 : memref<10000x32xf32, #tpu.memory_space<hbm>>) target(%arg12 : memref<128x32xf32, #tpu.memory_space<vmem>>) offsets(%dma_start3A_27 : memref<128xi32, #tpu.memory_space<vmem>>) semaphore(%arg21 : memref<!tpu.dma_semaphore, #tpu.memory_space<semaphore_mem>>)
    %dma_start3A_31 = arith.constant 4 : i32
    %dma_start3A_32 = arith.constant 0 : i32
    %dma_start3A_33 = tpu.memref_slice %arg7[%dma_start3A_31, %dma_start3A_32] : memref<136x128xi32, #tpu.memory_space<vmem>> -> memref<1x128xi32, #tpu.memory_space<vmem>>
    %dma_start3A_34 = tpu.memref_squeeze %dma_start3A_33 : memref<1x128xi32, #tpu.memory_space<vmem>> -> memref<128xi32, #tpu.memory_space<vmem>>
    %dma_start3A_35 = arith.constant 0 : i32
    %dma_start3A_36 = arith.constant 0 : i32
    %dma_start3A_37 = tpu.memref_slice %arg2[%dma_start3A_35, %dma_start3A_36] : memref<10000x32xf32, #tpu.memory_space<hbm>> -> memref<10000x32xf32, #tpu.memory_space<hbm>>
    tpu.enqueue_indirect_dma source(%dma_start3A_37 : memref<10000x32xf32, #tpu.memory_space<hbm>>) target(%arg13 : memref<128x32xf32, #tpu.memory_space<vmem>>) offsets(%dma_start3A_34 : memref<128xi32, #tpu.memory_space<vmem>>) semaphore(%arg22 : memref<!tpu.dma_semaphore, #tpu.memory_space<semaphore_mem>>)
    %dma_start3A_38 = arith.constant 5 : i32
    %dma_start3A_39 = arith.constant 0 : i32
    %dma_start3A_40 = tpu.memref_slice %arg7[%dma_start3A_38, %dma_start3A_39] : memref<136x128xi32, #tpu.memory_space<vmem>> -> memref<1x128xi32, #tpu.memory_space<vmem>>
    %dma_start3A_41 = tpu.memref_squeeze %dma_start3A_40 : memref<1x128xi32, #tpu.memory_space<vmem>> -> memref<128xi32, #tpu.memory_space<vmem>>
    %dma_start3A_42 = arith.constant 0 : i32
    %dma_start3A_43 = arith.constant 0 : i32
    %dma_start3A_44 = tpu.memref_slice %arg2[%dma_start3A_42, %dma_start3A_43] : memref<10000x32xf32, #tpu.memory_space<hbm>> -> memref<10000x32xf32, #tpu.memory_space<hbm>>
    tpu.enqueue_indirect_dma source(%dma_start3A_44 : memref<10000x32xf32, #tpu.memory_space<hbm>>) target(%arg14 : memref<128x32xf32, #tpu.memory_space<vmem>>) offsets(%dma_start3A_41 : memref<128xi32, #tpu.memory_space<vmem>>) semaphore(%arg23 : memref<!tpu.dma_semaphore, #tpu.memory_space<semaphore_mem>>)
    %dma_start3A_45 = arith.constant 6 : i32
    %dma_start3A_46 = arith.constant 0 : i32
    %dma_start3A_47 = tpu.memref_slice %arg7[%dma_start3A_45, %dma_start3A_46] : memref<136x128xi32, #tpu.memory_space<vmem>> -> memref<1x128xi32, #tpu.memory_space<vmem>>
    %dma_start3A_48 = tpu.memref_squeeze %dma_start3A_47 : memref<1x128xi32, #tpu.memory_space<vmem>> -> memref<128xi32, #tpu.memory_space<vmem>>
    %dma_start3A_49 = arith.constant 0 : i32
    %dma_start3A_50 = arith.constant 0 : i32
    %dma_start3A_51 = tpu.memref_slice %arg2[%dma_start3A_49, %dma_start3A_50] : memref<10000x32xf32, #tpu.memory_space<hbm>> -> memref<10000x32xf32, #tpu.memory_space<hbm>>
    tpu.enqueue_indirect_dma source(%dma_start3A_51 : memref<10000x32xf32, #tpu.memory_space<hbm>>) target(%arg15 : memref<128x32xf32, #tpu.memory_space<vmem>>) offsets(%dma_start3A_48 : memref<128xi32, #tpu.memory_space<vmem>>) semaphore(%arg24 : memref<!tpu.dma_semaphore, #tpu.memory_space<semaphore_mem>>)
    %dma_start3A_52 = arith.constant 7 : i32
    %dma_start3A_53 = arith.constant 0 : i32
    %dma_start3A_54 = tpu.memref_slice %arg7[%dma_start3A_52, %dma_start3A_53] : memref<136x128xi32, #tpu.memory_space<vmem>> -> memref<1x128xi32, #tpu.memory_space<vmem>>
    %dma_start3A_55 = tpu.memref_squeeze %dma_start3A_54 : memref<1x128xi32, #tpu.memory_space<vmem>> -> memref<128xi32, #tpu.memory_space<vmem>>
    %dma_start3A_56 = arith.constant 0 : i32
    %dma_start3A_57 = arith.constant 0 : i32
    %dma_start3A_58 = tpu.memref_slice %arg2[%dma_start3A_56, %dma_start3A_57] : memref<10000x32xf32, #tpu.memory_space<hbm>> -> memref<10000x32xf32, #tpu.memory_space<hbm>>
    tpu.enqueue_indirect_dma source(%dma_start3A_58 : memref<10000x32xf32, #tpu.memory_space<hbm>>) target(%arg16 : memref<128x32xf32, #tpu.memory_space<vmem>>) offsets(%dma_start3A_55 : memref<128xi32, #tpu.memory_space<vmem>>) semaphore(%arg25 : memref<!tpu.dma_semaphore, #tpu.memory_space<semaphore_mem>>)
    %jit3A = arith.constant 8 : i32
    %div3A = arith.divsi %select_n3A_2, %jit3A : i32
    %sign3A = arith.constant 0 : i32
    %sign3A_59 = arith.cmpi sgt, %select_n3A_2, %sign3A : i32
    %sign3A_60 = arith.extui %sign3A_59 : i1 to i32
    %sign3A_61 = arith.constant 0 : i32
    %sign3A_62 = arith.cmpi slt, %select_n3A_2, %sign3A_61 : i32
    %sign3A_63 = arith.extui %sign3A_62 : i1 to i32
    %sign3A_64 = arith.subi %sign3A_60, %sign3A_63 : i32
    %sign3A_65 = arith.constant 0 : i32
    %sign3A_66 = arith.cmpi sgt, %jit3A, %sign3A_65 : i32
    %sign3A_67 = arith.extui %sign3A_66 : i1 to i32
    %sign3A_68 = arith.constant 0 : i32
    %sign3A_69 = arith.cmpi slt, %jit3A, %sign3A_68 : i32
    %sign3A_70 = arith.extui %sign3A_69 : i1 to i32
    %sign3A_71 = arith.subi %sign3A_67, %sign3A_70 : i32
    %ne3A = arith.cmpi ne, %sign3A_64, %sign3A_71 : i32
    %rem3A = arith.remsi %select_n3A_2, %jit3A : i32
    %ne3A_72 = arith.constant 0 : i32
    %ne3A_73 = arith.cmpi ne, %rem3A, %ne3A_72 : i32
    %and3A = arith.andi %ne3A, %ne3A_73 : i1
    %sub3A = arith.constant 1 : i32
    %sub3A_74 = arith.subi %div3A, %sub3A : i32
    %select_n3A_75 = arith.select %and3A, %sub3A_74, %div3A : i32
    %while3A = arith.constant 0 : i32
    %while3A_76 = arith.constant 0 : i32
    %while3A_77 = arith.subi %select_n3A_75, %while3A_76 : i32
    %while3A_78 = arith.addi %while3A_76, %while3A_77 : i32
    %while3A_79 = arith.constant 1 : i32
    %while3A_80 = arith.divsi %while3A_77, %while3A_79 : i32
    %while3A_81 = arith.muli %while3A_80, %while3A_79 : i32
    %while3A_82 = arith.addi %while3A_76, %while3A_81 : i32
    %while3A_83 = arith.constant 1 : i32
    scf.for %while3A_90 = %while3A_76 to %while3A_82 step %while3A_83  : i32 {
      %mul3A_91 = arith.constant 8 : i32
      %mul3A_92 = arith.muli %while3A_90, %mul3A_91 : i32
      %add3A = arith.constant 0 : i32
      %add3A_93 = arith.addi %mul3A_92, %add3A : i32
      %dma_wait3A = arith.constant 0 : i32
      %dma_wait3A_94 = tpu.memref_slice %arg7[%add3A_93, %dma_wait3A] : memref<136x128xi32, #tpu.memory_space<vmem>> -> memref<1x128xi32, #tpu.memory_space<vmem>>
      %dma_wait3A_95 = tpu.memref_squeeze %dma_wait3A_94 : memref<1x128xi32, #tpu.memory_space<vmem>> -> memref<128xi32, #tpu.memory_space<vmem>>
      %dma_wait3A_96 = arith.constant 0 : i32
      %dma_wait3A_97 = arith.constant 0 : i32
      %dma_wait3A_98 = tpu.memref_slice %arg2[%dma_wait3A_96, %dma_wait3A_97] : memref<10000x32xf32, #tpu.memory_space<hbm>> -> memref<10000x32xf32, #tpu.memory_space<hbm>>
      tpu.wait_indirect_dma semaphore(%arg18 : memref<!tpu.dma_semaphore, #tpu.memory_space<semaphore_mem>>) src(%dma_wait3A_98 : memref<10000x32xf32, #tpu.memory_space<hbm>>) dst(%arg9 : memref<128x32xf32, #tpu.memory_space<vmem>>)
      %dma_start3A_99 = arith.constant 0 : i32
      %dma_start3A_100 = tpu.memref_slice %arg8[%add3A_93, %dma_start3A_99] : memref<136x128xi32, #tpu.memory_space<vmem>> -> memref<1x128xi32, #tpu.memory_space<vmem>>
      %dma_start3A_101 = tpu.memref_squeeze %dma_start3A_100 : memref<1x128xi32, #tpu.memory_space<vmem>> -> memref<128xi32, #tpu.memory_space<vmem>>
      %dma_start3A_102 = arith.constant 0 : i32
      %dma_start3A_103 = arith.constant 0 : i32
      %dma_start3A_104 = tpu.memref_slice %arg17[%dma_start3A_102, %dma_start3A_103] : memref<10112x32xf32, #tpu.memory_space<vmem_shared>> -> memref<10112x32xf32, #tpu.memory_space<vmem_shared>>
      tpu.enqueue_indirect_dma source(%arg9 : memref<128x32xf32, #tpu.memory_space<vmem>>) target(%dma_start3A_104 : memref<10112x32xf32, #tpu.memory_space<vmem_shared>>) offsets(%dma_start3A_101 : memref<128xi32, #tpu.memory_space<vmem>>) semaphore(%arg26 : memref<!tpu.dma_semaphore, #tpu.memory_space<semaphore_mem>>) {add = true}
      %add3A_105 = arith.constant 1 : i32
      %add3A_106 = arith.addi %mul3A_92, %add3A_105 : i32
      %dma_wait3A_107 = arith.constant 0 : i32
      %dma_wait3A_108 = tpu.memref_slice %arg7[%add3A_106, %dma_wait3A_107] : memref<136x128xi32, #tpu.memory_space<vmem>> -> memref<1x128xi32, #tpu.memory_space<vmem>>
      %dma_wait3A_109 = tpu.memref_squeeze %dma_wait3A_108 : memref<1x128xi32, #tpu.memory_space<vmem>> -> memref<128xi32, #tpu.memory_space<vmem>>
      %dma_wait3A_110 = arith.constant 0 : i32
      %dma_wait3A_111 = arith.constant 0 : i32
      %dma_wait3A_112 = tpu.memref_slice %arg2[%dma_wait3A_110, %dma_wait3A_111] : memref<10000x32xf32, #tpu.memory_space<hbm>> -> memref<10000x32xf32, #tpu.memory_space<hbm>>
      tpu.wait_indirect_dma semaphore(%arg19 : memref<!tpu.dma_semaphore, #tpu.memory_space<semaphore_mem>>) src(%dma_wait3A_112 : memref<10000x32xf32, #tpu.memory_space<hbm>>) dst(%arg10 : memref<128x32xf32, #tpu.memory_space<vmem>>)
      %dma_start3A_113 = arith.constant 0 : i32
      %dma_start3A_114 = tpu.memref_slice %arg8[%add3A_106, %dma_start3A_113] : memref<136x128xi32, #tpu.memory_space<vmem>> -> memref<1x128xi32, #tpu.memory_space<vmem>>
      %dma_start3A_115 = tpu.memref_squeeze %dma_start3A_114 : memref<1x128xi32, #tpu.memory_space<vmem>> -> memref<128xi32, #tpu.memory_space<vmem>>
      %dma_start3A_116 = arith.constant 0 : i32
      %dma_start3A_117 = arith.constant 0 : i32
      %dma_start3A_118 = tpu.memref_slice %arg17[%dma_start3A_116, %dma_start3A_117] : memref<10112x32xf32, #tpu.memory_space<vmem_shared>> -> memref<10112x32xf32, #tpu.memory_space<vmem_shared>>
      tpu.enqueue_indirect_dma source(%arg10 : memref<128x32xf32, #tpu.memory_space<vmem>>) target(%dma_start3A_118 : memref<10112x32xf32, #tpu.memory_space<vmem_shared>>) offsets(%dma_start3A_115 : memref<128xi32, #tpu.memory_space<vmem>>) semaphore(%arg27 : memref<!tpu.dma_semaphore, #tpu.memory_space<semaphore_mem>>) {add = true}
      %add3A_119 = arith.constant 2 : i32
      %add3A_120 = arith.addi %mul3A_92, %add3A_119 : i32
      %dma_wait3A_121 = arith.constant 0 : i32
      %dma_wait3A_122 = tpu.memref_slice %arg7[%add3A_120, %dma_wait3A_121] : memref<136x128xi32, #tpu.memory_space<vmem>> -> memref<1x128xi32, #tpu.memory_space<vmem>>
      %dma_wait3A_123 = tpu.memref_squeeze %dma_wait3A_122 : memref<1x128xi32, #tpu.memory_space<vmem>> -> memref<128xi32, #tpu.memory_space<vmem>>
      %dma_wait3A_124 = arith.constant 0 : i32
      %dma_wait3A_125 = arith.constant 0 : i32
      %dma_wait3A_126 = tpu.memref_slice %arg2[%dma_wait3A_124, %dma_wait3A_125] : memref<10000x32xf32, #tpu.memory_space<hbm>> -> memref<10000x32xf32, #tpu.memory_space<hbm>>
      tpu.wait_indirect_dma semaphore(%arg20 : memref<!tpu.dma_semaphore, #tpu.memory_space<semaphore_mem>>) src(%dma_wait3A_126 : memref<10000x32xf32, #tpu.memory_space<hbm>>) dst(%arg11 : memref<128x32xf32, #tpu.memory_space<vmem>>)
      %dma_start3A_127 = arith.constant 0 : i32
      %dma_start3A_128 = tpu.memref_slice %arg8[%add3A_120, %dma_start3A_127] : memref<136x128xi32, #tpu.memory_space<vmem>> -> memref<1x128xi32, #tpu.memory_space<vmem>>
      %dma_start3A_129 = tpu.memref_squeeze %dma_start3A_128 : memref<1x128xi32, #tpu.memory_space<vmem>> -> memref<128xi32, #tpu.memory_space<vmem>>
      %dma_start3A_130 = arith.constant 0 : i32
      %dma_start3A_131 = arith.constant 0 : i32
      %dma_start3A_132 = tpu.memref_slice %arg17[%dma_start3A_130, %dma_start3A_131] : memref<10112x32xf32, #tpu.memory_space<vmem_shared>> -> memref<10112x32xf32, #tpu.memory_space<vmem_shared>>
      tpu.enqueue_indirect_dma source(%arg11 : memref<128x32xf32, #tpu.memory_space<vmem>>) target(%dma_start3A_132 : memref<10112x32xf32, #tpu.memory_space<vmem_shared>>) offsets(%dma_start3A_129 : memref<128xi32, #tpu.memory_space<vmem>>) semaphore(%arg28 : memref<!tpu.dma_semaphore, #tpu.memory_space<semaphore_mem>>) {add = true}
      %add3A_133 = arith.constant 3 : i32
      %add3A_134 = arith.addi %mul3A_92, %add3A_133 : i32
      %dma_wait3A_135 = arith.constant 0 : i32
      %dma_wait3A_136 = tpu.memref_slice %arg7[%add3A_134, %dma_wait3A_135] : memref<136x128xi32, #tpu.memory_space<vmem>> -> memref<1x128xi32, #tpu.memory_space<vmem>>
      %dma_wait3A_137 = tpu.memref_squeeze %dma_wait3A_136 : memref<1x128xi32, #tpu.memory_space<vmem>> -> memref<128xi32, #tpu.memory_space<vmem>>
      %dma_wait3A_138 = arith.constant 0 : i32
      %dma_wait3A_139 = arith.constant 0 : i32
      %dma_wait3A_140 = tpu.memref_slice %arg2[%dma_wait3A_138, %dma_wait3A_139] : memref<10000x32xf32, #tpu.memory_space<hbm>> -> memref<10000x32xf32, #tpu.memory_space<hbm>>
      tpu.wait_indirect_dma semaphore(%arg21 : memref<!tpu.dma_semaphore, #tpu.memory_space<semaphore_mem>>) src(%dma_wait3A_140 : memref<10000x32xf32, #tpu.memory_space<hbm>>) dst(%arg12 : memref<128x32xf32, #tpu.memory_space<vmem>>)
      %dma_start3A_141 = arith.constant 0 : i32
      %dma_start3A_142 = tpu.memref_slice %arg8[%add3A_134, %dma_start3A_141] : memref<136x128xi32, #tpu.memory_space<vmem>> -> memref<1x128xi32, #tpu.memory_space<vmem>>
      %dma_start3A_143 = tpu.memref_squeeze %dma_start3A_142 : memref<1x128xi32, #tpu.memory_space<vmem>> -> memref<128xi32, #tpu.memory_space<vmem>>
      %dma_start3A_144 = arith.constant 0 : i32
      %dma_start3A_145 = arith.constant 0 : i32
      %dma_start3A_146 = tpu.memref_slice %arg17[%dma_start3A_144, %dma_start3A_145] : memref<10112x32xf32, #tpu.memory_space<vmem_shared>> -> memref<10112x32xf32, #tpu.memory_space<vmem_shared>>
      tpu.enqueue_indirect_dma source(%arg12 : memref<128x32xf32, #tpu.memory_space<vmem>>) target(%dma_start3A_146 : memref<10112x32xf32, #tpu.memory_space<vmem_shared>>) offsets(%dma_start3A_143 : memref<128xi32, #tpu.memory_space<vmem>>) semaphore(%arg29 : memref<!tpu.dma_semaphore, #tpu.memory_space<semaphore_mem>>) {add = true}
      %add3A_147 = arith.constant 4 : i32
      %add3A_148 = arith.addi %mul3A_92, %add3A_147 : i32
      %dma_wait3A_149 = arith.constant 0 : i32
      %dma_wait3A_150 = tpu.memref_slice %arg7[%add3A_148, %dma_wait3A_149] : memref<136x128xi32, #tpu.memory_space<vmem>> -> memref<1x128xi32, #tpu.memory_space<vmem>>
      %dma_wait3A_151 = tpu.memref_squeeze %dma_wait3A_150 : memref<1x128xi32, #tpu.memory_space<vmem>> -> memref<128xi32, #tpu.memory_space<vmem>>
      %dma_wait3A_152 = arith.constant 0 : i32
      %dma_wait3A_153 = arith.constant 0 : i32
      %dma_wait3A_154 = tpu.memref_slice %arg2[%dma_wait3A_152, %dma_wait3A_153] : memref<10000x32xf32, #tpu.memory_space<hbm>> -> memref<10000x32xf32, #tpu.memory_space<hbm>>
      tpu.wait_indirect_dma semaphore(%arg22 : memref<!tpu.dma_semaphore, #tpu.memory_space<semaphore_mem>>) src(%dma_wait3A_154 : memref<10000x32xf32, #tpu.memory_space<hbm>>) dst(%arg13 : memref<128x32xf32, #tpu.memory_space<vmem>>)
      %dma_start3A_155 = arith.constant 0 : i32
      %dma_start3A_156 = tpu.memref_slice %arg8[%add3A_148, %dma_start3A_155] : memref<136x128xi32, #tpu.memory_space<vmem>> -> memref<1x128xi32, #tpu.memory_space<vmem>>
      %dma_start3A_157 = tpu.memref_squeeze %dma_start3A_156 : memref<1x128xi32, #tpu.memory_space<vmem>> -> memref<128xi32, #tpu.memory_space<vmem>>
      %dma_start3A_158 = arith.constant 0 : i32
      %dma_start3A_159 = arith.constant 0 : i32
      %dma_start3A_160 = tpu.memref_slice %arg17[%dma_start3A_158, %dma_start3A_159] : memref<10112x32xf32, #tpu.memory_space<vmem_shared>> -> memref<10112x32xf32, #tpu.memory_space<vmem_shared>>
      tpu.enqueue_indirect_dma source(%arg13 : memref<128x32xf32, #tpu.memory_space<vmem>>) target(%dma_start3A_160 : memref<10112x32xf32, #tpu.memory_space<vmem_shared>>) offsets(%dma_start3A_157 : memref<128xi32, #tpu.memory_space<vmem>>) semaphore(%arg30 : memref<!tpu.dma_semaphore, #tpu.memory_space<semaphore_mem>>) {add = true}
      %add3A_161 = arith.constant 5 : i32
      %add3A_162 = arith.addi %mul3A_92, %add3A_161 : i32
      %dma_wait3A_163 = arith.constant 0 : i32
      %dma_wait3A_164 = tpu.memref_slice %arg7[%add3A_162, %dma_wait3A_163] : memref<136x128xi32, #tpu.memory_space<vmem>> -> memref<1x128xi32, #tpu.memory_space<vmem>>
      %dma_wait3A_165 = tpu.memref_squeeze %dma_wait3A_164 : memref<1x128xi32, #tpu.memory_space<vmem>> -> memref<128xi32, #tpu.memory_space<vmem>>
      %dma_wait3A_166 = arith.constant 0 : i32
      %dma_wait3A_167 = arith.constant 0 : i32
      %dma_wait3A_168 = tpu.memref_slice %arg2[%dma_wait3A_166, %dma_wait3A_167] : memref<10000x32xf32, #tpu.memory_space<hbm>> -> memref<10000x32xf32, #tpu.memory_space<hbm>>
      tpu.wait_indirect_dma semaphore(%arg23 : memref<!tpu.dma_semaphore, #tpu.memory_space<semaphore_mem>>) src(%dma_wait3A_168 : memref<10000x32xf32, #tpu.memory_space<hbm>>) dst(%arg14 : memref<128x32xf32, #tpu.memory_space<vmem>>)
      %dma_start3A_169 = arith.constant 0 : i32
      %dma_start3A_170 = tpu.memref_slice %arg8[%add3A_162, %dma_start3A_169] : memref<136x128xi32, #tpu.memory_space<vmem>> -> memref<1x128xi32, #tpu.memory_space<vmem>>
      %dma_start3A_171 = tpu.memref_squeeze %dma_start3A_170 : memref<1x128xi32, #tpu.memory_space<vmem>> -> memref<128xi32, #tpu.memory_space<vmem>>
      %dma_start3A_172 = arith.constant 0 : i32
      %dma_start3A_173 = arith.constant 0 : i32
      %dma_start3A_174 = tpu.memref_slice %arg17[%dma_start3A_172, %dma_start3A_173] : memref<10112x32xf32, #tpu.memory_space<vmem_shared>> -> memref<10112x32xf32, #tpu.memory_space<vmem_shared>>
      tpu.enqueue_indirect_dma source(%arg14 : memref<128x32xf32, #tpu.memory_space<vmem>>) target(%dma_start3A_174 : memref<10112x32xf32, #tpu.memory_space<vmem_shared>>) offsets(%dma_start3A_171 : memref<128xi32, #tpu.memory_space<vmem>>) semaphore(%arg31 : memref<!tpu.dma_semaphore, #tpu.memory_space<semaphore_mem>>) {add = true}
      %add3A_175 = arith.constant 6 : i32
      %add3A_176 = arith.addi %mul3A_92, %add3A_175 : i32
      %dma_wait3A_177 = arith.constant 0 : i32
      %dma_wait3A_178 = tpu.memref_slice %arg7[%add3A_176, %dma_wait3A_177] : memref<136x128xi32, #tpu.memory_space<vmem>> -> memref<1x128xi32, #tpu.memory_space<vmem>>
      %dma_wait3A_179 = tpu.memref_squeeze %dma_wait3A_178 : memref<1x128xi32, #tpu.memory_space<vmem>> -> memref<128xi32, #tpu.memory_space<vmem>>
      %dma_wait3A_180 = arith.constant 0 : i32
      %dma_wait3A_181 = arith.constant 0 : i32
      %dma_wait3A_182 = tpu.memref_slice %arg2[%dma_wait3A_180, %dma_wait3A_181] : memref<10000x32xf32, #tpu.memory_space<hbm>> -> memref<10000x32xf32, #tpu.memory_space<hbm>>
      tpu.wait_indirect_dma semaphore(%arg24 : memref<!tpu.dma_semaphore, #tpu.memory_space<semaphore_mem>>) src(%dma_wait3A_182 : memref<10000x32xf32, #tpu.memory_space<hbm>>) dst(%arg15 : memref<128x32xf32, #tpu.memory_space<vmem>>)
      %dma_start3A_183 = arith.constant 0 : i32
      %dma_start3A_184 = tpu.memref_slice %arg8[%add3A_176, %dma_start3A_183] : memref<136x128xi32, #tpu.memory_space<vmem>> -> memref<1x128xi32, #tpu.memory_space<vmem>>
      %dma_start3A_185 = tpu.memref_squeeze %dma_start3A_184 : memref<1x128xi32, #tpu.memory_space<vmem>> -> memref<128xi32, #tpu.memory_space<vmem>>
      %dma_start3A_186 = arith.constant 0 : i32
      %dma_start3A_187 = arith.constant 0 : i32
      %dma_start3A_188 = tpu.memref_slice %arg17[%dma_start3A_186, %dma_start3A_187] : memref<10112x32xf32, #tpu.memory_space<vmem_shared>> -> memref<10112x32xf32, #tpu.memory_space<vmem_shared>>
      tpu.enqueue_indirect_dma source(%arg15 : memref<128x32xf32, #tpu.memory_space<vmem>>) target(%dma_start3A_188 : memref<10112x32xf32, #tpu.memory_space<vmem_shared>>) offsets(%dma_start3A_185 : memref<128xi32, #tpu.memory_space<vmem>>) semaphore(%arg32 : memref<!tpu.dma_semaphore, #tpu.memory_space<semaphore_mem>>) {add = true}
      %add3A_189 = arith.constant 7 : i32
      %add3A_190 = arith.addi %mul3A_92, %add3A_189 : i32
      %dma_wait3A_191 = arith.constant 0 : i32
      %dma_wait3A_192 = tpu.memref_slice %arg7[%add3A_190, %dma_wait3A_191] : memref<136x128xi32, #tpu.memory_space<vmem>> -> memref<1x128xi32, #tpu.memory_space<vmem>>
      %dma_wait3A_193 = tpu.memref_squeeze %dma_wait3A_192 : memref<1x128xi32, #tpu.memory_space<vmem>> -> memref<128xi32, #tpu.memory_space<vmem>>
      %dma_wait3A_194 = arith.constant 0 : i32
      %dma_wait3A_195 = arith.constant 0 : i32
      %dma_wait3A_196 = tpu.memref_slice %arg2[%dma_wait3A_194, %dma_wait3A_195] : memref<10000x32xf32, #tpu.memory_space<hbm>> -> memref<10000x32xf32, #tpu.memory_space<hbm>>
      tpu.wait_indirect_dma semaphore(%arg25 : memref<!tpu.dma_semaphore, #tpu.memory_space<semaphore_mem>>) src(%dma_wait3A_196 : memref<10000x32xf32, #tpu.memory_space<hbm>>) dst(%arg16 : memref<128x32xf32, #tpu.memory_space<vmem>>)
      %dma_start3A_197 = arith.constant 0 : i32
      %dma_start3A_198 = tpu.memref_slice %arg8[%add3A_190, %dma_start3A_197] : memref<136x128xi32, #tpu.memory_space<vmem>> -> memref<1x128xi32, #tpu.memory_space<vmem>>
      %dma_start3A_199 = tpu.memref_squeeze %dma_start3A_198 : memref<1x128xi32, #tpu.memory_space<vmem>> -> memref<128xi32, #tpu.memory_space<vmem>>
      %dma_start3A_200 = arith.constant 0 : i32
      %dma_start3A_201 = arith.constant 0 : i32
      %dma_start3A_202 = tpu.memref_slice %arg17[%dma_start3A_200, %dma_start3A_201] : memref<10112x32xf32, #tpu.memory_space<vmem_shared>> -> memref<10112x32xf32, #tpu.memory_space<vmem_shared>>
      tpu.enqueue_indirect_dma source(%arg16 : memref<128x32xf32, #tpu.memory_space<vmem>>) target(%dma_start3A_202 : memref<10112x32xf32, #tpu.memory_space<vmem_shared>>) offsets(%dma_start3A_199 : memref<128xi32, #tpu.memory_space<vmem>>) semaphore(%arg33 : memref<!tpu.dma_semaphore, #tpu.memory_space<semaphore_mem>>) {add = true}
      %add3A_203 = arith.constant 0 : i32
      %add3A_204 = arith.addi %mul3A_92, %add3A_203 : i32
      %add3A_205 = arith.constant 8 : i32
      %add3A_206 = arith.addi %add3A_204, %add3A_205 : i32
      %dma_wait3A_207 = arith.constant 0 : i32
      %dma_wait3A_208 = tpu.memref_slice %arg8[%add3A_204, %dma_wait3A_207] : memref<136x128xi32, #tpu.memory_space<vmem>> -> memref<1x128xi32, #tpu.memory_space<vmem>>
      %dma_wait3A_209 = tpu.memref_squeeze %dma_wait3A_208 : memref<1x128xi32, #tpu.memory_space<vmem>> -> memref<128xi32, #tpu.memory_space<vmem>>
      %dma_wait3A_210 = arith.constant 0 : i32
      %dma_wait3A_211 = arith.constant 0 : i32
      %dma_wait3A_212 = tpu.memref_slice %arg17[%dma_wait3A_210, %dma_wait3A_211] : memref<10112x32xf32, #tpu.memory_space<vmem_shared>> -> memref<10112x32xf32, #tpu.memory_space<vmem_shared>>
      tpu.wait_indirect_dma semaphore(%arg26 : memref<!tpu.dma_semaphore, #tpu.memory_space<semaphore_mem>>) src(%arg9 : memref<128x32xf32, #tpu.memory_space<vmem>>) dst(%dma_wait3A_212 : memref<10112x32xf32, #tpu.memory_space<vmem_shared>>)
      %lt3A = arith.cmpi slt, %add3A_206, %select_n3A_2 : i32
      %convert_element_type3A = arith.extui %lt3A : i1 to i32
      %cond3A = arith.constant 0 : i32
      %cond3A_213 = arith.cmpi ne, %convert_element_type3A, %cond3A : i32
      scf.if %cond3A_213 {
        %dma_start3A_312 = arith.constant 0 : i32
        %dma_start3A_313 = tpu.memref_slice %arg7[%add3A_206, %dma_start3A_312] : memref<136x128xi32, #tpu.memory_space<vmem>> -> memref<1x128xi32, #tpu.memory_space<vmem>>
        %dma_start3A_314 = tpu.memref_squeeze %dma_start3A_313 : memref<1x128xi32, #tpu.memory_space<vmem>> -> memref<128xi32, #tpu.memory_space<vmem>>
        %dma_start3A_315 = arith.constant 0 : i32
        %dma_start3A_316 = arith.constant 0 : i32
        %dma_start3A_317 = tpu.memref_slice %arg2[%dma_start3A_315, %dma_start3A_316] : memref<10000x32xf32, #tpu.memory_space<hbm>> -> memref<10000x32xf32, #tpu.memory_space<hbm>>
        tpu.enqueue_indirect_dma source(%dma_start3A_317 : memref<10000x32xf32, #tpu.memory_space<hbm>>) target(%arg9 : memref<128x32xf32, #tpu.memory_space<vmem>>) offsets(%dma_start3A_314 : memref<128xi32, #tpu.memory_space<vmem>>) semaphore(%arg18 : memref<!tpu.dma_semaphore, #tpu.memory_space<semaphore_mem>>)
      } else {
      }
      %add3A_214 = arith.constant 1 : i32
      %add3A_215 = arith.addi %mul3A_92, %add3A_214 : i32
      %add3A_216 = arith.constant 8 : i32
      %add3A_217 = arith.addi %add3A_215, %add3A_216 : i32
      %dma_wait3A_218 = arith.constant 0 : i32
      %dma_wait3A_219 = tpu.memref_slice %arg8[%add3A_215, %dma_wait3A_218] : memref<136x128xi32, #tpu.memory_space<vmem>> -> memref<1x128xi32, #tpu.memory_space<vmem>>
      %dma_wait3A_220 = tpu.memref_squeeze %dma_wait3A_219 : memref<1x128xi32, #tpu.memory_space<vmem>> -> memref<128xi32, #tpu.memory_space<vmem>>
      %dma_wait3A_221 = arith.constant 0 : i32
      %dma_wait3A_222 = arith.constant 0 : i32
      %dma_wait3A_223 = tpu.memref_slice %arg17[%dma_wait3A_221, %dma_wait3A_222] : memref<10112x32xf32, #tpu.memory_space<vmem_shared>> -> memref<10112x32xf32, #tpu.memory_space<vmem_shared>>
      tpu.wait_indirect_dma semaphore(%arg27 : memref<!tpu.dma_semaphore, #tpu.memory_space<semaphore_mem>>) src(%arg10 : memref<128x32xf32, #tpu.memory_space<vmem>>) dst(%dma_wait3A_223 : memref<10112x32xf32, #tpu.memory_space<vmem_shared>>)
      %lt3A_224 = arith.cmpi slt, %add3A_217, %select_n3A_2 : i32
      %convert_element_type3A_225 = arith.extui %lt3A_224 : i1 to i32
      %cond3A_226 = arith.constant 0 : i32
      %cond3A_227 = arith.cmpi ne, %convert_element_type3A_225, %cond3A_226 : i32
      scf.if %cond3A_227 {
        %dma_start3A_312 = arith.constant 0 : i32
        %dma_start3A_313 = tpu.memref_slice %arg7[%add3A_217, %dma_start3A_312] : memref<136x128xi32, #tpu.memory_space<vmem>> -> memref<1x128xi32, #tpu.memory_space<vmem>>
        %dma_start3A_314 = tpu.memref_squeeze %dma_start3A_313 : memref<1x128xi32, #tpu.memory_space<vmem>> -> memref<128xi32, #tpu.memory_space<vmem>>
        %dma_start3A_315 = arith.constant 0 : i32
        %dma_start3A_316 = arith.constant 0 : i32
        %dma_start3A_317 = tpu.memref_slice %arg2[%dma_start3A_315, %dma_start3A_316] : memref<10000x32xf32, #tpu.memory_space<hbm>> -> memref<10000x32xf32, #tpu.memory_space<hbm>>
        tpu.enqueue_indirect_dma source(%dma_start3A_317 : memref<10000x32xf32, #tpu.memory_space<hbm>>) target(%arg10 : memref<128x32xf32, #tpu.memory_space<vmem>>) offsets(%dma_start3A_314 : memref<128xi32, #tpu.memory_space<vmem>>) semaphore(%arg19 : memref<!tpu.dma_semaphore, #tpu.memory_space<semaphore_mem>>)
      } else {
      }
      %add3A_228 = arith.constant 2 : i32
      %add3A_229 = arith.addi %mul3A_92, %add3A_228 : i32
      %add3A_230 = arith.constant 8 : i32
      %add3A_231 = arith.addi %add3A_229, %add3A_230 : i32
      %dma_wait3A_232 = arith.constant 0 : i32
      %dma_wait3A_233 = tpu.memref_slice %arg8[%add3A_229, %dma_wait3A_232] : memref<136x128xi32, #tpu.memory_space<vmem>> -> memref<1x128xi32, #tpu.memory_space<vmem>>
      %dma_wait3A_234 = tpu.memref_squeeze %dma_wait3A_233 : memref<1x128xi32, #tpu.memory_space<vmem>> -> memref<128xi32, #tpu.memory_space<vmem>>
      %dma_wait3A_235 = arith.constant 0 : i32
      %dma_wait3A_236 = arith.constant 0 : i32
      %dma_wait3A_237 = tpu.memref_slice %arg17[%dma_wait3A_235, %dma_wait3A_236] : memref<10112x32xf32, #tpu.memory_space<vmem_shared>> -> memref<10112x32xf32, #tpu.memory_space<vmem_shared>>
      tpu.wait_indirect_dma semaphore(%arg28 : memref<!tpu.dma_semaphore, #tpu.memory_space<semaphore_mem>>) src(%arg11 : memref<128x32xf32, #tpu.memory_space<vmem>>) dst(%dma_wait3A_237 : memref<10112x32xf32, #tpu.memory_space<vmem_shared>>)
      %lt3A_238 = arith.cmpi slt, %add3A_231, %select_n3A_2 : i32
      %convert_element_type3A_239 = arith.extui %lt3A_238 : i1 to i32
      %cond3A_240 = arith.constant 0 : i32
      %cond3A_241 = arith.cmpi ne, %convert_element_type3A_239, %cond3A_240 : i32
      scf.if %cond3A_241 {
        %dma_start3A_312 = arith.constant 0 : i32
        %dma_start3A_313 = tpu.memref_slice %arg7[%add3A_231, %dma_start3A_312] : memref<136x128xi32, #tpu.memory_space<vmem>> -> memref<1x128xi32, #tpu.memory_space<vmem>>
        %dma_start3A_314 = tpu.memref_squeeze %dma_start3A_313 : memref<1x128xi32, #tpu.memory_space<vmem>> -> memref<128xi32, #tpu.memory_space<vmem>>
        %dma_start3A_315 = arith.constant 0 : i32
        %dma_start3A_316 = arith.constant 0 : i32
        %dma_start3A_317 = tpu.memref_slice %arg2[%dma_start3A_315, %dma_start3A_316] : memref<10000x32xf32, #tpu.memory_space<hbm>> -> memref<10000x32xf32, #tpu.memory_space<hbm>>
        tpu.enqueue_indirect_dma source(%dma_start3A_317 : memref<10000x32xf32, #tpu.memory_space<hbm>>) target(%arg11 : memref<128x32xf32, #tpu.memory_space<vmem>>) offsets(%dma_start3A_314 : memref<128xi32, #tpu.memory_space<vmem>>) semaphore(%arg20 : memref<!tpu.dma_semaphore, #tpu.memory_space<semaphore_mem>>)
      } else {
      }
      %add3A_242 = arith.constant 3 : i32
      %add3A_243 = arith.addi %mul3A_92, %add3A_242 : i32
      %add3A_244 = arith.constant 8 : i32
      %add3A_245 = arith.addi %add3A_243, %add3A_244 : i32
      %dma_wait3A_246 = arith.constant 0 : i32
      %dma_wait3A_247 = tpu.memref_slice %arg8[%add3A_243, %dma_wait3A_246] : memref<136x128xi32, #tpu.memory_space<vmem>> -> memref<1x128xi32, #tpu.memory_space<vmem>>
      %dma_wait3A_248 = tpu.memref_squeeze %dma_wait3A_247 : memref<1x128xi32, #tpu.memory_space<vmem>> -> memref<128xi32, #tpu.memory_space<vmem>>
      %dma_wait3A_249 = arith.constant 0 : i32
      %dma_wait3A_250 = arith.constant 0 : i32
      %dma_wait3A_251 = tpu.memref_slice %arg17[%dma_wait3A_249, %dma_wait3A_250] : memref<10112x32xf32, #tpu.memory_space<vmem_shared>> -> memref<10112x32xf32, #tpu.memory_space<vmem_shared>>
      tpu.wait_indirect_dma semaphore(%arg29 : memref<!tpu.dma_semaphore, #tpu.memory_space<semaphore_mem>>) src(%arg12 : memref<128x32xf32, #tpu.memory_space<vmem>>) dst(%dma_wait3A_251 : memref<10112x32xf32, #tpu.memory_space<vmem_shared>>)
      %lt3A_252 = arith.cmpi slt, %add3A_245, %select_n3A_2 : i32
      %convert_element_type3A_253 = arith.extui %lt3A_252 : i1 to i32
      %cond3A_254 = arith.constant 0 : i32
      %cond3A_255 = arith.cmpi ne, %convert_element_type3A_253, %cond3A_254 : i32
      scf.if %cond3A_255 {
        %dma_start3A_312 = arith.constant 0 : i32
        %dma_start3A_313 = tpu.memref_slice %arg7[%add3A_245, %dma_start3A_312] : memref<136x128xi32, #tpu.memory_space<vmem>> -> memref<1x128xi32, #tpu.memory_space<vmem>>
        %dma_start3A_314 = tpu.memref_squeeze %dma_start3A_313 : memref<1x128xi32, #tpu.memory_space<vmem>> -> memref<128xi32, #tpu.memory_space<vmem>>
        %dma_start3A_315 = arith.constant 0 : i32
        %dma_start3A_316 = arith.constant 0 : i32
        %dma_start3A_317 = tpu.memref_slice %arg2[%dma_start3A_315, %dma_start3A_316] : memref<10000x32xf32, #tpu.memory_space<hbm>> -> memref<10000x32xf32, #tpu.memory_space<hbm>>
        tpu.enqueue_indirect_dma source(%dma_start3A_317 : memref<10000x32xf32, #tpu.memory_space<hbm>>) target(%arg12 : memref<128x32xf32, #tpu.memory_space<vmem>>) offsets(%dma_start3A_314 : memref<128xi32, #tpu.memory_space<vmem>>) semaphore(%arg21 : memref<!tpu.dma_semaphore, #tpu.memory_space<semaphore_mem>>)
      } else {
      }
      %add3A_256 = arith.constant 4 : i32
      %add3A_257 = arith.addi %mul3A_92, %add3A_256 : i32
      %add3A_258 = arith.constant 8 : i32
      %add3A_259 = arith.addi %add3A_257, %add3A_258 : i32
      %dma_wait3A_260 = arith.constant 0 : i32
      %dma_wait3A_261 = tpu.memref_slice %arg8[%add3A_257, %dma_wait3A_260] : memref<136x128xi32, #tpu.memory_space<vmem>> -> memref<1x128xi32, #tpu.memory_space<vmem>>
      %dma_wait3A_262 = tpu.memref_squeeze %dma_wait3A_261 : memref<1x128xi32, #tpu.memory_space<vmem>> -> memref<128xi32, #tpu.memory_space<vmem>>
      %dma_wait3A_263 = arith.constant 0 : i32
      %dma_wait3A_264 = arith.constant 0 : i32
      %dma_wait3A_265 = tpu.memref_slice %arg17[%dma_wait3A_263, %dma_wait3A_264] : memref<10112x32xf32, #tpu.memory_space<vmem_shared>> -> memref<10112x32xf32, #tpu.memory_space<vmem_shared>>
      tpu.wait_indirect_dma semaphore(%arg30 : memref<!tpu.dma_semaphore, #tpu.memory_space<semaphore_mem>>) src(%arg13 : memref<128x32xf32, #tpu.memory_space<vmem>>) dst(%dma_wait3A_265 : memref<10112x32xf32, #tpu.memory_space<vmem_shared>>)
      %lt3A_266 = arith.cmpi slt, %add3A_259, %select_n3A_2 : i32
      %convert_element_type3A_267 = arith.extui %lt3A_266 : i1 to i32
      %cond3A_268 = arith.constant 0 : i32
      %cond3A_269 = arith.cmpi ne, %convert_element_type3A_267, %cond3A_268 : i32
      scf.if %cond3A_269 {
        %dma_start3A_312 = arith.constant 0 : i32
        %dma_start3A_313 = tpu.memref_slice %arg7[%add3A_259, %dma_start3A_312] : memref<136x128xi32, #tpu.memory_space<vmem>> -> memref<1x128xi32, #tpu.memory_space<vmem>>
        %dma_start3A_314 = tpu.memref_squeeze %dma_start3A_313 : memref<1x128xi32, #tpu.memory_space<vmem>> -> memref<128xi32, #tpu.memory_space<vmem>>
        %dma_start3A_315 = arith.constant 0 : i32
        %dma_start3A_316 = arith.constant 0 : i32
        %dma_start3A_317 = tpu.memref_slice %arg2[%dma_start3A_315, %dma_start3A_316] : memref<10000x32xf32, #tpu.memory_space<hbm>> -> memref<10000x32xf32, #tpu.memory_space<hbm>>
        tpu.enqueue_indirect_dma source(%dma_start3A_317 : memref<10000x32xf32, #tpu.memory_space<hbm>>) target(%arg13 : memref<128x32xf32, #tpu.memory_space<vmem>>) offsets(%dma_start3A_314 : memref<128xi32, #tpu.memory_space<vmem>>) semaphore(%arg22 : memref<!tpu.dma_semaphore, #tpu.memory_space<semaphore_mem>>)
      } else {
      }
      %add3A_270 = arith.constant 5 : i32
      %add3A_271 = arith.addi %mul3A_92, %add3A_270 : i32
      %add3A_272 = arith.constant 8 : i32
      %add3A_273 = arith.addi %add3A_271, %add3A_272 : i32
      %dma_wait3A_274 = arith.constant 0 : i32
      %dma_wait3A_275 = tpu.memref_slice %arg8[%add3A_271, %dma_wait3A_274] : memref<136x128xi32, #tpu.memory_space<vmem>> -> memref<1x128xi32, #tpu.memory_space<vmem>>
      %dma_wait3A_276 = tpu.memref_squeeze %dma_wait3A_275 : memref<1x128xi32, #tpu.memory_space<vmem>> -> memref<128xi32, #tpu.memory_space<vmem>>
      %dma_wait3A_277 = arith.constant 0 : i32
      %dma_wait3A_278 = arith.constant 0 : i32
      %dma_wait3A_279 = tpu.memref_slice %arg17[%dma_wait3A_277, %dma_wait3A_278] : memref<10112x32xf32, #tpu.memory_space<vmem_shared>> -> memref<10112x32xf32, #tpu.memory_space<vmem_shared>>
      tpu.wait_indirect_dma semaphore(%arg31 : memref<!tpu.dma_semaphore, #tpu.memory_space<semaphore_mem>>) src(%arg14 : memref<128x32xf32, #tpu.memory_space<vmem>>) dst(%dma_wait3A_279 : memref<10112x32xf32, #tpu.memory_space<vmem_shared>>)
      %lt3A_280 = arith.cmpi slt, %add3A_273, %select_n3A_2 : i32
      %convert_element_type3A_281 = arith.extui %lt3A_280 : i1 to i32
      %cond3A_282 = arith.constant 0 : i32
      %cond3A_283 = arith.cmpi ne, %convert_element_type3A_281, %cond3A_282 : i32
      scf.if %cond3A_283 {
        %dma_start3A_312 = arith.constant 0 : i32
        %dma_start3A_313 = tpu.memref_slice %arg7[%add3A_273, %dma_start3A_312] : memref<136x128xi32, #tpu.memory_space<vmem>> -> memref<1x128xi32, #tpu.memory_space<vmem>>
        %dma_start3A_314 = tpu.memref_squeeze %dma_start3A_313 : memref<1x128xi32, #tpu.memory_space<vmem>> -> memref<128xi32, #tpu.memory_space<vmem>>
        %dma_start3A_315 = arith.constant 0 : i32
        %dma_start3A_316 = arith.constant 0 : i32
        %dma_start3A_317 = tpu.memref_slice %arg2[%dma_start3A_315, %dma_start3A_316] : memref<10000x32xf32, #tpu.memory_space<hbm>> -> memref<10000x32xf32, #tpu.memory_space<hbm>>
        tpu.enqueue_indirect_dma source(%dma_start3A_317 : memref<10000x32xf32, #tpu.memory_space<hbm>>) target(%arg14 : memref<128x32xf32, #tpu.memory_space<vmem>>) offsets(%dma_start3A_314 : memref<128xi32, #tpu.memory_space<vmem>>) semaphore(%arg23 : memref<!tpu.dma_semaphore, #tpu.memory_space<semaphore_mem>>)
      } else {
      }
      %add3A_284 = arith.constant 6 : i32
      %add3A_285 = arith.addi %mul3A_92, %add3A_284 : i32
      %add3A_286 = arith.constant 8 : i32
      %add3A_287 = arith.addi %add3A_285, %add3A_286 : i32
      %dma_wait3A_288 = arith.constant 0 : i32
      %dma_wait3A_289 = tpu.memref_slice %arg8[%add3A_285, %dma_wait3A_288] : memref<136x128xi32, #tpu.memory_space<vmem>> -> memref<1x128xi32, #tpu.memory_space<vmem>>
      %dma_wait3A_290 = tpu.memref_squeeze %dma_wait3A_289 : memref<1x128xi32, #tpu.memory_space<vmem>> -> memref<128xi32, #tpu.memory_space<vmem>>
      %dma_wait3A_291 = arith.constant 0 : i32
      %dma_wait3A_292 = arith.constant 0 : i32
      %dma_wait3A_293 = tpu.memref_slice %arg17[%dma_wait3A_291, %dma_wait3A_292] : memref<10112x32xf32, #tpu.memory_space<vmem_shared>> -> memref<10112x32xf32, #tpu.memory_space<vmem_shared>>
      tpu.wait_indirect_dma semaphore(%arg32 : memref<!tpu.dma_semaphore, #tpu.memory_space<semaphore_mem>>) src(%arg15 : memref<128x32xf32, #tpu.memory_space<vmem>>) dst(%dma_wait3A_293 : memref<10112x32xf32, #tpu.memory_space<vmem_shared>>)
      %lt3A_294 = arith.cmpi slt, %add3A_287, %select_n3A_2 : i32
      %convert_element_type3A_295 = arith.extui %lt3A_294 : i1 to i32
      %cond3A_296 = arith.constant 0 : i32
      %cond3A_297 = arith.cmpi ne, %convert_element_type3A_295, %cond3A_296 : i32
      scf.if %cond3A_297 {
        %dma_start3A_312 = arith.constant 0 : i32
        %dma_start3A_313 = tpu.memref_slice %arg7[%add3A_287, %dma_start3A_312] : memref<136x128xi32, #tpu.memory_space<vmem>> -> memref<1x128xi32, #tpu.memory_space<vmem>>
        %dma_start3A_314 = tpu.memref_squeeze %dma_start3A_313 : memref<1x128xi32, #tpu.memory_space<vmem>> -> memref<128xi32, #tpu.memory_space<vmem>>
        %dma_start3A_315 = arith.constant 0 : i32
        %dma_start3A_316 = arith.constant 0 : i32
        %dma_start3A_317 = tpu.memref_slice %arg2[%dma_start3A_315, %dma_start3A_316] : memref<10000x32xf32, #tpu.memory_space<hbm>> -> memref<10000x32xf32, #tpu.memory_space<hbm>>
        tpu.enqueue_indirect_dma source(%dma_start3A_317 : memref<10000x32xf32, #tpu.memory_space<hbm>>) target(%arg15 : memref<128x32xf32, #tpu.memory_space<vmem>>) offsets(%dma_start3A_314 : memref<128xi32, #tpu.memory_space<vmem>>) semaphore(%arg24 : memref<!tpu.dma_semaphore, #tpu.memory_space<semaphore_mem>>)
      } else {
      }
      %add3A_298 = arith.constant 7 : i32
      %add3A_299 = arith.addi %mul3A_92, %add3A_298 : i32
      %add3A_300 = arith.constant 8 : i32
      %add3A_301 = arith.addi %add3A_299, %add3A_300 : i32
      %dma_wait3A_302 = arith.constant 0 : i32
      %dma_wait3A_303 = tpu.memref_slice %arg8[%add3A_299, %dma_wait3A_302] : memref<136x128xi32, #tpu.memory_space<vmem>> -> memref<1x128xi32, #tpu.memory_space<vmem>>
      %dma_wait3A_304 = tpu.memref_squeeze %dma_wait3A_303 : memref<1x128xi32, #tpu.memory_space<vmem>> -> memref<128xi32, #tpu.memory_space<vmem>>
      %dma_wait3A_305 = arith.constant 0 : i32
      %dma_wait3A_306 = arith.constant 0 : i32
      %dma_wait3A_307 = tpu.memref_slice %arg17[%dma_wait3A_305, %dma_wait3A_306] : memref<10112x32xf32, #tpu.memory_space<vmem_shared>> -> memref<10112x32xf32, #tpu.memory_space<vmem_shared>>
      tpu.wait_indirect_dma semaphore(%arg33 : memref<!tpu.dma_semaphore, #tpu.memory_space<semaphore_mem>>) src(%arg16 : memref<128x32xf32, #tpu.memory_space<vmem>>) dst(%dma_wait3A_307 : memref<10112x32xf32, #tpu.memory_space<vmem_shared>>)
      %lt3A_308 = arith.cmpi slt, %add3A_301, %select_n3A_2 : i32
      %convert_element_type3A_309 = arith.extui %lt3A_308 : i1 to i32
      %cond3A_310 = arith.constant 0 : i32
      %cond3A_311 = arith.cmpi ne, %convert_element_type3A_309, %cond3A_310 : i32
      scf.if %cond3A_311 {
        %dma_start3A_312 = arith.constant 0 : i32
        %dma_start3A_313 = tpu.memref_slice %arg7[%add3A_301, %dma_start3A_312] : memref<136x128xi32, #tpu.memory_space<vmem>> -> memref<1x128xi32, #tpu.memory_space<vmem>>
        %dma_start3A_314 = tpu.memref_squeeze %dma_start3A_313 : memref<1x128xi32, #tpu.memory_space<vmem>> -> memref<128xi32, #tpu.memory_space<vmem>>
        %dma_start3A_315 = arith.constant 0 : i32
        %dma_start3A_316 = arith.constant 0 : i32
        %dma_start3A_317 = tpu.memref_slice %arg2[%dma_start3A_315, %dma_start3A_316] : memref<10000x32xf32, #tpu.memory_space<hbm>> -> memref<10000x32xf32, #tpu.memory_space<hbm>>
        tpu.enqueue_indirect_dma source(%dma_start3A_317 : memref<10000x32xf32, #tpu.memory_space<hbm>>) target(%arg16 : memref<128x32xf32, #tpu.memory_space<vmem>>) offsets(%dma_start3A_314 : memref<128xi32, #tpu.memory_space<vmem>>) semaphore(%arg25 : memref<!tpu.dma_semaphore, #tpu.memory_space<semaphore_mem>>)
      } else {
      }
    }
    %while3A_84 = arith.constant 1 : i32
    scf.for %while3A_90 = %while3A_82 to %while3A_78 step %while3A_84  : i32 {
      %mul3A_91 = arith.constant 8 : i32
      %mul3A_92 = arith.muli %while3A_90, %mul3A_91 : i32
      %add3A = arith.constant 0 : i32
      %add3A_93 = arith.addi %mul3A_92, %add3A : i32
      %dma_wait3A = arith.constant 0 : i32
      %dma_wait3A_94 = tpu.memref_slice %arg7[%add3A_93, %dma_wait3A] : memref<136x128xi32, #tpu.memory_space<vmem>> -> memref<1x128xi32, #tpu.memory_space<vmem>>
      %dma_wait3A_95 = tpu.memref_squeeze %dma_wait3A_94 : memref<1x128xi32, #tpu.memory_space<vmem>> -> memref<128xi32, #tpu.memory_space<vmem>>
      %dma_wait3A_96 = arith.constant 0 : i32
      %dma_wait3A_97 = arith.constant 0 : i32
      %dma_wait3A_98 = tpu.memref_slice %arg2[%dma_wait3A_96, %dma_wait3A_97] : memref<10000x32xf32, #tpu.memory_space<hbm>> -> memref<10000x32xf32, #tpu.memory_space<hbm>>
      tpu.wait_indirect_dma semaphore(%arg18 : memref<!tpu.dma_semaphore, #tpu.memory_space<semaphore_mem>>) src(%dma_wait3A_98 : memref<10000x32xf32, #tpu.memory_space<hbm>>) dst(%arg9 : memref<128x32xf32, #tpu.memory_space<vmem>>)
      %dma_start3A_99 = arith.constant 0 : i32
      %dma_start3A_100 = tpu.memref_slice %arg8[%add3A_93, %dma_start3A_99] : memref<136x128xi32, #tpu.memory_space<vmem>> -> memref<1x128xi32, #tpu.memory_space<vmem>>
      %dma_start3A_101 = tpu.memref_squeeze %dma_start3A_100 : memref<1x128xi32, #tpu.memory_space<vmem>> -> memref<128xi32, #tpu.memory_space<vmem>>
      %dma_start3A_102 = arith.constant 0 : i32
      %dma_start3A_103 = arith.constant 0 : i32
      %dma_start3A_104 = tpu.memref_slice %arg17[%dma_start3A_102, %dma_start3A_103] : memref<10112x32xf32, #tpu.memory_space<vmem_shared>> -> memref<10112x32xf32, #tpu.memory_space<vmem_shared>>
      tpu.enqueue_indirect_dma source(%arg9 : memref<128x32xf32, #tpu.memory_space<vmem>>) target(%dma_start3A_104 : memref<10112x32xf32, #tpu.memory_space<vmem_shared>>) offsets(%dma_start3A_101 : memref<128xi32, #tpu.memory_space<vmem>>) semaphore(%arg26 : memref<!tpu.dma_semaphore, #tpu.memory_space<semaphore_mem>>) {add = true}
      %add3A_105 = arith.constant 1 : i32
      %add3A_106 = arith.addi %mul3A_92, %add3A_105 : i32
      %dma_wait3A_107 = arith.constant 0 : i32
      %dma_wait3A_108 = tpu.memref_slice %arg7[%add3A_106, %dma_wait3A_107] : memref<136x128xi32, #tpu.memory_space<vmem>> -> memref<1x128xi32, #tpu.memory_space<vmem>>
      %dma_wait3A_109 = tpu.memref_squeeze %dma_wait3A_108 : memref<1x128xi32, #tpu.memory_space<vmem>> -> memref<128xi32, #tpu.memory_space<vmem>>
      %dma_wait3A_110 = arith.constant 0 : i32
      %dma_wait3A_111 = arith.constant 0 : i32
      %dma_wait3A_112 = tpu.memref_slice %arg2[%dma_wait3A_110, %dma_wait3A_111] : memref<10000x32xf32, #tpu.memory_space<hbm>> -> memref<10000x32xf32, #tpu.memory_space<hbm>>
      tpu.wait_indirect_dma semaphore(%arg19 : memref<!tpu.dma_semaphore, #tpu.memory_space<semaphore_mem>>) src(%dma_wait3A_112 : memref<10000x32xf32, #tpu.memory_space<hbm>>) dst(%arg10 : memref<128x32xf32, #tpu.memory_space<vmem>>)
      %dma_start3A_113 = arith.constant 0 : i32
      %dma_start3A_114 = tpu.memref_slice %arg8[%add3A_106, %dma_start3A_113] : memref<136x128xi32, #tpu.memory_space<vmem>> -> memref<1x128xi32, #tpu.memory_space<vmem>>
      %dma_start3A_115 = tpu.memref_squeeze %dma_start3A_114 : memref<1x128xi32, #tpu.memory_space<vmem>> -> memref<128xi32, #tpu.memory_space<vmem>>
      %dma_start3A_116 = arith.constant 0 : i32
      %dma_start3A_117 = arith.constant 0 : i32
      %dma_start3A_118 = tpu.memref_slice %arg17[%dma_start3A_116, %dma_start3A_117] : memref<10112x32xf32, #tpu.memory_space<vmem_shared>> -> memref<10112x32xf32, #tpu.memory_space<vmem_shared>>
      tpu.enqueue_indirect_dma source(%arg10 : memref<128x32xf32, #tpu.memory_space<vmem>>) target(%dma_start3A_118 : memref<10112x32xf32, #tpu.memory_space<vmem_shared>>) offsets(%dma_start3A_115 : memref<128xi32, #tpu.memory_space<vmem>>) semaphore(%arg27 : memref<!tpu.dma_semaphore, #tpu.memory_space<semaphore_mem>>) {add = true}
      %add3A_119 = arith.constant 2 : i32
      %add3A_120 = arith.addi %mul3A_92, %add3A_119 : i32
      %dma_wait3A_121 = arith.constant 0 : i32
      %dma_wait3A_122 = tpu.memref_slice %arg7[%add3A_120, %dma_wait3A_121] : memref<136x128xi32, #tpu.memory_space<vmem>> -> memref<1x128xi32, #tpu.memory_space<vmem>>
      %dma_wait3A_123 = tpu.memref_squeeze %dma_wait3A_122 : memref<1x128xi32, #tpu.memory_space<vmem>> -> memref<128xi32, #tpu.memory_space<vmem>>
      %dma_wait3A_124 = arith.constant 0 : i32
      %dma_wait3A_125 = arith.constant 0 : i32
      %dma_wait3A_126 = tpu.memref_slice %arg2[%dma_wait3A_124, %dma_wait3A_125] : memref<10000x32xf32, #tpu.memory_space<hbm>> -> memref<10000x32xf32, #tpu.memory_space<hbm>>
      tpu.wait_indirect_dma semaphore(%arg20 : memref<!tpu.dma_semaphore, #tpu.memory_space<semaphore_mem>>) src(%dma_wait3A_126 : memref<10000x32xf32, #tpu.memory_space<hbm>>) dst(%arg11 : memref<128x32xf32, #tpu.memory_space<vmem>>)
      %dma_start3A_127 = arith.constant 0 : i32
      %dma_start3A_128 = tpu.memref_slice %arg8[%add3A_120, %dma_start3A_127] : memref<136x128xi32, #tpu.memory_space<vmem>> -> memref<1x128xi32, #tpu.memory_space<vmem>>
      %dma_start3A_129 = tpu.memref_squeeze %dma_start3A_128 : memref<1x128xi32, #tpu.memory_space<vmem>> -> memref<128xi32, #tpu.memory_space<vmem>>
      %dma_start3A_130 = arith.constant 0 : i32
      %dma_start3A_131 = arith.constant 0 : i32
      %dma_start3A_132 = tpu.memref_slice %arg17[%dma_start3A_130, %dma_start3A_131] : memref<10112x32xf32, #tpu.memory_space<vmem_shared>> -> memref<10112x32xf32, #tpu.memory_space<vmem_shared>>
      tpu.enqueue_indirect_dma source(%arg11 : memref<128x32xf32, #tpu.memory_space<vmem>>) target(%dma_start3A_132 : memref<10112x32xf32, #tpu.memory_space<vmem_shared>>) offsets(%dma_start3A_129 : memref<128xi32, #tpu.memory_space<vmem>>) semaphore(%arg28 : memref<!tpu.dma_semaphore, #tpu.memory_space<semaphore_mem>>) {add = true}
      %add3A_133 = arith.constant 3 : i32
      %add3A_134 = arith.addi %mul3A_92, %add3A_133 : i32
      %dma_wait3A_135 = arith.constant 0 : i32
      %dma_wait3A_136 = tpu.memref_slice %arg7[%add3A_134, %dma_wait3A_135] : memref<136x128xi32, #tpu.memory_space<vmem>> -> memref<1x128xi32, #tpu.memory_space<vmem>>
      %dma_wait3A_137 = tpu.memref_squeeze %dma_wait3A_136 : memref<1x128xi32, #tpu.memory_space<vmem>> -> memref<128xi32, #tpu.memory_space<vmem>>
      %dma_wait3A_138 = arith.constant 0 : i32
      %dma_wait3A_139 = arith.constant 0 : i32
      %dma_wait3A_140 = tpu.memref_slice %arg2[%dma_wait3A_138, %dma_wait3A_139] : memref<10000x32xf32, #tpu.memory_space<hbm>> -> memref<10000x32xf32, #tpu.memory_space<hbm>>
      tpu.wait_indirect_dma semaphore(%arg21 : memref<!tpu.dma_semaphore, #tpu.memory_space<semaphore_mem>>) src(%dma_wait3A_140 : memref<10000x32xf32, #tpu.memory_space<hbm>>) dst(%arg12 : memref<128x32xf32, #tpu.memory_space<vmem>>)
      %dma_start3A_141 = arith.constant 0 : i32
      %dma_start3A_142 = tpu.memref_slice %arg8[%add3A_134, %dma_start3A_141] : memref<136x128xi32, #tpu.memory_space<vmem>> -> memref<1x128xi32, #tpu.memory_space<vmem>>
      %dma_start3A_143 = tpu.memref_squeeze %dma_start3A_142 : memref<1x128xi32, #tpu.memory_space<vmem>> -> memref<128xi32, #tpu.memory_space<vmem>>
      %dma_start3A_144 = arith.constant 0 : i32
      %dma_start3A_145 = arith.constant 0 : i32
      %dma_start3A_146 = tpu.memref_slice %arg17[%dma_start3A_144, %dma_start3A_145] : memref<10112x32xf32, #tpu.memory_space<vmem_shared>> -> memref<10112x32xf32, #tpu.memory_space<vmem_shared>>
      tpu.enqueue_indirect_dma source(%arg12 : memref<128x32xf32, #tpu.memory_space<vmem>>) target(%dma_start3A_146 : memref<10112x32xf32, #tpu.memory_space<vmem_shared>>) offsets(%dma_start3A_143 : memref<128xi32, #tpu.memory_space<vmem>>) semaphore(%arg29 : memref<!tpu.dma_semaphore, #tpu.memory_space<semaphore_mem>>) {add = true}
      %add3A_147 = arith.constant 4 : i32
      %add3A_148 = arith.addi %mul3A_92, %add3A_147 : i32
      %dma_wait3A_149 = arith.constant 0 : i32
      %dma_wait3A_150 = tpu.memref_slice %arg7[%add3A_148, %dma_wait3A_149] : memref<136x128xi32, #tpu.memory_space<vmem>> -> memref<1x128xi32, #tpu.memory_space<vmem>>
      %dma_wait3A_151 = tpu.memref_squeeze %dma_wait3A_150 : memref<1x128xi32, #tpu.memory_space<vmem>> -> memref<128xi32, #tpu.memory_space<vmem>>
      %dma_wait3A_152 = arith.constant 0 : i32
      %dma_wait3A_153 = arith.constant 0 : i32
      %dma_wait3A_154 = tpu.memref_slice %arg2[%dma_wait3A_152, %dma_wait3A_153] : memref<10000x32xf32, #tpu.memory_space<hbm>> -> memref<10000x32xf32, #tpu.memory_space<hbm>>
      tpu.wait_indirect_dma semaphore(%arg22 : memref<!tpu.dma_semaphore, #tpu.memory_space<semaphore_mem>>) src(%dma_wait3A_154 : memref<10000x32xf32, #tpu.memory_space<hbm>>) dst(%arg13 : memref<128x32xf32, #tpu.memory_space<vmem>>)
      %dma_start3A_155 = arith.constant 0 : i32
      %dma_start3A_156 = tpu.memref_slice %arg8[%add3A_148, %dma_start3A_155] : memref<136x128xi32, #tpu.memory_space<vmem>> -> memref<1x128xi32, #tpu.memory_space<vmem>>
      %dma_start3A_157 = tpu.memref_squeeze %dma_start3A_156 : memref<1x128xi32, #tpu.memory_space<vmem>> -> memref<128xi32, #tpu.memory_space<vmem>>
      %dma_start3A_158 = arith.constant 0 : i32
      %dma_start3A_159 = arith.constant 0 : i32
      %dma_start3A_160 = tpu.memref_slice %arg17[%dma_start3A_158, %dma_start3A_159] : memref<10112x32xf32, #tpu.memory_space<vmem_shared>> -> memref<10112x32xf32, #tpu.memory_space<vmem_shared>>
      tpu.enqueue_indirect_dma source(%arg13 : memref<128x32xf32, #tpu.memory_space<vmem>>) target(%dma_start3A_160 : memref<10112x32xf32, #tpu.memory_space<vmem_shared>>) offsets(%dma_start3A_157 : memref<128xi32, #tpu.memory_space<vmem>>) semaphore(%arg30 : memref<!tpu.dma_semaphore, #tpu.memory_space<semaphore_mem>>) {add = true}
      %add3A_161 = arith.constant 5 : i32
      %add3A_162 = arith.addi %mul3A_92, %add3A_161 : i32
      %dma_wait3A_163 = arith.constant 0 : i32
      %dma_wait3A_164 = tpu.memref_slice %arg7[%add3A_162, %dma_wait3A_163] : memref<136x128xi32, #tpu.memory_space<vmem>> -> memref<1x128xi32, #tpu.memory_space<vmem>>
      %dma_wait3A_165 = tpu.memref_squeeze %dma_wait3A_164 : memref<1x128xi32, #tpu.memory_space<vmem>> -> memref<128xi32, #tpu.memory_space<vmem>>
      %dma_wait3A_166 = arith.constant 0 : i32
      %dma_wait3A_167 = arith.constant 0 : i32
      %dma_wait3A_168 = tpu.memref_slice %arg2[%dma_wait3A_166, %dma_wait3A_167] : memref<10000x32xf32, #tpu.memory_space<hbm>> -> memref<10000x32xf32, #tpu.memory_space<hbm>>
      tpu.wait_indirect_dma semaphore(%arg23 : memref<!tpu.dma_semaphore, #tpu.memory_space<semaphore_mem>>) src(%dma_wait3A_168 : memref<10000x32xf32, #tpu.memory_space<hbm>>) dst(%arg14 : memref<128x32xf32, #tpu.memory_space<vmem>>)
      %dma_start3A_169 = arith.constant 0 : i32
      %dma_start3A_170 = tpu.memref_slice %arg8[%add3A_162, %dma_start3A_169] : memref<136x128xi32, #tpu.memory_space<vmem>> -> memref<1x128xi32, #tpu.memory_space<vmem>>
      %dma_start3A_171 = tpu.memref_squeeze %dma_start3A_170 : memref<1x128xi32, #tpu.memory_space<vmem>> -> memref<128xi32, #tpu.memory_space<vmem>>
      %dma_start3A_172 = arith.constant 0 : i32
      %dma_start3A_173 = arith.constant 0 : i32
      %dma_start3A_174 = tpu.memref_slice %arg17[%dma_start3A_172, %dma_start3A_173] : memref<10112x32xf32, #tpu.memory_space<vmem_shared>> -> memref<10112x32xf32, #tpu.memory_space<vmem_shared>>
      tpu.enqueue_indirect_dma source(%arg14 : memref<128x32xf32, #tpu.memory_space<vmem>>) target(%dma_start3A_174 : memref<10112x32xf32, #tpu.memory_space<vmem_shared>>) offsets(%dma_start3A_171 : memref<128xi32, #tpu.memory_space<vmem>>) semaphore(%arg31 : memref<!tpu.dma_semaphore, #tpu.memory_space<semaphore_mem>>) {add = true}
      %add3A_175 = arith.constant 6 : i32
      %add3A_176 = arith.addi %mul3A_92, %add3A_175 : i32
      %dma_wait3A_177 = arith.constant 0 : i32
      %dma_wait3A_178 = tpu.memref_slice %arg7[%add3A_176, %dma_wait3A_177] : memref<136x128xi32, #tpu.memory_space<vmem>> -> memref<1x128xi32, #tpu.memory_space<vmem>>
      %dma_wait3A_179 = tpu.memref_squeeze %dma_wait3A_178 : memref<1x128xi32, #tpu.memory_space<vmem>> -> memref<128xi32, #tpu.memory_space<vmem>>
      %dma_wait3A_180 = arith.constant 0 : i32
      %dma_wait3A_181 = arith.constant 0 : i32
      %dma_wait3A_182 = tpu.memref_slice %arg2[%dma_wait3A_180, %dma_wait3A_181] : memref<10000x32xf32, #tpu.memory_space<hbm>> -> memref<10000x32xf32, #tpu.memory_space<hbm>>
      tpu.wait_indirect_dma semaphore(%arg24 : memref<!tpu.dma_semaphore, #tpu.memory_space<semaphore_mem>>) src(%dma_wait3A_182 : memref<10000x32xf32, #tpu.memory_space<hbm>>) dst(%arg15 : memref<128x32xf32, #tpu.memory_space<vmem>>)
      %dma_start3A_183 = arith.constant 0 : i32
      %dma_start3A_184 = tpu.memref_slice %arg8[%add3A_176, %dma_start3A_183] : memref<136x128xi32, #tpu.memory_space<vmem>> -> memref<1x128xi32, #tpu.memory_space<vmem>>
      %dma_start3A_185 = tpu.memref_squeeze %dma_start3A_184 : memref<1x128xi32, #tpu.memory_space<vmem>> -> memref<128xi32, #tpu.memory_space<vmem>>
      %dma_start3A_186 = arith.constant 0 : i32
      %dma_start3A_187 = arith.constant 0 : i32
      %dma_start3A_188 = tpu.memref_slice %arg17[%dma_start3A_186, %dma_start3A_187] : memref<10112x32xf32, #tpu.memory_space<vmem_shared>> -> memref<10112x32xf32, #tpu.memory_space<vmem_shared>>
      tpu.enqueue_indirect_dma source(%arg15 : memref<128x32xf32, #tpu.memory_space<vmem>>) target(%dma_start3A_188 : memref<10112x32xf32, #tpu.memory_space<vmem_shared>>) offsets(%dma_start3A_185 : memref<128xi32, #tpu.memory_space<vmem>>) semaphore(%arg32 : memref<!tpu.dma_semaphore, #tpu.memory_space<semaphore_mem>>) {add = true}
      %add3A_189 = arith.constant 7 : i32
      %add3A_190 = arith.addi %mul3A_92, %add3A_189 : i32
      %dma_wait3A_191 = arith.constant 0 : i32
      %dma_wait3A_192 = tpu.memref_slice %arg7[%add3A_190, %dma_wait3A_191] : memref<136x128xi32, #tpu.memory_space<vmem>> -> memref<1x128xi32, #tpu.memory_space<vmem>>
      %dma_wait3A_193 = tpu.memref_squeeze %dma_wait3A_192 : memref<1x128xi32, #tpu.memory_space<vmem>> -> memref<128xi32, #tpu.memory_space<vmem>>
      %dma_wait3A_194 = arith.constant 0 : i32
      %dma_wait3A_195 = arith.constant 0 : i32
      %dma_wait3A_196 = tpu.memref_slice %arg2[%dma_wait3A_194, %dma_wait3A_195] : memref<10000x32xf32, #tpu.memory_space<hbm>> -> memref<10000x32xf32, #tpu.memory_space<hbm>>
      tpu.wait_indirect_dma semaphore(%arg25 : memref<!tpu.dma_semaphore, #tpu.memory_space<semaphore_mem>>) src(%dma_wait3A_196 : memref<10000x32xf32, #tpu.memory_space<hbm>>) dst(%arg16 : memref<128x32xf32, #tpu.memory_space<vmem>>)
      %dma_start3A_197 = arith.constant 0 : i32
      %dma_start3A_198 = tpu.memref_slice %arg8[%add3A_190, %dma_start3A_197] : memref<136x128xi32, #tpu.memory_space<vmem>> -> memref<1x128xi32, #tpu.memory_space<vmem>>
      %dma_start3A_199 = tpu.memref_squeeze %dma_start3A_198 : memref<1x128xi32, #tpu.memory_space<vmem>> -> memref<128xi32, #tpu.memory_space<vmem>>
      %dma_start3A_200 = arith.constant 0 : i32
      %dma_start3A_201 = arith.constant 0 : i32
      %dma_start3A_202 = tpu.memref_slice %arg17[%dma_start3A_200, %dma_start3A_201] : memref<10112x32xf32, #tpu.memory_space<vmem_shared>> -> memref<10112x32xf32, #tpu.memory_space<vmem_shared>>
      tpu.enqueue_indirect_dma source(%arg16 : memref<128x32xf32, #tpu.memory_space<vmem>>) target(%dma_start3A_202 : memref<10112x32xf32, #tpu.memory_space<vmem_shared>>) offsets(%dma_start3A_199 : memref<128xi32, #tpu.memory_space<vmem>>) semaphore(%arg33 : memref<!tpu.dma_semaphore, #tpu.memory_space<semaphore_mem>>) {add = true}
      %add3A_203 = arith.constant 0 : i32
      %add3A_204 = arith.addi %mul3A_92, %add3A_203 : i32
      %add3A_205 = arith.constant 8 : i32
      %add3A_206 = arith.addi %add3A_204, %add3A_205 : i32
      %dma_wait3A_207 = arith.constant 0 : i32
      %dma_wait3A_208 = tpu.memref_slice %arg8[%add3A_204, %dma_wait3A_207] : memref<136x128xi32, #tpu.memory_space<vmem>> -> memref<1x128xi32, #tpu.memory_space<vmem>>
      %dma_wait3A_209 = tpu.memref_squeeze %dma_wait3A_208 : memref<1x128xi32, #tpu.memory_space<vmem>> -> memref<128xi32, #tpu.memory_space<vmem>>
      %dma_wait3A_210 = arith.constant 0 : i32
      %dma_wait3A_211 = arith.constant 0 : i32
      %dma_wait3A_212 = tpu.memref_slice %arg17[%dma_wait3A_210, %dma_wait3A_211] : memref<10112x32xf32, #tpu.memory_space<vmem_shared>> -> memref<10112x32xf32, #tpu.memory_space<vmem_shared>>
      tpu.wait_indirect_dma semaphore(%arg26 : memref<!tpu.dma_semaphore, #tpu.memory_space<semaphore_mem>>) src(%arg9 : memref<128x32xf32, #tpu.memory_space<vmem>>) dst(%dma_wait3A_212 : memref<10112x32xf32, #tpu.memory_space<vmem_shared>>)
      %lt3A = arith.cmpi slt, %add3A_206, %select_n3A_2 : i32
      %convert_element_type3A = arith.extui %lt3A : i1 to i32
      %cond3A = arith.constant 0 : i32
      %cond3A_213 = arith.cmpi ne, %convert_element_type3A, %cond3A : i32
      scf.if %cond3A_213 {
        %dma_start3A_312 = arith.constant 0 : i32
        %dma_start3A_313 = tpu.memref_slice %arg7[%add3A_206, %dma_start3A_312] : memref<136x128xi32, #tpu.memory_space<vmem>> -> memref<1x128xi32, #tpu.memory_space<vmem>>
        %dma_start3A_314 = tpu.memref_squeeze %dma_start3A_313 : memref<1x128xi32, #tpu.memory_space<vmem>> -> memref<128xi32, #tpu.memory_space<vmem>>
        %dma_start3A_315 = arith.constant 0 : i32
        %dma_start3A_316 = arith.constant 0 : i32
        %dma_start3A_317 = tpu.memref_slice %arg2[%dma_start3A_315, %dma_start3A_316] : memref<10000x32xf32, #tpu.memory_space<hbm>> -> memref<10000x32xf32, #tpu.memory_space<hbm>>
        tpu.enqueue_indirect_dma source(%dma_start3A_317 : memref<10000x32xf32, #tpu.memory_space<hbm>>) target(%arg9 : memref<128x32xf32, #tpu.memory_space<vmem>>) offsets(%dma_start3A_314 : memref<128xi32, #tpu.memory_space<vmem>>) semaphore(%arg18 : memref<!tpu.dma_semaphore, #tpu.memory_space<semaphore_mem>>)
      } else {
      }
      %add3A_214 = arith.constant 1 : i32
      %add3A_215 = arith.addi %mul3A_92, %add3A_214 : i32
      %add3A_216 = arith.constant 8 : i32
      %add3A_217 = arith.addi %add3A_215, %add3A_216 : i32
      %dma_wait3A_218 = arith.constant 0 : i32
      %dma_wait3A_219 = tpu.memref_slice %arg8[%add3A_215, %dma_wait3A_218] : memref<136x128xi32, #tpu.memory_space<vmem>> -> memref<1x128xi32, #tpu.memory_space<vmem>>
      %dma_wait3A_220 = tpu.memref_squeeze %dma_wait3A_219 : memref<1x128xi32, #tpu.memory_space<vmem>> -> memref<128xi32, #tpu.memory_space<vmem>>
      %dma_wait3A_221 = arith.constant 0 : i32
      %dma_wait3A_222 = arith.constant 0 : i32
      %dma_wait3A_223 = tpu.memref_slice %arg17[%dma_wait3A_221, %dma_wait3A_222] : memref<10112x32xf32, #tpu.memory_space<vmem_shared>> -> memref<10112x32xf32, #tpu.memory_space<vmem_shared>>
      tpu.wait_indirect_dma semaphore(%arg27 : memref<!tpu.dma_semaphore, #tpu.memory_space<semaphore_mem>>) src(%arg10 : memref<128x32xf32, #tpu.memory_space<vmem>>) dst(%dma_wait3A_223 : memref<10112x32xf32, #tpu.memory_space<vmem_shared>>)
      %lt3A_224 = arith.cmpi slt, %add3A_217, %select_n3A_2 : i32
      %convert_element_type3A_225 = arith.extui %lt3A_224 : i1 to i32
      %cond3A_226 = arith.constant 0 : i32
      %cond3A_227 = arith.cmpi ne, %convert_element_type3A_225, %cond3A_226 : i32
      scf.if %cond3A_227 {
        %dma_start3A_312 = arith.constant 0 : i32
        %dma_start3A_313 = tpu.memref_slice %arg7[%add3A_217, %dma_start3A_312] : memref<136x128xi32, #tpu.memory_space<vmem>> -> memref<1x128xi32, #tpu.memory_space<vmem>>
        %dma_start3A_314 = tpu.memref_squeeze %dma_start3A_313 : memref<1x128xi32, #tpu.memory_space<vmem>> -> memref<128xi32, #tpu.memory_space<vmem>>
        %dma_start3A_315 = arith.constant 0 : i32
        %dma_start3A_316 = arith.constant 0 : i32
        %dma_start3A_317 = tpu.memref_slice %arg2[%dma_start3A_315, %dma_start3A_316] : memref<10000x32xf32, #tpu.memory_space<hbm>> -> memref<10000x32xf32, #tpu.memory_space<hbm>>
        tpu.enqueue_indirect_dma source(%dma_start3A_317 : memref<10000x32xf32, #tpu.memory_space<hbm>>) target(%arg10 : memref<128x32xf32, #tpu.memory_space<vmem>>) offsets(%dma_start3A_314 : memref<128xi32, #tpu.memory_space<vmem>>) semaphore(%arg19 : memref<!tpu.dma_semaphore, #tpu.memory_space<semaphore_mem>>)
      } else {
      }
      %add3A_228 = arith.constant 2 : i32
      %add3A_229 = arith.addi %mul3A_92, %add3A_228 : i32
      %add3A_230 = arith.constant 8 : i32
      %add3A_231 = arith.addi %add3A_229, %add3A_230 : i32
      %dma_wait3A_232 = arith.constant 0 : i32
      %dma_wait3A_233 = tpu.memref_slice %arg8[%add3A_229, %dma_wait3A_232] : memref<136x128xi32, #tpu.memory_space<vmem>> -> memref<1x128xi32, #tpu.memory_space<vmem>>
      %dma_wait3A_234 = tpu.memref_squeeze %dma_wait3A_233 : memref<1x128xi32, #tpu.memory_space<vmem>> -> memref<128xi32, #tpu.memory_space<vmem>>
      %dma_wait3A_235 = arith.constant 0 : i32
      %dma_wait3A_236 = arith.constant 0 : i32
      %dma_wait3A_237 = tpu.memref_slice %arg17[%dma_wait3A_235, %dma_wait3A_236] : memref<10112x32xf32, #tpu.memory_space<vmem_shared>> -> memref<10112x32xf32, #tpu.memory_space<vmem_shared>>
      tpu.wait_indirect_dma semaphore(%arg28 : memref<!tpu.dma_semaphore, #tpu.memory_space<semaphore_mem>>) src(%arg11 : memref<128x32xf32, #tpu.memory_space<vmem>>) dst(%dma_wait3A_237 : memref<10112x32xf32, #tpu.memory_space<vmem_shared>>)
      %lt3A_238 = arith.cmpi slt, %add3A_231, %select_n3A_2 : i32
      %convert_element_type3A_239 = arith.extui %lt3A_238 : i1 to i32
      %cond3A_240 = arith.constant 0 : i32
      %cond3A_241 = arith.cmpi ne, %convert_element_type3A_239, %cond3A_240 : i32
      scf.if %cond3A_241 {
        %dma_start3A_312 = arith.constant 0 : i32
        %dma_start3A_313 = tpu.memref_slice %arg7[%add3A_231, %dma_start3A_312] : memref<136x128xi32, #tpu.memory_space<vmem>> -> memref<1x128xi32, #tpu.memory_space<vmem>>
        %dma_start3A_314 = tpu.memref_squeeze %dma_start3A_313 : memref<1x128xi32, #tpu.memory_space<vmem>> -> memref<128xi32, #tpu.memory_space<vmem>>
        %dma_start3A_315 = arith.constant 0 : i32
        %dma_start3A_316 = arith.constant 0 : i32
        %dma_start3A_317 = tpu.memref_slice %arg2[%dma_start3A_315, %dma_start3A_316] : memref<10000x32xf32, #tpu.memory_space<hbm>> -> memref<10000x32xf32, #tpu.memory_space<hbm>>
        tpu.enqueue_indirect_dma source(%dma_start3A_317 : memref<10000x32xf32, #tpu.memory_space<hbm>>) target(%arg11 : memref<128x32xf32, #tpu.memory_space<vmem>>) offsets(%dma_start3A_314 : memref<128xi32, #tpu.memory_space<vmem>>) semaphore(%arg20 : memref<!tpu.dma_semaphore, #tpu.memory_space<semaphore_mem>>)
      } else {
      }
      %add3A_242 = arith.constant 3 : i32
      %add3A_243 = arith.addi %mul3A_92, %add3A_242 : i32
      %add3A_244 = arith.constant 8 : i32
      %add3A_245 = arith.addi %add3A_243, %add3A_244 : i32
      %dma_wait3A_246 = arith.constant 0 : i32
      %dma_wait3A_247 = tpu.memref_slice %arg8[%add3A_243, %dma_wait3A_246] : memref<136x128xi32, #tpu.memory_space<vmem>> -> memref<1x128xi32, #tpu.memory_space<vmem>>
      %dma_wait3A_248 = tpu.memref_squeeze %dma_wait3A_247 : memref<1x128xi32, #tpu.memory_space<vmem>> -> memref<128xi32, #tpu.memory_space<vmem>>
      %dma_wait3A_249 = arith.constant 0 : i32
      %dma_wait3A_250 = arith.constant 0 : i32
      %dma_wait3A_251 = tpu.memref_slice %arg17[%dma_wait3A_249, %dma_wait3A_250] : memref<10112x32xf32, #tpu.memory_space<vmem_shared>> -> memref<10112x32xf32, #tpu.memory_space<vmem_shared>>
      tpu.wait_indirect_dma semaphore(%arg29 : memref<!tpu.dma_semaphore, #tpu.memory_space<semaphore_mem>>) src(%arg12 : memref<128x32xf32, #tpu.memory_space<vmem>>) dst(%dma_wait3A_251 : memref<10112x32xf32, #tpu.memory_space<vmem_shared>>)
      %lt3A_252 = arith.cmpi slt, %add3A_245, %select_n3A_2 : i32
      %convert_element_type3A_253 = arith.extui %lt3A_252 : i1 to i32
      %cond3A_254 = arith.constant 0 : i32
      %cond3A_255 = arith.cmpi ne, %convert_element_type3A_253, %cond3A_254 : i32
      scf.if %cond3A_255 {
        %dma_start3A_312 = arith.constant 0 : i32
        %dma_start3A_313 = tpu.memref_slice %arg7[%add3A_245, %dma_start3A_312] : memref<136x128xi32, #tpu.memory_space<vmem>> -> memref<1x128xi32, #tpu.memory_space<vmem>>
        %dma_start3A_314 = tpu.memref_squeeze %dma_start3A_313 : memref<1x128xi32, #tpu.memory_space<vmem>> -> memref<128xi32, #tpu.memory_space<vmem>>
        %dma_start3A_315 = arith.constant 0 : i32
        %dma_start3A_316 = arith.constant 0 : i32
        %dma_start3A_317 = tpu.memref_slice %arg2[%dma_start3A_315, %dma_start3A_316] : memref<10000x32xf32, #tpu.memory_space<hbm>> -> memref<10000x32xf32, #tpu.memory_space<hbm>>
        tpu.enqueue_indirect_dma source(%dma_start3A_317 : memref<10000x32xf32, #tpu.memory_space<hbm>>) target(%arg12 : memref<128x32xf32, #tpu.memory_space<vmem>>) offsets(%dma_start3A_314 : memref<128xi32, #tpu.memory_space<vmem>>) semaphore(%arg21 : memref<!tpu.dma_semaphore, #tpu.memory_space<semaphore_mem>>)
      } else {
      }
      %add3A_256 = arith.constant 4 : i32
      %add3A_257 = arith.addi %mul3A_92, %add3A_256 : i32
      %add3A_258 = arith.constant 8 : i32
      %add3A_259 = arith.addi %add3A_257, %add3A_258 : i32
      %dma_wait3A_260 = arith.constant 0 : i32
      %dma_wait3A_261 = tpu.memref_slice %arg8[%add3A_257, %dma_wait3A_260] : memref<136x128xi32, #tpu.memory_space<vmem>> -> memref<1x128xi32, #tpu.memory_space<vmem>>
      %dma_wait3A_262 = tpu.memref_squeeze %dma_wait3A_261 : memref<1x128xi32, #tpu.memory_space<vmem>> -> memref<128xi32, #tpu.memory_space<vmem>>
      %dma_wait3A_263 = arith.constant 0 : i32
      %dma_wait3A_264 = arith.constant 0 : i32
      %dma_wait3A_265 = tpu.memref_slice %arg17[%dma_wait3A_263, %dma_wait3A_264] : memref<10112x32xf32, #tpu.memory_space<vmem_shared>> -> memref<10112x32xf32, #tpu.memory_space<vmem_shared>>
      tpu.wait_indirect_dma semaphore(%arg30 : memref<!tpu.dma_semaphore, #tpu.memory_space<semaphore_mem>>) src(%arg13 : memref<128x32xf32, #tpu.memory_space<vmem>>) dst(%dma_wait3A_265 : memref<10112x32xf32, #tpu.memory_space<vmem_shared>>)
      %lt3A_266 = arith.cmpi slt, %add3A_259, %select_n3A_2 : i32
      %convert_element_type3A_267 = arith.extui %lt3A_266 : i1 to i32
      %cond3A_268 = arith.constant 0 : i32
      %cond3A_269 = arith.cmpi ne, %convert_element_type3A_267, %cond3A_268 : i32
      scf.if %cond3A_269 {
        %dma_start3A_312 = arith.constant 0 : i32
        %dma_start3A_313 = tpu.memref_slice %arg7[%add3A_259, %dma_start3A_312] : memref<136x128xi32, #tpu.memory_space<vmem>> -> memref<1x128xi32, #tpu.memory_space<vmem>>
        %dma_start3A_314 = tpu.memref_squeeze %dma_start3A_313 : memref<1x128xi32, #tpu.memory_space<vmem>> -> memref<128xi32, #tpu.memory_space<vmem>>
        %dma_start3A_315 = arith.constant 0 : i32
        %dma_start3A_316 = arith.constant 0 : i32
        %dma_start3A_317 = tpu.memref_slice %arg2[%dma_start3A_315, %dma_start3A_316] : memref<10000x32xf32, #tpu.memory_space<hbm>> -> memref<10000x32xf32, #tpu.memory_space<hbm>>
        tpu.enqueue_indirect_dma source(%dma_start3A_317 : memref<10000x32xf32, #tpu.memory_space<hbm>>) target(%arg13 : memref<128x32xf32, #tpu.memory_space<vmem>>) offsets(%dma_start3A_314 : memref<128xi32, #tpu.memory_space<vmem>>) semaphore(%arg22 : memref<!tpu.dma_semaphore, #tpu.memory_space<semaphore_mem>>)
      } else {
      }
      %add3A_270 = arith.constant 5 : i32
      %add3A_271 = arith.addi %mul3A_92, %add3A_270 : i32
      %add3A_272 = arith.constant 8 : i32
      %add3A_273 = arith.addi %add3A_271, %add3A_272 : i32
      %dma_wait3A_274 = arith.constant 0 : i32
      %dma_wait3A_275 = tpu.memref_slice %arg8[%add3A_271, %dma_wait3A_274] : memref<136x128xi32, #tpu.memory_space<vmem>> -> memref<1x128xi32, #tpu.memory_space<vmem>>
      %dma_wait3A_276 = tpu.memref_squeeze %dma_wait3A_275 : memref<1x128xi32, #tpu.memory_space<vmem>> -> memref<128xi32, #tpu.memory_space<vmem>>
      %dma_wait3A_277 = arith.constant 0 : i32
      %dma_wait3A_278 = arith.constant 0 : i32
      %dma_wait3A_279 = tpu.memref_slice %arg17[%dma_wait3A_277, %dma_wait3A_278] : memref<10112x32xf32, #tpu.memory_space<vmem_shared>> -> memref<10112x32xf32, #tpu.memory_space<vmem_shared>>
      tpu.wait_indirect_dma semaphore(%arg31 : memref<!tpu.dma_semaphore, #tpu.memory_space<semaphore_mem>>) src(%arg14 : memref<128x32xf32, #tpu.memory_space<vmem>>) dst(%dma_wait3A_279 : memref<10112x32xf32, #tpu.memory_space<vmem_shared>>)
      %lt3A_280 = arith.cmpi slt, %add3A_273, %select_n3A_2 : i32
      %convert_element_type3A_281 = arith.extui %lt3A_280 : i1 to i32
      %cond3A_282 = arith.constant 0 : i32
      %cond3A_283 = arith.cmpi ne, %convert_element_type3A_281, %cond3A_282 : i32
      scf.if %cond3A_283 {
        %dma_start3A_312 = arith.constant 0 : i32
        %dma_start3A_313 = tpu.memref_slice %arg7[%add3A_273, %dma_start3A_312] : memref<136x128xi32, #tpu.memory_space<vmem>> -> memref<1x128xi32, #tpu.memory_space<vmem>>
        %dma_start3A_314 = tpu.memref_squeeze %dma_start3A_313 : memref<1x128xi32, #tpu.memory_space<vmem>> -> memref<128xi32, #tpu.memory_space<vmem>>
        %dma_start3A_315 = arith.constant 0 : i32
        %dma_start3A_316 = arith.constant 0 : i32
        %dma_start3A_317 = tpu.memref_slice %arg2[%dma_start3A_315, %dma_start3A_316] : memref<10000x32xf32, #tpu.memory_space<hbm>> -> memref<10000x32xf32, #tpu.memory_space<hbm>>
        tpu.enqueue_indirect_dma source(%dma_start3A_317 : memref<10000x32xf32, #tpu.memory_space<hbm>>) target(%arg14 : memref<128x32xf32, #tpu.memory_space<vmem>>) offsets(%dma_start3A_314 : memref<128xi32, #tpu.memory_space<vmem>>) semaphore(%arg23 : memref<!tpu.dma_semaphore, #tpu.memory_space<semaphore_mem>>)
      } else {
      }
      %add3A_284 = arith.constant 6 : i32
      %add3A_285 = arith.addi %mul3A_92, %add3A_284 : i32
      %add3A_286 = arith.constant 8 : i32
      %add3A_287 = arith.addi %add3A_285, %add3A_286 : i32
      %dma_wait3A_288 = arith.constant 0 : i32
      %dma_wait3A_289 = tpu.memref_slice %arg8[%add3A_285, %dma_wait3A_288] : memref<136x128xi32, #tpu.memory_space<vmem>> -> memref<1x128xi32, #tpu.memory_space<vmem>>
      %dma_wait3A_290 = tpu.memref_squeeze %dma_wait3A_289 : memref<1x128xi32, #tpu.memory_space<vmem>> -> memref<128xi32, #tpu.memory_space<vmem>>
      %dma_wait3A_291 = arith.constant 0 : i32
      %dma_wait3A_292 = arith.constant 0 : i32
      %dma_wait3A_293 = tpu.memref_slice %arg17[%dma_wait3A_291, %dma_wait3A_292] : memref<10112x32xf32, #tpu.memory_space<vmem_shared>> -> memref<10112x32xf32, #tpu.memory_space<vmem_shared>>
      tpu.wait_indirect_dma semaphore(%arg32 : memref<!tpu.dma_semaphore, #tpu.memory_space<semaphore_mem>>) src(%arg15 : memref<128x32xf32, #tpu.memory_space<vmem>>) dst(%dma_wait3A_293 : memref<10112x32xf32, #tpu.memory_space<vmem_shared>>)
      %lt3A_294 = arith.cmpi slt, %add3A_287, %select_n3A_2 : i32
      %convert_element_type3A_295 = arith.extui %lt3A_294 : i1 to i32
      %cond3A_296 = arith.constant 0 : i32
      %cond3A_297 = arith.cmpi ne, %convert_element_type3A_295, %cond3A_296 : i32
      scf.if %cond3A_297 {
        %dma_start3A_312 = arith.constant 0 : i32
        %dma_start3A_313 = tpu.memref_slice %arg7[%add3A_287, %dma_start3A_312] : memref<136x128xi32, #tpu.memory_space<vmem>> -> memref<1x128xi32, #tpu.memory_space<vmem>>
        %dma_start3A_314 = tpu.memref_squeeze %dma_start3A_313 : memref<1x128xi32, #tpu.memory_space<vmem>> -> memref<128xi32, #tpu.memory_space<vmem>>
        %dma_start3A_315 = arith.constant 0 : i32
        %dma_start3A_316 = arith.constant 0 : i32
        %dma_start3A_317 = tpu.memref_slice %arg2[%dma_start3A_315, %dma_start3A_316] : memref<10000x32xf32, #tpu.memory_space<hbm>> -> memref<10000x32xf32, #tpu.memory_space<hbm>>
        tpu.enqueue_indirect_dma source(%dma_start3A_317 : memref<10000x32xf32, #tpu.memory_space<hbm>>) target(%arg15 : memref<128x32xf32, #tpu.memory_space<vmem>>) offsets(%dma_start3A_314 : memref<128xi32, #tpu.memory_space<vmem>>) semaphore(%arg24 : memref<!tpu.dma_semaphore, #tpu.memory_space<semaphore_mem>>)
      } else {
      }
      %add3A_298 = arith.constant 7 : i32
      %add3A_299 = arith.addi %mul3A_92, %add3A_298 : i32
      %add3A_300 = arith.constant 8 : i32
      %add3A_301 = arith.addi %add3A_299, %add3A_300 : i32
      %dma_wait3A_302 = arith.constant 0 : i32
      %dma_wait3A_303 = tpu.memref_slice %arg8[%add3A_299, %dma_wait3A_302] : memref<136x128xi32, #tpu.memory_space<vmem>> -> memref<1x128xi32, #tpu.memory_space<vmem>>
      %dma_wait3A_304 = tpu.memref_squeeze %dma_wait3A_303 : memref<1x128xi32, #tpu.memory_space<vmem>> -> memref<128xi32, #tpu.memory_space<vmem>>
      %dma_wait3A_305 = arith.constant 0 : i32
      %dma_wait3A_306 = arith.constant 0 : i32
      %dma_wait3A_307 = tpu.memref_slice %arg17[%dma_wait3A_305, %dma_wait3A_306] : memref<10112x32xf32, #tpu.memory_space<vmem_shared>> -> memref<10112x32xf32, #tpu.memory_space<vmem_shared>>
      tpu.wait_indirect_dma semaphore(%arg33 : memref<!tpu.dma_semaphore, #tpu.memory_space<semaphore_mem>>) src(%arg16 : memref<128x32xf32, #tpu.memory_space<vmem>>) dst(%dma_wait3A_307 : memref<10112x32xf32, #tpu.memory_space<vmem_shared>>)
      %lt3A_308 = arith.cmpi slt, %add3A_301, %select_n3A_2 : i32
      %convert_element_type3A_309 = arith.extui %lt3A_308 : i1 to i32
      %cond3A_310 = arith.constant 0 : i32
      %cond3A_311 = arith.cmpi ne, %convert_element_type3A_309, %cond3A_310 : i32
      scf.if %cond3A_311 {
        %dma_start3A_312 = arith.constant 0 : i32
        %dma_start3A_313 = tpu.memref_slice %arg7[%add3A_301, %dma_start3A_312] : memref<136x128xi32, #tpu.memory_space<vmem>> -> memref<1x128xi32, #tpu.memory_space<vmem>>
        %dma_start3A_314 = tpu.memref_squeeze %dma_start3A_313 : memref<1x128xi32, #tpu.memory_space<vmem>> -> memref<128xi32, #tpu.memory_space<vmem>>
        %dma_start3A_315 = arith.constant 0 : i32
        %dma_start3A_316 = arith.constant 0 : i32
        %dma_start3A_317 = tpu.memref_slice %arg2[%dma_start3A_315, %dma_start3A_316] : memref<10000x32xf32, #tpu.memory_space<hbm>> -> memref<10000x32xf32, #tpu.memory_space<hbm>>
        tpu.enqueue_indirect_dma source(%dma_start3A_317 : memref<10000x32xf32, #tpu.memory_space<hbm>>) target(%arg16 : memref<128x32xf32, #tpu.memory_space<vmem>>) offsets(%dma_start3A_314 : memref<128xi32, #tpu.memory_space<vmem>>) semaphore(%arg25 : memref<!tpu.dma_semaphore, #tpu.memory_space<semaphore_mem>>)
      } else {
      }
    }
    %barrier3A_85 = arith.constant 0 : index
    tpu.barrier barrier_id(%barrier3A_85)
    %mul3A_86 = arith.constant 632 : i32
    %mul3A_87 = arith.muli %arg1, %mul3A_86 : i32
    %mul3A_88 = arith.constant 632 : i32
    %mul3A_89 = arith.muli %arg1, %mul3A_88 : i32
    "tpu.region"() ({
      %run_scoped3A = tpu.sem_alloc : memref<!tpu.dma_semaphore, #tpu.memory_space<semaphore_mem>>
      %dma_start3A_90 = arith.constant 0 : i32
      %dma_start3A_91 = tpu.memref_slice %arg6[%arg0, %mul3A_89, %dma_start3A_90] : memref<2x10112x32xf32, #tpu.memory_space<hbm>> -> memref<1x632x32xf32, #tpu.memory_space<hbm>>
      %dma_start3A_92 = tpu.memref_squeeze %dma_start3A_91 : memref<1x632x32xf32, #tpu.memory_space<hbm>> -> memref<632x32xf32, #tpu.memory_space<hbm>>
      %dma_start3A_93 = arith.constant 0 : i32
      %dma_start3A_94 = tpu.memref_slice %arg17[%mul3A_87, %dma_start3A_93] : memref<10112x32xf32, #tpu.memory_space<vmem_shared>> -> memref<632x32xf32, #tpu.memory_space<vmem_shared>>
      tpu.enqueue_dma source(%dma_start3A_94 : memref<632x32xf32, #tpu.memory_space<vmem_shared>>) target(%dma_start3A_92 : memref<632x32xf32, #tpu.memory_space<hbm>>) target_semaphore(%run_scoped3A : memref<!tpu.dma_semaphore, #tpu.memory_space<semaphore_mem>>)
      %dma_wait3A = arith.constant 0 : i32
      %dma_wait3A_95 = tpu.memref_slice %arg6[%arg0, %mul3A_89, %dma_wait3A] : memref<2x10112x32xf32, #tpu.memory_space<hbm>> -> memref<1x632x32xf32, #tpu.memory_space<hbm>>
      %dma_wait3A_96 = tpu.memref_squeeze %dma_wait3A_95 : memref<1x632x32xf32, #tpu.memory_space<hbm>> -> memref<632x32xf32, #tpu.memory_space<hbm>>
      %dma_wait3A_97 = arith.constant 0 : i32
      %dma_wait3A_98 = tpu.memref_slice %arg17[%mul3A_87, %dma_wait3A_97] : memref<10112x32xf32, #tpu.memory_space<vmem_shared>> -> memref<632x32xf32, #tpu.memory_space<vmem_shared>>
      tpu.wait_dma2 semaphore(%run_scoped3A : memref<!tpu.dma_semaphore, #tpu.memory_space<semaphore_mem>>) src(%dma_wait3A_98 : memref<632x32xf32, #tpu.memory_space<vmem_shared>>) dst(%dma_wait3A_96 : memref<632x32xf32, #tpu.memory_space<hbm>>)
      tpu.yield
    }) : () -> ()
    return
  }
}

#map = affine_map<(d0, d1) -> (0, 0, 0, 0)>
#map1 = affine_map<(d0, d1) -> (0, 0)>
#map2 = affine_map<(d0, d1) -> (0, 0, 0)>
module attributes {stable_mosaic.version = 14 : i64} {
  func.func @_deg_kernel(%arg0: i32, %arg1: i32, %arg2: memref<2x16x136x128xi32, #tpu.memory_space<hbm>>, %arg3: memref<128x16xf32, #tpu.memory_space<hbm>>, %arg4: memref<632x16xf32, #tpu.memory_space<hbm>>, %arg5: memref<2x10112x16xf32, #tpu.memory_space<hbm>>, %arg6: memref<136x128xi32, #tpu.memory_space<vmem>>, %arg7: memref<128x16xf32, #tpu.memory_space<vmem>>, %arg8: memref<10112x16xf32, #tpu.memory_space<vmem_shared>>) attributes {dimension_semantics = [#tpu.dimension_semantics<core_parallel>, #tpu.dimension_semantics<subcore_parallel>], iteration_bounds = array<i64: 2, 16>, scalar_prefetch = 0 : i64, scratch_operands = 3 : i64, tpu.core_type = #tpu.core_type<sc_vector_subcore>, window_params = [{transform_indices = #map}, {transform_indices = #map1}, {transform_indices = #map1}, {transform_indices = #map2}]} {
    %eq3A = arith.constant 0 : i32
    %eq3A_0 = arith.cmpi eq, %arg0, %eq3A : i32
    %select_n3A = arith.constant 24 : i32
    %select_n3A_1 = arith.constant 136 : i32
    %select_n3A_2 = arith.select %eq3A_0, %select_n3A_1, %select_n3A : i32
    "tpu.region"() ({
      %run_scoped3A = tpu.sem_alloc : memref<!tpu.dma_semaphore, #tpu.memory_space<semaphore_mem>>
      %dma_start3A = arith.constant 0 : i32
      %dma_start3A_18 = arith.constant 0 : i32
      %dma_start3A_19 = tpu.memref_slice %arg2[%arg0, %arg1, %dma_start3A, %dma_start3A_18] : memref<2x16x136x128xi32, #tpu.memory_space<hbm>> -> memref<1x1x136x128xi32, #tpu.memory_space<hbm>>
      %dma_start3A_20 = tpu.memref_squeeze %dma_start3A_19 : memref<1x1x136x128xi32, #tpu.memory_space<hbm>> -> memref<136x128xi32, #tpu.memory_space<hbm>>
      %dma_start3A_21 = arith.constant 0 : i32
      %dma_start3A_22 = arith.constant 0 : i32
      %dma_start3A_23 = tpu.memref_slice %arg2[%arg0, %arg1, %dma_start3A_21, %dma_start3A_22] : memref<2x16x136x128xi32, #tpu.memory_space<hbm>> -> memref<1x1x136x128xi32, #tpu.memory_space<hbm>>
      %dma_start3A_24 = tpu.memref_squeeze %dma_start3A_23 : memref<1x1x136x128xi32, #tpu.memory_space<hbm>> -> memref<136x128xi32, #tpu.memory_space<hbm>>
      tpu.enqueue_dma source(%dma_start3A_24 : memref<136x128xi32, #tpu.memory_space<hbm>>) target(%arg6 : memref<136x128xi32, #tpu.memory_space<vmem>>) target_semaphore(%run_scoped3A : memref<!tpu.dma_semaphore, #tpu.memory_space<semaphore_mem>>)
      %dma_wait3A = arith.constant 0 : i32
      %dma_wait3A_25 = arith.constant 0 : i32
      %dma_wait3A_26 = tpu.memref_slice %arg2[%arg0, %arg1, %dma_wait3A, %dma_wait3A_25] : memref<2x16x136x128xi32, #tpu.memory_space<hbm>> -> memref<1x1x136x128xi32, #tpu.memory_space<hbm>>
      %dma_wait3A_27 = tpu.memref_squeeze %dma_wait3A_26 : memref<1x1x136x128xi32, #tpu.memory_space<hbm>> -> memref<136x128xi32, #tpu.memory_space<hbm>>
      %dma_wait3A_28 = arith.constant 0 : i32
      %dma_wait3A_29 = arith.constant 0 : i32
      %dma_wait3A_30 = tpu.memref_slice %arg2[%arg0, %arg1, %dma_wait3A_28, %dma_wait3A_29] : memref<2x16x136x128xi32, #tpu.memory_space<hbm>> -> memref<1x1x136x128xi32, #tpu.memory_space<hbm>>
      %dma_wait3A_31 = tpu.memref_squeeze %dma_wait3A_30 : memref<1x1x136x128xi32, #tpu.memory_space<hbm>> -> memref<136x128xi32, #tpu.memory_space<hbm>>
      tpu.wait_dma2 semaphore(%run_scoped3A : memref<!tpu.dma_semaphore, #tpu.memory_space<semaphore_mem>>) src(%dma_wait3A_31 : memref<136x128xi32, #tpu.memory_space<hbm>>) dst(%arg6 : memref<136x128xi32, #tpu.memory_space<vmem>>)
      tpu.yield
    }) : () -> ()
    "tpu.region"() ({
      %run_scoped3A = tpu.sem_alloc : memref<!tpu.dma_semaphore, #tpu.memory_space<semaphore_mem>>
      tpu.enqueue_dma source(%arg3 : memref<128x16xf32, #tpu.memory_space<hbm>>) target(%arg7 : memref<128x16xf32, #tpu.memory_space<vmem>>) target_semaphore(%run_scoped3A : memref<!tpu.dma_semaphore, #tpu.memory_space<semaphore_mem>>)
      tpu.wait_dma2 semaphore(%run_scoped3A : memref<!tpu.dma_semaphore, #tpu.memory_space<semaphore_mem>>) src(%arg3 : memref<128x16xf32, #tpu.memory_space<hbm>>) dst(%arg7 : memref<128x16xf32, #tpu.memory_space<vmem>>)
      tpu.yield
    }) : () -> ()
    %mul3A = arith.constant 632 : i32
    %mul3A_3 = arith.muli %arg1, %mul3A : i32
    "tpu.region"() ({
      %run_scoped3A = tpu.sem_alloc : memref<!tpu.dma_semaphore, #tpu.memory_space<semaphore_mem>>
      %dma_start3A = arith.constant 0 : i32
      %dma_start3A_18 = tpu.memref_slice %arg8[%mul3A_3, %dma_start3A] : memref<10112x16xf32, #tpu.memory_space<vmem_shared>> -> memref<632x16xf32, #tpu.memory_space<vmem_shared>>
      tpu.enqueue_dma source(%arg4 : memref<632x16xf32, #tpu.memory_space<hbm>>) target(%dma_start3A_18 : memref<632x16xf32, #tpu.memory_space<vmem_shared>>) target_semaphore(%run_scoped3A : memref<!tpu.dma_semaphore, #tpu.memory_space<semaphore_mem>>)
      %dma_wait3A = arith.constant 0 : i32
      %dma_wait3A_19 = tpu.memref_slice %arg8[%mul3A_3, %dma_wait3A] : memref<10112x16xf32, #tpu.memory_space<vmem_shared>> -> memref<632x16xf32, #tpu.memory_space<vmem_shared>>
      tpu.wait_dma2 semaphore(%run_scoped3A : memref<!tpu.dma_semaphore, #tpu.memory_space<semaphore_mem>>) src(%arg4 : memref<632x16xf32, #tpu.memory_space<hbm>>) dst(%dma_wait3A_19 : memref<632x16xf32, #tpu.memory_space<vmem_shared>>)
      tpu.yield
    }) : () -> ()
    %barrier3A = arith.constant 0 : index
    tpu.barrier barrier_id(%barrier3A)
    %while3A = arith.constant 0 : i32
    %while3A_4 = arith.constant 0 : i32
    %while3A_5 = arith.subi %select_n3A_2, %while3A_4 : i32
    %while3A_6 = arith.addi %while3A_4, %while3A_5 : i32
    %while3A_7 = arith.constant 1 : i32
    %while3A_8 = arith.divsi %while3A_5, %while3A_7 : i32
    %while3A_9 = arith.muli %while3A_8, %while3A_7 : i32
    %while3A_10 = arith.addi %while3A_4, %while3A_9 : i32
    %while3A_11 = arith.constant 1 : i32
    scf.for %while3A_18 = %while3A_4 to %while3A_10 step %while3A_11  : i32 {
      "tpu.region"() ({
        %run_scoped3A = tpu.sem_alloc : memref<!tpu.dma_semaphore, #tpu.memory_space<semaphore_mem>>
        %dma_start3A = arith.constant 0 : i32
        %dma_start3A_19 = tpu.memref_slice %arg6[%while3A_18, %dma_start3A] : memref<136x128xi32, #tpu.memory_space<vmem>> -> memref<1x128xi32, #tpu.memory_space<vmem>>
        %dma_start3A_20 = tpu.memref_squeeze %dma_start3A_19 : memref<1x128xi32, #tpu.memory_space<vmem>> -> memref<128xi32, #tpu.memory_space<vmem>>
        %dma_start3A_21 = arith.constant 0 : i32
        %dma_start3A_22 = arith.constant 0 : i32
        %dma_start3A_23 = tpu.memref_slice %arg8[%dma_start3A_21, %dma_start3A_22] : memref<10112x16xf32, #tpu.memory_space<vmem_shared>> -> memref<10112x16xf32, #tpu.memory_space<vmem_shared>>
        tpu.enqueue_indirect_dma source(%arg7 : memref<128x16xf32, #tpu.memory_space<vmem>>) target(%dma_start3A_23 : memref<10112x16xf32, #tpu.memory_space<vmem_shared>>) offsets(%dma_start3A_20 : memref<128xi32, #tpu.memory_space<vmem>>) semaphore(%run_scoped3A : memref<!tpu.dma_semaphore, #tpu.memory_space<semaphore_mem>>) {add = true}
        %dma_wait3A = arith.constant 0 : i32
        %dma_wait3A_24 = tpu.memref_slice %arg6[%while3A_18, %dma_wait3A] : memref<136x128xi32, #tpu.memory_space<vmem>> -> memref<1x128xi32, #tpu.memory_space<vmem>>
        %dma_wait3A_25 = tpu.memref_squeeze %dma_wait3A_24 : memref<1x128xi32, #tpu.memory_space<vmem>> -> memref<128xi32, #tpu.memory_space<vmem>>
        %dma_wait3A_26 = arith.constant 0 : i32
        %dma_wait3A_27 = arith.constant 0 : i32
        %dma_wait3A_28 = tpu.memref_slice %arg8[%dma_wait3A_26, %dma_wait3A_27] : memref<10112x16xf32, #tpu.memory_space<vmem_shared>> -> memref<10112x16xf32, #tpu.memory_space<vmem_shared>>
        tpu.wait_indirect_dma semaphore(%run_scoped3A : memref<!tpu.dma_semaphore, #tpu.memory_space<semaphore_mem>>) src(%arg7 : memref<128x16xf32, #tpu.memory_space<vmem>>) dst(%dma_wait3A_28 : memref<10112x16xf32, #tpu.memory_space<vmem_shared>>)
        tpu.yield
      }) : () -> ()
    }
    %while3A_12 = arith.constant 1 : i32
    scf.for %while3A_18 = %while3A_10 to %while3A_6 step %while3A_12  : i32 {
      "tpu.region"() ({
        %run_scoped3A = tpu.sem_alloc : memref<!tpu.dma_semaphore, #tpu.memory_space<semaphore_mem>>
        %dma_start3A = arith.constant 0 : i32
        %dma_start3A_19 = tpu.memref_slice %arg6[%while3A_18, %dma_start3A] : memref<136x128xi32, #tpu.memory_space<vmem>> -> memref<1x128xi32, #tpu.memory_space<vmem>>
        %dma_start3A_20 = tpu.memref_squeeze %dma_start3A_19 : memref<1x128xi32, #tpu.memory_space<vmem>> -> memref<128xi32, #tpu.memory_space<vmem>>
        %dma_start3A_21 = arith.constant 0 : i32
        %dma_start3A_22 = arith.constant 0 : i32
        %dma_start3A_23 = tpu.memref_slice %arg8[%dma_start3A_21, %dma_start3A_22] : memref<10112x16xf32, #tpu.memory_space<vmem_shared>> -> memref<10112x16xf32, #tpu.memory_space<vmem_shared>>
        tpu.enqueue_indirect_dma source(%arg7 : memref<128x16xf32, #tpu.memory_space<vmem>>) target(%dma_start3A_23 : memref<10112x16xf32, #tpu.memory_space<vmem_shared>>) offsets(%dma_start3A_20 : memref<128xi32, #tpu.memory_space<vmem>>) semaphore(%run_scoped3A : memref<!tpu.dma_semaphore, #tpu.memory_space<semaphore_mem>>) {add = true}
        %dma_wait3A = arith.constant 0 : i32
        %dma_wait3A_24 = tpu.memref_slice %arg6[%while3A_18, %dma_wait3A] : memref<136x128xi32, #tpu.memory_space<vmem>> -> memref<1x128xi32, #tpu.memory_space<vmem>>
        %dma_wait3A_25 = tpu.memref_squeeze %dma_wait3A_24 : memref<1x128xi32, #tpu.memory_space<vmem>> -> memref<128xi32, #tpu.memory_space<vmem>>
        %dma_wait3A_26 = arith.constant 0 : i32
        %dma_wait3A_27 = arith.constant 0 : i32
        %dma_wait3A_28 = tpu.memref_slice %arg8[%dma_wait3A_26, %dma_wait3A_27] : memref<10112x16xf32, #tpu.memory_space<vmem_shared>> -> memref<10112x16xf32, #tpu.memory_space<vmem_shared>>
        tpu.wait_indirect_dma semaphore(%run_scoped3A : memref<!tpu.dma_semaphore, #tpu.memory_space<semaphore_mem>>) src(%arg7 : memref<128x16xf32, #tpu.memory_space<vmem>>) dst(%dma_wait3A_28 : memref<10112x16xf32, #tpu.memory_space<vmem_shared>>)
        tpu.yield
      }) : () -> ()
    }
    %barrier3A_13 = arith.constant 0 : index
    tpu.barrier barrier_id(%barrier3A_13)
    %mul3A_14 = arith.constant 632 : i32
    %mul3A_15 = arith.muli %arg1, %mul3A_14 : i32
    %mul3A_16 = arith.constant 632 : i32
    %mul3A_17 = arith.muli %arg1, %mul3A_16 : i32
    "tpu.region"() ({
      %run_scoped3A = tpu.sem_alloc : memref<!tpu.dma_semaphore, #tpu.memory_space<semaphore_mem>>
      %dma_start3A = arith.constant 0 : i32
      %dma_start3A_18 = tpu.memref_slice %arg5[%arg0, %mul3A_17, %dma_start3A] : memref<2x10112x16xf32, #tpu.memory_space<hbm>> -> memref<1x632x16xf32, #tpu.memory_space<hbm>>
      %dma_start3A_19 = tpu.memref_squeeze %dma_start3A_18 : memref<1x632x16xf32, #tpu.memory_space<hbm>> -> memref<632x16xf32, #tpu.memory_space<hbm>>
      %dma_start3A_20 = arith.constant 0 : i32
      %dma_start3A_21 = tpu.memref_slice %arg8[%mul3A_15, %dma_start3A_20] : memref<10112x16xf32, #tpu.memory_space<vmem_shared>> -> memref<632x16xf32, #tpu.memory_space<vmem_shared>>
      tpu.enqueue_dma source(%dma_start3A_21 : memref<632x16xf32, #tpu.memory_space<vmem_shared>>) target(%dma_start3A_19 : memref<632x16xf32, #tpu.memory_space<hbm>>) target_semaphore(%run_scoped3A : memref<!tpu.dma_semaphore, #tpu.memory_space<semaphore_mem>>)
      %dma_wait3A = arith.constant 0 : i32
      %dma_wait3A_22 = tpu.memref_slice %arg5[%arg0, %mul3A_17, %dma_wait3A] : memref<2x10112x16xf32, #tpu.memory_space<hbm>> -> memref<1x632x16xf32, #tpu.memory_space<hbm>>
      %dma_wait3A_23 = tpu.memref_squeeze %dma_wait3A_22 : memref<1x632x16xf32, #tpu.memory_space<hbm>> -> memref<632x16xf32, #tpu.memory_space<hbm>>
      %dma_wait3A_24 = arith.constant 0 : i32
      %dma_wait3A_25 = tpu.memref_slice %arg8[%mul3A_15, %dma_wait3A_24] : memref<10112x16xf32, #tpu.memory_space<vmem_shared>> -> memref<632x16xf32, #tpu.memory_space<vmem_shared>>
      tpu.wait_dma2 semaphore(%run_scoped3A : memref<!tpu.dma_semaphore, #tpu.memory_space<semaphore_mem>>) src(%dma_wait3A_25 : memref<632x16xf32, #tpu.memory_space<vmem_shared>>) dst(%dma_wait3A_23 : memref<632x16xf32, #tpu.memory_space<hbm>>)
      tpu.yield
    }) : () -> ()
    return
  }
}

#map = affine_map<(d0, d1) -> (0, 0)>
#map1 = affine_map<(d0, d1) -> (0, 0, 0, 0)>
#map2 = affine_map<(d0, d1) -> (0, 0, 0)>
module attributes {stable_mosaic.version = 14 : i64} {
  func.func @_agg_kernel(%arg0: i32, %arg1: i32, %arg2: memref<10000x32xf32, #tpu.memory_space<hbm>>, %arg3: memref<2x16x136x128xi32, #tpu.memory_space<hbm>>, %arg4: memref<2x16x136x128xi32, #tpu.memory_space<hbm>>, %arg5: memref<632x32xf32, #tpu.memory_space<hbm>>, %arg6: memref<2x10112x32xf32, #tpu.memory_space<hbm>>, %arg7: memref<136x128xi32, #tpu.memory_space<vmem>>, %arg8: memref<136x128xi32, #tpu.memory_space<vmem>>, %arg9: memref<128x32xf32, #tpu.memory_space<vmem>>, %arg10: memref<128x32xf32, #tpu.memory_space<vmem>>, %arg11: memref<128x32xf32, #tpu.memory_space<vmem>>, %arg12: memref<128x32xf32, #tpu.memory_space<vmem>>, %arg13: memref<128x32xf32, #tpu.memory_space<vmem>>, %arg14: memref<128x32xf32, #tpu.memory_space<vmem>>, %arg15: memref<128x32xf32, #tpu.memory_space<vmem>>, %arg16: memref<128x32xf32, #tpu.memory_space<vmem>>, %arg17: memref<10112x32xf32, #tpu.memory_space<vmem_shared>>, %arg18: memref<!tpu.dma_semaphore, #tpu.memory_space<semaphore_mem>>, %arg19: memref<!tpu.dma_semaphore, #tpu.memory_space<semaphore_mem>>, %arg20: memref<!tpu.dma_semaphore, #tpu.memory_space<semaphore_mem>>, %arg21: memref<!tpu.dma_semaphore, #tpu.memory_space<semaphore_mem>>, %arg22: memref<!tpu.dma_semaphore, #tpu.memory_space<semaphore_mem>>, %arg23: memref<!tpu.dma_semaphore, #tpu.memory_space<semaphore_mem>>, %arg24: memref<!tpu.dma_semaphore, #tpu.memory_space<semaphore_mem>>, %arg25: memref<!tpu.dma_semaphore, #tpu.memory_space<semaphore_mem>>, %arg26: memref<!tpu.dma_semaphore, #tpu.memory_space<semaphore_mem>>, %arg27: memref<!tpu.dma_semaphore, #tpu.memory_space<semaphore_mem>>, %arg28: memref<!tpu.dma_semaphore, #tpu.memory_space<semaphore_mem>>, %arg29: memref<!tpu.dma_semaphore, #tpu.memory_space<semaphore_mem>>, %arg30: memref<!tpu.dma_semaphore, #tpu.memory_space<semaphore_mem>>, %arg31: memref<!tpu.dma_semaphore, #tpu.memory_space<semaphore_mem>>, %arg32: memref<!tpu.dma_semaphore, #tpu.memory_space<semaphore_mem>>, %arg33: memref<!tpu.dma_semaphore, #tpu.memory_space<semaphore_mem>>) attributes {dimension_semantics = [#tpu.dimension_semantics<core_parallel>, #tpu.dimension_semantics<subcore_parallel>], iteration_bounds = array<i64: 2, 16>, scalar_prefetch = 0 : i64, scratch_operands = 27 : i64, tpu.core_type = #tpu.core_type<sc_vector_subcore>, window_params = [{transform_indices = #map}, {transform_indices = #map1}, {transform_indices = #map1}, {transform_indices = #map}, {transform_indices = #map2}]} {
    %eq3A = arith.constant 0 : i32
    %eq3A_0 = arith.cmpi eq, %arg0, %eq3A : i32
    %select_n3A = arith.constant 24 : i32
    %select_n3A_1 = arith.constant 136 : i32
    %select_n3A_2 = arith.select %eq3A_0, %select_n3A_1, %select_n3A : i32
    "tpu.region"() ({
      %run_scoped3A = tpu.sem_alloc : memref<!tpu.dma_semaphore, #tpu.memory_space<semaphore_mem>>
      %dma_start3A_90 = arith.constant 0 : i32
      %dma_start3A_91 = arith.constant 0 : i32
      %dma_start3A_92 = tpu.memref_slice %arg3[%arg0, %arg1, %dma_start3A_90, %dma_start3A_91] : memref<2x16x136x128xi32, #tpu.memory_space<hbm>> -> memref<1x1x136x128xi32, #tpu.memory_space<hbm>>
      %dma_start3A_93 = tpu.memref_squeeze %dma_start3A_92 : memref<1x1x136x128xi32, #tpu.memory_space<hbm>> -> memref<136x128xi32, #tpu.memory_space<hbm>>
      %dma_start3A_94 = arith.constant 0 : i32
      %dma_start3A_95 = arith.constant 0 : i32
      %dma_start3A_96 = tpu.memref_slice %arg3[%arg0, %arg1, %dma_start3A_94, %dma_start3A_95] : memref<2x16x136x128xi32, #tpu.memory_space<hbm>> -> memref<1x1x136x128xi32, #tpu.memory_space<hbm>>
      %dma_start3A_97 = tpu.memref_squeeze %dma_start3A_96 : memref<1x1x136x128xi32, #tpu.memory_space<hbm>> -> memref<136x128xi32, #tpu.memory_space<hbm>>
      tpu.enqueue_dma source(%dma_start3A_97 : memref<136x128xi32, #tpu.memory_space<hbm>>) target(%arg7 : memref<136x128xi32, #tpu.memory_space<vmem>>) target_semaphore(%run_scoped3A : memref<!tpu.dma_semaphore, #tpu.memory_space<semaphore_mem>>)
      %dma_wait3A = arith.constant 0 : i32
      %dma_wait3A_98 = arith.constant 0 : i32
      %dma_wait3A_99 = tpu.memref_slice %arg3[%arg0, %arg1, %dma_wait3A, %dma_wait3A_98] : memref<2x16x136x128xi32, #tpu.memory_space<hbm>> -> memref<1x1x136x128xi32, #tpu.memory_space<hbm>>
      %dma_wait3A_100 = tpu.memref_squeeze %dma_wait3A_99 : memref<1x1x136x128xi32, #tpu.memory_space<hbm>> -> memref<136x128xi32, #tpu.memory_space<hbm>>
      %dma_wait3A_101 = arith.constant 0 : i32
      %dma_wait3A_102 = arith.constant 0 : i32
      %dma_wait3A_103 = tpu.memref_slice %arg3[%arg0, %arg1, %dma_wait3A_101, %dma_wait3A_102] : memref<2x16x136x128xi32, #tpu.memory_space<hbm>> -> memref<1x1x136x128xi32, #tpu.memory_space<hbm>>
      %dma_wait3A_104 = tpu.memref_squeeze %dma_wait3A_103 : memref<1x1x136x128xi32, #tpu.memory_space<hbm>> -> memref<136x128xi32, #tpu.memory_space<hbm>>
      tpu.wait_dma2 semaphore(%run_scoped3A : memref<!tpu.dma_semaphore, #tpu.memory_space<semaphore_mem>>) src(%dma_wait3A_104 : memref<136x128xi32, #tpu.memory_space<hbm>>) dst(%arg7 : memref<136x128xi32, #tpu.memory_space<vmem>>)
      tpu.yield
    }) : () -> ()
    "tpu.region"() ({
      %run_scoped3A = tpu.sem_alloc : memref<!tpu.dma_semaphore, #tpu.memory_space<semaphore_mem>>
      %dma_start3A_90 = arith.constant 0 : i32
      %dma_start3A_91 = arith.constant 0 : i32
      %dma_start3A_92 = tpu.memref_slice %arg4[%arg0, %arg1, %dma_start3A_90, %dma_start3A_91] : memref<2x16x136x128xi32, #tpu.memory_space<hbm>> -> memref<1x1x136x128xi32, #tpu.memory_space<hbm>>
      %dma_start3A_93 = tpu.memref_squeeze %dma_start3A_92 : memref<1x1x136x128xi32, #tpu.memory_space<hbm>> -> memref<136x128xi32, #tpu.memory_space<hbm>>
      %dma_start3A_94 = arith.constant 0 : i32
      %dma_start3A_95 = arith.constant 0 : i32
      %dma_start3A_96 = tpu.memref_slice %arg4[%arg0, %arg1, %dma_start3A_94, %dma_start3A_95] : memref<2x16x136x128xi32, #tpu.memory_space<hbm>> -> memref<1x1x136x128xi32, #tpu.memory_space<hbm>>
      %dma_start3A_97 = tpu.memref_squeeze %dma_start3A_96 : memref<1x1x136x128xi32, #tpu.memory_space<hbm>> -> memref<136x128xi32, #tpu.memory_space<hbm>>
      tpu.enqueue_dma source(%dma_start3A_97 : memref<136x128xi32, #tpu.memory_space<hbm>>) target(%arg8 : memref<136x128xi32, #tpu.memory_space<vmem>>) target_semaphore(%run_scoped3A : memref<!tpu.dma_semaphore, #tpu.memory_space<semaphore_mem>>)
      %dma_wait3A = arith.constant 0 : i32
      %dma_wait3A_98 = arith.constant 0 : i32
      %dma_wait3A_99 = tpu.memref_slice %arg4[%arg0, %arg1, %dma_wait3A, %dma_wait3A_98] : memref<2x16x136x128xi32, #tpu.memory_space<hbm>> -> memref<1x1x136x128xi32, #tpu.memory_space<hbm>>
      %dma_wait3A_100 = tpu.memref_squeeze %dma_wait3A_99 : memref<1x1x136x128xi32, #tpu.memory_space<hbm>> -> memref<136x128xi32, #tpu.memory_space<hbm>>
      %dma_wait3A_101 = arith.constant 0 : i32
      %dma_wait3A_102 = arith.constant 0 : i32
      %dma_wait3A_103 = tpu.memref_slice %arg4[%arg0, %arg1, %dma_wait3A_101, %dma_wait3A_102] : memref<2x16x136x128xi32, #tpu.memory_space<hbm>> -> memref<1x1x136x128xi32, #tpu.memory_space<hbm>>
      %dma_wait3A_104 = tpu.memref_squeeze %dma_wait3A_103 : memref<1x1x136x128xi32, #tpu.memory_space<hbm>> -> memref<136x128xi32, #tpu.memory_space<hbm>>
      tpu.wait_dma2 semaphore(%run_scoped3A : memref<!tpu.dma_semaphore, #tpu.memory_space<semaphore_mem>>) src(%dma_wait3A_104 : memref<136x128xi32, #tpu.memory_space<hbm>>) dst(%arg8 : memref<136x128xi32, #tpu.memory_space<vmem>>)
      tpu.yield
    }) : () -> ()
    %mul3A = arith.constant 632 : i32
    %mul3A_3 = arith.muli %arg1, %mul3A : i32
    "tpu.region"() ({
      %run_scoped3A = tpu.sem_alloc : memref<!tpu.dma_semaphore, #tpu.memory_space<semaphore_mem>>
      %dma_start3A_90 = arith.constant 0 : i32
      %dma_start3A_91 = tpu.memref_slice %arg17[%mul3A_3, %dma_start3A_90] : memref<10112x32xf32, #tpu.memory_space<vmem_shared>> -> memref<632x32xf32, #tpu.memory_space<vmem_shared>>
      tpu.enqueue_dma source(%arg5 : memref<632x32xf32, #tpu.memory_space<hbm>>) target(%dma_start3A_91 : memref<632x32xf32, #tpu.memory_space<vmem_shared>>) target_semaphore(%run_scoped3A : memref<!tpu.dma_semaphore, #tpu.memory_space<semaphore_mem>>)
      %dma_wait3A = arith.constant 0 : i32
      %dma_wait3A_92 = tpu.memref_slice %arg17[%mul3A_3, %dma_wait3A] : memref<10112x32xf32, #tpu.memory_space<vmem_shared>> -> memref<632x32xf32, #tpu.memory_space<vmem_shared>>
      tpu.wait_dma2 semaphore(%run_scoped3A : memref<!tpu.dma_semaphore, #tpu.memory_space<semaphore_mem>>) src(%arg5 : memref<632x32xf32, #tpu.memory_space<hbm>>) dst(%dma_wait3A_92 : memref<632x32xf32, #tpu.memory_space<vmem_shared>>)
      tpu.yield
    }) : () -> ()
    %barrier3A = arith.constant 0 : index
    tpu.barrier barrier_id(%barrier3A)
    %dma_start3A = arith.constant 0 : i32
    %dma_start3A_4 = arith.constant 0 : i32
    %dma_start3A_5 = tpu.memref_slice %arg7[%dma_start3A, %dma_start3A_4] : memref<136x128xi32, #tpu.memory_space<vmem>> -> memref<1x128xi32, #tpu.memory_space<vmem>>
    %dma_start3A_6 = tpu.memref_squeeze %dma_start3A_5 : memref<1x128xi32, #tpu.memory_space<vmem>> -> memref<128xi32, #tpu.memory_space<vmem>>
    %dma_start3A_7 = arith.constant 0 : i32
    %dma_start3A_8 = arith.constant 0 : i32
    %dma_start3A_9 = tpu.memref_slice %arg2[%dma_start3A_7, %dma_start3A_8] : memref<10000x32xf32, #tpu.memory_space<hbm>> -> memref<10000x32xf32, #tpu.memory_space<hbm>>
    tpu.enqueue_indirect_dma source(%dma_start3A_9 : memref<10000x32xf32, #tpu.memory_space<hbm>>) target(%arg9 : memref<128x32xf32, #tpu.memory_space<vmem>>) offsets(%dma_start3A_6 : memref<128xi32, #tpu.memory_space<vmem>>) semaphore(%arg18 : memref<!tpu.dma_semaphore, #tpu.memory_space<semaphore_mem>>)
    %dma_start3A_10 = arith.constant 1 : i32
    %dma_start3A_11 = arith.constant 0 : i32
    %dma_start3A_12 = tpu.memref_slice %arg7[%dma_start3A_10, %dma_start3A_11] : memref<136x128xi32, #tpu.memory_space<vmem>> -> memref<1x128xi32, #tpu.memory_space<vmem>>
    %dma_start3A_13 = tpu.memref_squeeze %dma_start3A_12 : memref<1x128xi32, #tpu.memory_space<vmem>> -> memref<128xi32, #tpu.memory_space<vmem>>
    %dma_start3A_14 = arith.constant 0 : i32
    %dma_start3A_15 = arith.constant 0 : i32
    %dma_start3A_16 = tpu.memref_slice %arg2[%dma_start3A_14, %dma_start3A_15] : memref<10000x32xf32, #tpu.memory_space<hbm>> -> memref<10000x32xf32, #tpu.memory_space<hbm>>
    tpu.enqueue_indirect_dma source(%dma_start3A_16 : memref<10000x32xf32, #tpu.memory_space<hbm>>) target(%arg10 : memref<128x32xf32, #tpu.memory_space<vmem>>) offsets(%dma_start3A_13 : memref<128xi32, #tpu.memory_space<vmem>>) semaphore(%arg19 : memref<!tpu.dma_semaphore, #tpu.memory_space<semaphore_mem>>)
    %dma_start3A_17 = arith.constant 2 : i32
    %dma_start3A_18 = arith.constant 0 : i32
    %dma_start3A_19 = tpu.memref_slice %arg7[%dma_start3A_17, %dma_start3A_18] : memref<136x128xi32, #tpu.memory_space<vmem>> -> memref<1x128xi32, #tpu.memory_space<vmem>>
    %dma_start3A_20 = tpu.memref_squeeze %dma_start3A_19 : memref<1x128xi32, #tpu.memory_space<vmem>> -> memref<128xi32, #tpu.memory_space<vmem>>
    %dma_start3A_21 = arith.constant 0 : i32
    %dma_start3A_22 = arith.constant 0 : i32
    %dma_start3A_23 = tpu.memref_slice %arg2[%dma_start3A_21, %dma_start3A_22] : memref<10000x32xf32, #tpu.memory_space<hbm>> -> memref<10000x32xf32, #tpu.memory_space<hbm>>
    tpu.enqueue_indirect_dma source(%dma_start3A_23 : memref<10000x32xf32, #tpu.memory_space<hbm>>) target(%arg11 : memref<128x32xf32, #tpu.memory_space<vmem>>) offsets(%dma_start3A_20 : memref<128xi32, #tpu.memory_space<vmem>>) semaphore(%arg20 : memref<!tpu.dma_semaphore, #tpu.memory_space<semaphore_mem>>)
    %dma_start3A_24 = arith.constant 3 : i32
    %dma_start3A_25 = arith.constant 0 : i32
    %dma_start3A_26 = tpu.memref_slice %arg7[%dma_start3A_24, %dma_start3A_25] : memref<136x128xi32, #tpu.memory_space<vmem>> -> memref<1x128xi32, #tpu.memory_space<vmem>>
    %dma_start3A_27 = tpu.memref_squeeze %dma_start3A_26 : memref<1x128xi32, #tpu.memory_space<vmem>> -> memref<128xi32, #tpu.memory_space<vmem>>
    %dma_start3A_28 = arith.constant 0 : i32
    %dma_start3A_29 = arith.constant 0 : i32
    %dma_start3A_30 = tpu.memref_slice %arg2[%dma_start3A_28, %dma_start3A_29] : memref<10000x32xf32, #tpu.memory_space<hbm>> -> memref<10000x32xf32, #tpu.memory_space<hbm>>
    tpu.enqueue_indirect_dma source(%dma_start3A_30 : memref<10000x32xf32, #tpu.memory_space<hbm>>) target(%arg12 : memref<128x32xf32, #tpu.memory_space<vmem>>) offsets(%dma_start3A_27 : memref<128xi32, #tpu.memory_space<vmem>>) semaphore(%arg21 : memref<!tpu.dma_semaphore, #tpu.memory_space<semaphore_mem>>)
    %dma_start3A_31 = arith.constant 4 : i32
    %dma_start3A_32 = arith.constant 0 : i32
    %dma_start3A_33 = tpu.memref_slice %arg7[%dma_start3A_31, %dma_start3A_32] : memref<136x128xi32, #tpu.memory_space<vmem>> -> memref<1x128xi32, #tpu.memory_space<vmem>>
    %dma_start3A_34 = tpu.memref_squeeze %dma_start3A_33 : memref<1x128xi32, #tpu.memory_space<vmem>> -> memref<128xi32, #tpu.memory_space<vmem>>
    %dma_start3A_35 = arith.constant 0 : i32
    %dma_start3A_36 = arith.constant 0 : i32
    %dma_start3A_37 = tpu.memref_slice %arg2[%dma_start3A_35, %dma_start3A_36] : memref<10000x32xf32, #tpu.memory_space<hbm>> -> memref<10000x32xf32, #tpu.memory_space<hbm>>
    tpu.enqueue_indirect_dma source(%dma_start3A_37 : memref<10000x32xf32, #tpu.memory_space<hbm>>) target(%arg13 : memref<128x32xf32, #tpu.memory_space<vmem>>) offsets(%dma_start3A_34 : memref<128xi32, #tpu.memory_space<vmem>>) semaphore(%arg22 : memref<!tpu.dma_semaphore, #tpu.memory_space<semaphore_mem>>)
    %dma_start3A_38 = arith.constant 5 : i32
    %dma_start3A_39 = arith.constant 0 : i32
    %dma_start3A_40 = tpu.memref_slice %arg7[%dma_start3A_38, %dma_start3A_39] : memref<136x128xi32, #tpu.memory_space<vmem>> -> memref<1x128xi32, #tpu.memory_space<vmem>>
    %dma_start3A_41 = tpu.memref_squeeze %dma_start3A_40 : memref<1x128xi32, #tpu.memory_space<vmem>> -> memref<128xi32, #tpu.memory_space<vmem>>
    %dma_start3A_42 = arith.constant 0 : i32
    %dma_start3A_43 = arith.constant 0 : i32
    %dma_start3A_44 = tpu.memref_slice %arg2[%dma_start3A_42, %dma_start3A_43] : memref<10000x32xf32, #tpu.memory_space<hbm>> -> memref<10000x32xf32, #tpu.memory_space<hbm>>
    tpu.enqueue_indirect_dma source(%dma_start3A_44 : memref<10000x32xf32, #tpu.memory_space<hbm>>) target(%arg14 : memref<128x32xf32, #tpu.memory_space<vmem>>) offsets(%dma_start3A_41 : memref<128xi32, #tpu.memory_space<vmem>>) semaphore(%arg23 : memref<!tpu.dma_semaphore, #tpu.memory_space<semaphore_mem>>)
    %dma_start3A_45 = arith.constant 6 : i32
    %dma_start3A_46 = arith.constant 0 : i32
    %dma_start3A_47 = tpu.memref_slice %arg7[%dma_start3A_45, %dma_start3A_46] : memref<136x128xi32, #tpu.memory_space<vmem>> -> memref<1x128xi32, #tpu.memory_space<vmem>>
    %dma_start3A_48 = tpu.memref_squeeze %dma_start3A_47 : memref<1x128xi32, #tpu.memory_space<vmem>> -> memref<128xi32, #tpu.memory_space<vmem>>
    %dma_start3A_49 = arith.constant 0 : i32
    %dma_start3A_50 = arith.constant 0 : i32
    %dma_start3A_51 = tpu.memref_slice %arg2[%dma_start3A_49, %dma_start3A_50] : memref<10000x32xf32, #tpu.memory_space<hbm>> -> memref<10000x32xf32, #tpu.memory_space<hbm>>
    tpu.enqueue_indirect_dma source(%dma_start3A_51 : memref<10000x32xf32, #tpu.memory_space<hbm>>) target(%arg15 : memref<128x32xf32, #tpu.memory_space<vmem>>) offsets(%dma_start3A_48 : memref<128xi32, #tpu.memory_space<vmem>>) semaphore(%arg24 : memref<!tpu.dma_semaphore, #tpu.memory_space<semaphore_mem>>)
    %dma_start3A_52 = arith.constant 7 : i32
    %dma_start3A_53 = arith.constant 0 : i32
    %dma_start3A_54 = tpu.memref_slice %arg7[%dma_start3A_52, %dma_start3A_53] : memref<136x128xi32, #tpu.memory_space<vmem>> -> memref<1x128xi32, #tpu.memory_space<vmem>>
    %dma_start3A_55 = tpu.memref_squeeze %dma_start3A_54 : memref<1x128xi32, #tpu.memory_space<vmem>> -> memref<128xi32, #tpu.memory_space<vmem>>
    %dma_start3A_56 = arith.constant 0 : i32
    %dma_start3A_57 = arith.constant 0 : i32
    %dma_start3A_58 = tpu.memref_slice %arg2[%dma_start3A_56, %dma_start3A_57] : memref<10000x32xf32, #tpu.memory_space<hbm>> -> memref<10000x32xf32, #tpu.memory_space<hbm>>
    tpu.enqueue_indirect_dma source(%dma_start3A_58 : memref<10000x32xf32, #tpu.memory_space<hbm>>) target(%arg16 : memref<128x32xf32, #tpu.memory_space<vmem>>) offsets(%dma_start3A_55 : memref<128xi32, #tpu.memory_space<vmem>>) semaphore(%arg25 : memref<!tpu.dma_semaphore, #tpu.memory_space<semaphore_mem>>)
    %jit3A = arith.constant 8 : i32
    %div3A = arith.divsi %select_n3A_2, %jit3A : i32
    %sign3A = arith.constant 0 : i32
    %sign3A_59 = arith.cmpi sgt, %select_n3A_2, %sign3A : i32
    %sign3A_60 = arith.extui %sign3A_59 : i1 to i32
    %sign3A_61 = arith.constant 0 : i32
    %sign3A_62 = arith.cmpi slt, %select_n3A_2, %sign3A_61 : i32
    %sign3A_63 = arith.extui %sign3A_62 : i1 to i32
    %sign3A_64 = arith.subi %sign3A_60, %sign3A_63 : i32
    %sign3A_65 = arith.constant 0 : i32
    %sign3A_66 = arith.cmpi sgt, %jit3A, %sign3A_65 : i32
    %sign3A_67 = arith.extui %sign3A_66 : i1 to i32
    %sign3A_68 = arith.constant 0 : i32
    %sign3A_69 = arith.cmpi slt, %jit3A, %sign3A_68 : i32
    %sign3A_70 = arith.extui %sign3A_69 : i1 to i32
    %sign3A_71 = arith.subi %sign3A_67, %sign3A_70 : i32
    %ne3A = arith.cmpi ne, %sign3A_64, %sign3A_71 : i32
    %rem3A = arith.remsi %select_n3A_2, %jit3A : i32
    %ne3A_72 = arith.constant 0 : i32
    %ne3A_73 = arith.cmpi ne, %rem3A, %ne3A_72 : i32
    %and3A = arith.andi %ne3A, %ne3A_73 : i1
    %sub3A = arith.constant 1 : i32
    %sub3A_74 = arith.subi %div3A, %sub3A : i32
    %select_n3A_75 = arith.select %and3A, %sub3A_74, %div3A : i32
    %while3A = arith.constant 0 : i32
    %while3A_76 = arith.constant 0 : i32
    %while3A_77 = arith.subi %select_n3A_75, %while3A_76 : i32
    %while3A_78 = arith.addi %while3A_76, %while3A_77 : i32
    %while3A_79 = arith.constant 1 : i32
    %while3A_80 = arith.divsi %while3A_77, %while3A_79 : i32
    %while3A_81 = arith.muli %while3A_80, %while3A_79 : i32
    %while3A_82 = arith.addi %while3A_76, %while3A_81 : i32
    %while3A_83 = arith.constant 1 : i32
    scf.for %while3A_90 = %while3A_76 to %while3A_82 step %while3A_83  : i32 {
      %mul3A_91 = arith.constant 8 : i32
      %mul3A_92 = arith.muli %while3A_90, %mul3A_91 : i32
      %add3A = arith.constant 0 : i32
      %add3A_93 = arith.addi %mul3A_92, %add3A : i32
      %dma_wait3A = arith.constant 0 : i32
      %dma_wait3A_94 = tpu.memref_slice %arg7[%add3A_93, %dma_wait3A] : memref<136x128xi32, #tpu.memory_space<vmem>> -> memref<1x128xi32, #tpu.memory_space<vmem>>
      %dma_wait3A_95 = tpu.memref_squeeze %dma_wait3A_94 : memref<1x128xi32, #tpu.memory_space<vmem>> -> memref<128xi32, #tpu.memory_space<vmem>>
      %dma_wait3A_96 = arith.constant 0 : i32
      %dma_wait3A_97 = arith.constant 0 : i32
      %dma_wait3A_98 = tpu.memref_slice %arg2[%dma_wait3A_96, %dma_wait3A_97] : memref<10000x32xf32, #tpu.memory_space<hbm>> -> memref<10000x32xf32, #tpu.memory_space<hbm>>
      tpu.wait_indirect_dma semaphore(%arg18 : memref<!tpu.dma_semaphore, #tpu.memory_space<semaphore_mem>>) src(%dma_wait3A_98 : memref<10000x32xf32, #tpu.memory_space<hbm>>) dst(%arg9 : memref<128x32xf32, #tpu.memory_space<vmem>>)
      %dma_start3A_99 = arith.constant 0 : i32
      %dma_start3A_100 = tpu.memref_slice %arg8[%add3A_93, %dma_start3A_99] : memref<136x128xi32, #tpu.memory_space<vmem>> -> memref<1x128xi32, #tpu.memory_space<vmem>>
      %dma_start3A_101 = tpu.memref_squeeze %dma_start3A_100 : memref<1x128xi32, #tpu.memory_space<vmem>> -> memref<128xi32, #tpu.memory_space<vmem>>
      %dma_start3A_102 = arith.constant 0 : i32
      %dma_start3A_103 = arith.constant 0 : i32
      %dma_start3A_104 = tpu.memref_slice %arg17[%dma_start3A_102, %dma_start3A_103] : memref<10112x32xf32, #tpu.memory_space<vmem_shared>> -> memref<10112x32xf32, #tpu.memory_space<vmem_shared>>
      tpu.enqueue_indirect_dma source(%arg9 : memref<128x32xf32, #tpu.memory_space<vmem>>) target(%dma_start3A_104 : memref<10112x32xf32, #tpu.memory_space<vmem_shared>>) offsets(%dma_start3A_101 : memref<128xi32, #tpu.memory_space<vmem>>) semaphore(%arg26 : memref<!tpu.dma_semaphore, #tpu.memory_space<semaphore_mem>>) {add = true}
      %add3A_105 = arith.constant 1 : i32
      %add3A_106 = arith.addi %mul3A_92, %add3A_105 : i32
      %dma_wait3A_107 = arith.constant 0 : i32
      %dma_wait3A_108 = tpu.memref_slice %arg7[%add3A_106, %dma_wait3A_107] : memref<136x128xi32, #tpu.memory_space<vmem>> -> memref<1x128xi32, #tpu.memory_space<vmem>>
      %dma_wait3A_109 = tpu.memref_squeeze %dma_wait3A_108 : memref<1x128xi32, #tpu.memory_space<vmem>> -> memref<128xi32, #tpu.memory_space<vmem>>
      %dma_wait3A_110 = arith.constant 0 : i32
      %dma_wait3A_111 = arith.constant 0 : i32
      %dma_wait3A_112 = tpu.memref_slice %arg2[%dma_wait3A_110, %dma_wait3A_111] : memref<10000x32xf32, #tpu.memory_space<hbm>> -> memref<10000x32xf32, #tpu.memory_space<hbm>>
      tpu.wait_indirect_dma semaphore(%arg19 : memref<!tpu.dma_semaphore, #tpu.memory_space<semaphore_mem>>) src(%dma_wait3A_112 : memref<10000x32xf32, #tpu.memory_space<hbm>>) dst(%arg10 : memref<128x32xf32, #tpu.memory_space<vmem>>)
      %dma_start3A_113 = arith.constant 0 : i32
      %dma_start3A_114 = tpu.memref_slice %arg8[%add3A_106, %dma_start3A_113] : memref<136x128xi32, #tpu.memory_space<vmem>> -> memref<1x128xi32, #tpu.memory_space<vmem>>
      %dma_start3A_115 = tpu.memref_squeeze %dma_start3A_114 : memref<1x128xi32, #tpu.memory_space<vmem>> -> memref<128xi32, #tpu.memory_space<vmem>>
      %dma_start3A_116 = arith.constant 0 : i32
      %dma_start3A_117 = arith.constant 0 : i32
      %dma_start3A_118 = tpu.memref_slice %arg17[%dma_start3A_116, %dma_start3A_117] : memref<10112x32xf32, #tpu.memory_space<vmem_shared>> -> memref<10112x32xf32, #tpu.memory_space<vmem_shared>>
      tpu.enqueue_indirect_dma source(%arg10 : memref<128x32xf32, #tpu.memory_space<vmem>>) target(%dma_start3A_118 : memref<10112x32xf32, #tpu.memory_space<vmem_shared>>) offsets(%dma_start3A_115 : memref<128xi32, #tpu.memory_space<vmem>>) semaphore(%arg27 : memref<!tpu.dma_semaphore, #tpu.memory_space<semaphore_mem>>) {add = true}
      %add3A_119 = arith.constant 2 : i32
      %add3A_120 = arith.addi %mul3A_92, %add3A_119 : i32
      %dma_wait3A_121 = arith.constant 0 : i32
      %dma_wait3A_122 = tpu.memref_slice %arg7[%add3A_120, %dma_wait3A_121] : memref<136x128xi32, #tpu.memory_space<vmem>> -> memref<1x128xi32, #tpu.memory_space<vmem>>
      %dma_wait3A_123 = tpu.memref_squeeze %dma_wait3A_122 : memref<1x128xi32, #tpu.memory_space<vmem>> -> memref<128xi32, #tpu.memory_space<vmem>>
      %dma_wait3A_124 = arith.constant 0 : i32
      %dma_wait3A_125 = arith.constant 0 : i32
      %dma_wait3A_126 = tpu.memref_slice %arg2[%dma_wait3A_124, %dma_wait3A_125] : memref<10000x32xf32, #tpu.memory_space<hbm>> -> memref<10000x32xf32, #tpu.memory_space<hbm>>
      tpu.wait_indirect_dma semaphore(%arg20 : memref<!tpu.dma_semaphore, #tpu.memory_space<semaphore_mem>>) src(%dma_wait3A_126 : memref<10000x32xf32, #tpu.memory_space<hbm>>) dst(%arg11 : memref<128x32xf32, #tpu.memory_space<vmem>>)
      %dma_start3A_127 = arith.constant 0 : i32
      %dma_start3A_128 = tpu.memref_slice %arg8[%add3A_120, %dma_start3A_127] : memref<136x128xi32, #tpu.memory_space<vmem>> -> memref<1x128xi32, #tpu.memory_space<vmem>>
      %dma_start3A_129 = tpu.memref_squeeze %dma_start3A_128 : memref<1x128xi32, #tpu.memory_space<vmem>> -> memref<128xi32, #tpu.memory_space<vmem>>
      %dma_start3A_130 = arith.constant 0 : i32
      %dma_start3A_131 = arith.constant 0 : i32
      %dma_start3A_132 = tpu.memref_slice %arg17[%dma_start3A_130, %dma_start3A_131] : memref<10112x32xf32, #tpu.memory_space<vmem_shared>> -> memref<10112x32xf32, #tpu.memory_space<vmem_shared>>
      tpu.enqueue_indirect_dma source(%arg11 : memref<128x32xf32, #tpu.memory_space<vmem>>) target(%dma_start3A_132 : memref<10112x32xf32, #tpu.memory_space<vmem_shared>>) offsets(%dma_start3A_129 : memref<128xi32, #tpu.memory_space<vmem>>) semaphore(%arg28 : memref<!tpu.dma_semaphore, #tpu.memory_space<semaphore_mem>>) {add = true}
      %add3A_133 = arith.constant 3 : i32
      %add3A_134 = arith.addi %mul3A_92, %add3A_133 : i32
      %dma_wait3A_135 = arith.constant 0 : i32
      %dma_wait3A_136 = tpu.memref_slice %arg7[%add3A_134, %dma_wait3A_135] : memref<136x128xi32, #tpu.memory_space<vmem>> -> memref<1x128xi32, #tpu.memory_space<vmem>>
      %dma_wait3A_137 = tpu.memref_squeeze %dma_wait3A_136 : memref<1x128xi32, #tpu.memory_space<vmem>> -> memref<128xi32, #tpu.memory_space<vmem>>
      %dma_wait3A_138 = arith.constant 0 : i32
      %dma_wait3A_139 = arith.constant 0 : i32
      %dma_wait3A_140 = tpu.memref_slice %arg2[%dma_wait3A_138, %dma_wait3A_139] : memref<10000x32xf32, #tpu.memory_space<hbm>> -> memref<10000x32xf32, #tpu.memory_space<hbm>>
      tpu.wait_indirect_dma semaphore(%arg21 : memref<!tpu.dma_semaphore, #tpu.memory_space<semaphore_mem>>) src(%dma_wait3A_140 : memref<10000x32xf32, #tpu.memory_space<hbm>>) dst(%arg12 : memref<128x32xf32, #tpu.memory_space<vmem>>)
      %dma_start3A_141 = arith.constant 0 : i32
      %dma_start3A_142 = tpu.memref_slice %arg8[%add3A_134, %dma_start3A_141] : memref<136x128xi32, #tpu.memory_space<vmem>> -> memref<1x128xi32, #tpu.memory_space<vmem>>
      %dma_start3A_143 = tpu.memref_squeeze %dma_start3A_142 : memref<1x128xi32, #tpu.memory_space<vmem>> -> memref<128xi32, #tpu.memory_space<vmem>>
      %dma_start3A_144 = arith.constant 0 : i32
      %dma_start3A_145 = arith.constant 0 : i32
      %dma_start3A_146 = tpu.memref_slice %arg17[%dma_start3A_144, %dma_start3A_145] : memref<10112x32xf32, #tpu.memory_space<vmem_shared>> -> memref<10112x32xf32, #tpu.memory_space<vmem_shared>>
      tpu.enqueue_indirect_dma source(%arg12 : memref<128x32xf32, #tpu.memory_space<vmem>>) target(%dma_start3A_146 : memref<10112x32xf32, #tpu.memory_space<vmem_shared>>) offsets(%dma_start3A_143 : memref<128xi32, #tpu.memory_space<vmem>>) semaphore(%arg29 : memref<!tpu.dma_semaphore, #tpu.memory_space<semaphore_mem>>) {add = true}
      %add3A_147 = arith.constant 4 : i32
      %add3A_148 = arith.addi %mul3A_92, %add3A_147 : i32
      %dma_wait3A_149 = arith.constant 0 : i32
      %dma_wait3A_150 = tpu.memref_slice %arg7[%add3A_148, %dma_wait3A_149] : memref<136x128xi32, #tpu.memory_space<vmem>> -> memref<1x128xi32, #tpu.memory_space<vmem>>
      %dma_wait3A_151 = tpu.memref_squeeze %dma_wait3A_150 : memref<1x128xi32, #tpu.memory_space<vmem>> -> memref<128xi32, #tpu.memory_space<vmem>>
      %dma_wait3A_152 = arith.constant 0 : i32
      %dma_wait3A_153 = arith.constant 0 : i32
      %dma_wait3A_154 = tpu.memref_slice %arg2[%dma_wait3A_152, %dma_wait3A_153] : memref<10000x32xf32, #tpu.memory_space<hbm>> -> memref<10000x32xf32, #tpu.memory_space<hbm>>
      tpu.wait_indirect_dma semaphore(%arg22 : memref<!tpu.dma_semaphore, #tpu.memory_space<semaphore_mem>>) src(%dma_wait3A_154 : memref<10000x32xf32, #tpu.memory_space<hbm>>) dst(%arg13 : memref<128x32xf32, #tpu.memory_space<vmem>>)
      %dma_start3A_155 = arith.constant 0 : i32
      %dma_start3A_156 = tpu.memref_slice %arg8[%add3A_148, %dma_start3A_155] : memref<136x128xi32, #tpu.memory_space<vmem>> -> memref<1x128xi32, #tpu.memory_space<vmem>>
      %dma_start3A_157 = tpu.memref_squeeze %dma_start3A_156 : memref<1x128xi32, #tpu.memory_space<vmem>> -> memref<128xi32, #tpu.memory_space<vmem>>
      %dma_start3A_158 = arith.constant 0 : i32
      %dma_start3A_159 = arith.constant 0 : i32
      %dma_start3A_160 = tpu.memref_slice %arg17[%dma_start3A_158, %dma_start3A_159] : memref<10112x32xf32, #tpu.memory_space<vmem_shared>> -> memref<10112x32xf32, #tpu.memory_space<vmem_shared>>
      tpu.enqueue_indirect_dma source(%arg13 : memref<128x32xf32, #tpu.memory_space<vmem>>) target(%dma_start3A_160 : memref<10112x32xf32, #tpu.memory_space<vmem_shared>>) offsets(%dma_start3A_157 : memref<128xi32, #tpu.memory_space<vmem>>) semaphore(%arg30 : memref<!tpu.dma_semaphore, #tpu.memory_space<semaphore_mem>>) {add = true}
      %add3A_161 = arith.constant 5 : i32
      %add3A_162 = arith.addi %mul3A_92, %add3A_161 : i32
      %dma_wait3A_163 = arith.constant 0 : i32
      %dma_wait3A_164 = tpu.memref_slice %arg7[%add3A_162, %dma_wait3A_163] : memref<136x128xi32, #tpu.memory_space<vmem>> -> memref<1x128xi32, #tpu.memory_space<vmem>>
      %dma_wait3A_165 = tpu.memref_squeeze %dma_wait3A_164 : memref<1x128xi32, #tpu.memory_space<vmem>> -> memref<128xi32, #tpu.memory_space<vmem>>
      %dma_wait3A_166 = arith.constant 0 : i32
      %dma_wait3A_167 = arith.constant 0 : i32
      %dma_wait3A_168 = tpu.memref_slice %arg2[%dma_wait3A_166, %dma_wait3A_167] : memref<10000x32xf32, #tpu.memory_space<hbm>> -> memref<10000x32xf32, #tpu.memory_space<hbm>>
      tpu.wait_indirect_dma semaphore(%arg23 : memref<!tpu.dma_semaphore, #tpu.memory_space<semaphore_mem>>) src(%dma_wait3A_168 : memref<10000x32xf32, #tpu.memory_space<hbm>>) dst(%arg14 : memref<128x32xf32, #tpu.memory_space<vmem>>)
      %dma_start3A_169 = arith.constant 0 : i32
      %dma_start3A_170 = tpu.memref_slice %arg8[%add3A_162, %dma_start3A_169] : memref<136x128xi32, #tpu.memory_space<vmem>> -> memref<1x128xi32, #tpu.memory_space<vmem>>
      %dma_start3A_171 = tpu.memref_squeeze %dma_start3A_170 : memref<1x128xi32, #tpu.memory_space<vmem>> -> memref<128xi32, #tpu.memory_space<vmem>>
      %dma_start3A_172 = arith.constant 0 : i32
      %dma_start3A_173 = arith.constant 0 : i32
      %dma_start3A_174 = tpu.memref_slice %arg17[%dma_start3A_172, %dma_start3A_173] : memref<10112x32xf32, #tpu.memory_space<vmem_shared>> -> memref<10112x32xf32, #tpu.memory_space<vmem_shared>>
      tpu.enqueue_indirect_dma source(%arg14 : memref<128x32xf32, #tpu.memory_space<vmem>>) target(%dma_start3A_174 : memref<10112x32xf32, #tpu.memory_space<vmem_shared>>) offsets(%dma_start3A_171 : memref<128xi32, #tpu.memory_space<vmem>>) semaphore(%arg31 : memref<!tpu.dma_semaphore, #tpu.memory_space<semaphore_mem>>) {add = true}
      %add3A_175 = arith.constant 6 : i32
      %add3A_176 = arith.addi %mul3A_92, %add3A_175 : i32
      %dma_wait3A_177 = arith.constant 0 : i32
      %dma_wait3A_178 = tpu.memref_slice %arg7[%add3A_176, %dma_wait3A_177] : memref<136x128xi32, #tpu.memory_space<vmem>> -> memref<1x128xi32, #tpu.memory_space<vmem>>
      %dma_wait3A_179 = tpu.memref_squeeze %dma_wait3A_178 : memref<1x128xi32, #tpu.memory_space<vmem>> -> memref<128xi32, #tpu.memory_space<vmem>>
      %dma_wait3A_180 = arith.constant 0 : i32
      %dma_wait3A_181 = arith.constant 0 : i32
      %dma_wait3A_182 = tpu.memref_slice %arg2[%dma_wait3A_180, %dma_wait3A_181] : memref<10000x32xf32, #tpu.memory_space<hbm>> -> memref<10000x32xf32, #tpu.memory_space<hbm>>
      tpu.wait_indirect_dma semaphore(%arg24 : memref<!tpu.dma_semaphore, #tpu.memory_space<semaphore_mem>>) src(%dma_wait3A_182 : memref<10000x32xf32, #tpu.memory_space<hbm>>) dst(%arg15 : memref<128x32xf32, #tpu.memory_space<vmem>>)
      %dma_start3A_183 = arith.constant 0 : i32
      %dma_start3A_184 = tpu.memref_slice %arg8[%add3A_176, %dma_start3A_183] : memref<136x128xi32, #tpu.memory_space<vmem>> -> memref<1x128xi32, #tpu.memory_space<vmem>>
      %dma_start3A_185 = tpu.memref_squeeze %dma_start3A_184 : memref<1x128xi32, #tpu.memory_space<vmem>> -> memref<128xi32, #tpu.memory_space<vmem>>
      %dma_start3A_186 = arith.constant 0 : i32
      %dma_start3A_187 = arith.constant 0 : i32
      %dma_start3A_188 = tpu.memref_slice %arg17[%dma_start3A_186, %dma_start3A_187] : memref<10112x32xf32, #tpu.memory_space<vmem_shared>> -> memref<10112x32xf32, #tpu.memory_space<vmem_shared>>
      tpu.enqueue_indirect_dma source(%arg15 : memref<128x32xf32, #tpu.memory_space<vmem>>) target(%dma_start3A_188 : memref<10112x32xf32, #tpu.memory_space<vmem_shared>>) offsets(%dma_start3A_185 : memref<128xi32, #tpu.memory_space<vmem>>) semaphore(%arg32 : memref<!tpu.dma_semaphore, #tpu.memory_space<semaphore_mem>>) {add = true}
      %add3A_189 = arith.constant 7 : i32
      %add3A_190 = arith.addi %mul3A_92, %add3A_189 : i32
      %dma_wait3A_191 = arith.constant 0 : i32
      %dma_wait3A_192 = tpu.memref_slice %arg7[%add3A_190, %dma_wait3A_191] : memref<136x128xi32, #tpu.memory_space<vmem>> -> memref<1x128xi32, #tpu.memory_space<vmem>>
      %dma_wait3A_193 = tpu.memref_squeeze %dma_wait3A_192 : memref<1x128xi32, #tpu.memory_space<vmem>> -> memref<128xi32, #tpu.memory_space<vmem>>
      %dma_wait3A_194 = arith.constant 0 : i32
      %dma_wait3A_195 = arith.constant 0 : i32
      %dma_wait3A_196 = tpu.memref_slice %arg2[%dma_wait3A_194, %dma_wait3A_195] : memref<10000x32xf32, #tpu.memory_space<hbm>> -> memref<10000x32xf32, #tpu.memory_space<hbm>>
      tpu.wait_indirect_dma semaphore(%arg25 : memref<!tpu.dma_semaphore, #tpu.memory_space<semaphore_mem>>) src(%dma_wait3A_196 : memref<10000x32xf32, #tpu.memory_space<hbm>>) dst(%arg16 : memref<128x32xf32, #tpu.memory_space<vmem>>)
      %dma_start3A_197 = arith.constant 0 : i32
      %dma_start3A_198 = tpu.memref_slice %arg8[%add3A_190, %dma_start3A_197] : memref<136x128xi32, #tpu.memory_space<vmem>> -> memref<1x128xi32, #tpu.memory_space<vmem>>
      %dma_start3A_199 = tpu.memref_squeeze %dma_start3A_198 : memref<1x128xi32, #tpu.memory_space<vmem>> -> memref<128xi32, #tpu.memory_space<vmem>>
      %dma_start3A_200 = arith.constant 0 : i32
      %dma_start3A_201 = arith.constant 0 : i32
      %dma_start3A_202 = tpu.memref_slice %arg17[%dma_start3A_200, %dma_start3A_201] : memref<10112x32xf32, #tpu.memory_space<vmem_shared>> -> memref<10112x32xf32, #tpu.memory_space<vmem_shared>>
      tpu.enqueue_indirect_dma source(%arg16 : memref<128x32xf32, #tpu.memory_space<vmem>>) target(%dma_start3A_202 : memref<10112x32xf32, #tpu.memory_space<vmem_shared>>) offsets(%dma_start3A_199 : memref<128xi32, #tpu.memory_space<vmem>>) semaphore(%arg33 : memref<!tpu.dma_semaphore, #tpu.memory_space<semaphore_mem>>) {add = true}
      %add3A_203 = arith.constant 0 : i32
      %add3A_204 = arith.addi %mul3A_92, %add3A_203 : i32
      %add3A_205 = arith.constant 8 : i32
      %add3A_206 = arith.addi %add3A_204, %add3A_205 : i32
      %dma_wait3A_207 = arith.constant 0 : i32
      %dma_wait3A_208 = tpu.memref_slice %arg8[%add3A_204, %dma_wait3A_207] : memref<136x128xi32, #tpu.memory_space<vmem>> -> memref<1x128xi32, #tpu.memory_space<vmem>>
      %dma_wait3A_209 = tpu.memref_squeeze %dma_wait3A_208 : memref<1x128xi32, #tpu.memory_space<vmem>> -> memref<128xi32, #tpu.memory_space<vmem>>
      %dma_wait3A_210 = arith.constant 0 : i32
      %dma_wait3A_211 = arith.constant 0 : i32
      %dma_wait3A_212 = tpu.memref_slice %arg17[%dma_wait3A_210, %dma_wait3A_211] : memref<10112x32xf32, #tpu.memory_space<vmem_shared>> -> memref<10112x32xf32, #tpu.memory_space<vmem_shared>>
      tpu.wait_indirect_dma semaphore(%arg26 : memref<!tpu.dma_semaphore, #tpu.memory_space<semaphore_mem>>) src(%arg9 : memref<128x32xf32, #tpu.memory_space<vmem>>) dst(%dma_wait3A_212 : memref<10112x32xf32, #tpu.memory_space<vmem_shared>>)
      %lt3A = arith.cmpi slt, %add3A_206, %select_n3A_2 : i32
      %convert_element_type3A = arith.extui %lt3A : i1 to i32
      %cond3A = arith.constant 0 : i32
      %cond3A_213 = arith.cmpi ne, %convert_element_type3A, %cond3A : i32
      scf.if %cond3A_213 {
        %dma_start3A_312 = arith.constant 0 : i32
        %dma_start3A_313 = tpu.memref_slice %arg7[%add3A_206, %dma_start3A_312] : memref<136x128xi32, #tpu.memory_space<vmem>> -> memref<1x128xi32, #tpu.memory_space<vmem>>
        %dma_start3A_314 = tpu.memref_squeeze %dma_start3A_313 : memref<1x128xi32, #tpu.memory_space<vmem>> -> memref<128xi32, #tpu.memory_space<vmem>>
        %dma_start3A_315 = arith.constant 0 : i32
        %dma_start3A_316 = arith.constant 0 : i32
        %dma_start3A_317 = tpu.memref_slice %arg2[%dma_start3A_315, %dma_start3A_316] : memref<10000x32xf32, #tpu.memory_space<hbm>> -> memref<10000x32xf32, #tpu.memory_space<hbm>>
        tpu.enqueue_indirect_dma source(%dma_start3A_317 : memref<10000x32xf32, #tpu.memory_space<hbm>>) target(%arg9 : memref<128x32xf32, #tpu.memory_space<vmem>>) offsets(%dma_start3A_314 : memref<128xi32, #tpu.memory_space<vmem>>) semaphore(%arg18 : memref<!tpu.dma_semaphore, #tpu.memory_space<semaphore_mem>>)
      } else {
      }
      %add3A_214 = arith.constant 1 : i32
      %add3A_215 = arith.addi %mul3A_92, %add3A_214 : i32
      %add3A_216 = arith.constant 8 : i32
      %add3A_217 = arith.addi %add3A_215, %add3A_216 : i32
      %dma_wait3A_218 = arith.constant 0 : i32
      %dma_wait3A_219 = tpu.memref_slice %arg8[%add3A_215, %dma_wait3A_218] : memref<136x128xi32, #tpu.memory_space<vmem>> -> memref<1x128xi32, #tpu.memory_space<vmem>>
      %dma_wait3A_220 = tpu.memref_squeeze %dma_wait3A_219 : memref<1x128xi32, #tpu.memory_space<vmem>> -> memref<128xi32, #tpu.memory_space<vmem>>
      %dma_wait3A_221 = arith.constant 0 : i32
      %dma_wait3A_222 = arith.constant 0 : i32
      %dma_wait3A_223 = tpu.memref_slice %arg17[%dma_wait3A_221, %dma_wait3A_222] : memref<10112x32xf32, #tpu.memory_space<vmem_shared>> -> memref<10112x32xf32, #tpu.memory_space<vmem_shared>>
      tpu.wait_indirect_dma semaphore(%arg27 : memref<!tpu.dma_semaphore, #tpu.memory_space<semaphore_mem>>) src(%arg10 : memref<128x32xf32, #tpu.memory_space<vmem>>) dst(%dma_wait3A_223 : memref<10112x32xf32, #tpu.memory_space<vmem_shared>>)
      %lt3A_224 = arith.cmpi slt, %add3A_217, %select_n3A_2 : i32
      %convert_element_type3A_225 = arith.extui %lt3A_224 : i1 to i32
      %cond3A_226 = arith.constant 0 : i32
      %cond3A_227 = arith.cmpi ne, %convert_element_type3A_225, %cond3A_226 : i32
      scf.if %cond3A_227 {
        %dma_start3A_312 = arith.constant 0 : i32
        %dma_start3A_313 = tpu.memref_slice %arg7[%add3A_217, %dma_start3A_312] : memref<136x128xi32, #tpu.memory_space<vmem>> -> memref<1x128xi32, #tpu.memory_space<vmem>>
        %dma_start3A_314 = tpu.memref_squeeze %dma_start3A_313 : memref<1x128xi32, #tpu.memory_space<vmem>> -> memref<128xi32, #tpu.memory_space<vmem>>
        %dma_start3A_315 = arith.constant 0 : i32
        %dma_start3A_316 = arith.constant 0 : i32
        %dma_start3A_317 = tpu.memref_slice %arg2[%dma_start3A_315, %dma_start3A_316] : memref<10000x32xf32, #tpu.memory_space<hbm>> -> memref<10000x32xf32, #tpu.memory_space<hbm>>
        tpu.enqueue_indirect_dma source(%dma_start3A_317 : memref<10000x32xf32, #tpu.memory_space<hbm>>) target(%arg10 : memref<128x32xf32, #tpu.memory_space<vmem>>) offsets(%dma_start3A_314 : memref<128xi32, #tpu.memory_space<vmem>>) semaphore(%arg19 : memref<!tpu.dma_semaphore, #tpu.memory_space<semaphore_mem>>)
      } else {
      }
      %add3A_228 = arith.constant 2 : i32
      %add3A_229 = arith.addi %mul3A_92, %add3A_228 : i32
      %add3A_230 = arith.constant 8 : i32
      %add3A_231 = arith.addi %add3A_229, %add3A_230 : i32
      %dma_wait3A_232 = arith.constant 0 : i32
      %dma_wait3A_233 = tpu.memref_slice %arg8[%add3A_229, %dma_wait3A_232] : memref<136x128xi32, #tpu.memory_space<vmem>> -> memref<1x128xi32, #tpu.memory_space<vmem>>
      %dma_wait3A_234 = tpu.memref_squeeze %dma_wait3A_233 : memref<1x128xi32, #tpu.memory_space<vmem>> -> memref<128xi32, #tpu.memory_space<vmem>>
      %dma_wait3A_235 = arith.constant 0 : i32
      %dma_wait3A_236 = arith.constant 0 : i32
      %dma_wait3A_237 = tpu.memref_slice %arg17[%dma_wait3A_235, %dma_wait3A_236] : memref<10112x32xf32, #tpu.memory_space<vmem_shared>> -> memref<10112x32xf32, #tpu.memory_space<vmem_shared>>
      tpu.wait_indirect_dma semaphore(%arg28 : memref<!tpu.dma_semaphore, #tpu.memory_space<semaphore_mem>>) src(%arg11 : memref<128x32xf32, #tpu.memory_space<vmem>>) dst(%dma_wait3A_237 : memref<10112x32xf32, #tpu.memory_space<vmem_shared>>)
      %lt3A_238 = arith.cmpi slt, %add3A_231, %select_n3A_2 : i32
      %convert_element_type3A_239 = arith.extui %lt3A_238 : i1 to i32
      %cond3A_240 = arith.constant 0 : i32
      %cond3A_241 = arith.cmpi ne, %convert_element_type3A_239, %cond3A_240 : i32
      scf.if %cond3A_241 {
        %dma_start3A_312 = arith.constant 0 : i32
        %dma_start3A_313 = tpu.memref_slice %arg7[%add3A_231, %dma_start3A_312] : memref<136x128xi32, #tpu.memory_space<vmem>> -> memref<1x128xi32, #tpu.memory_space<vmem>>
        %dma_start3A_314 = tpu.memref_squeeze %dma_start3A_313 : memref<1x128xi32, #tpu.memory_space<vmem>> -> memref<128xi32, #tpu.memory_space<vmem>>
        %dma_start3A_315 = arith.constant 0 : i32
        %dma_start3A_316 = arith.constant 0 : i32
        %dma_start3A_317 = tpu.memref_slice %arg2[%dma_start3A_315, %dma_start3A_316] : memref<10000x32xf32, #tpu.memory_space<hbm>> -> memref<10000x32xf32, #tpu.memory_space<hbm>>
        tpu.enqueue_indirect_dma source(%dma_start3A_317 : memref<10000x32xf32, #tpu.memory_space<hbm>>) target(%arg11 : memref<128x32xf32, #tpu.memory_space<vmem>>) offsets(%dma_start3A_314 : memref<128xi32, #tpu.memory_space<vmem>>) semaphore(%arg20 : memref<!tpu.dma_semaphore, #tpu.memory_space<semaphore_mem>>)
      } else {
      }
      %add3A_242 = arith.constant 3 : i32
      %add3A_243 = arith.addi %mul3A_92, %add3A_242 : i32
      %add3A_244 = arith.constant 8 : i32
      %add3A_245 = arith.addi %add3A_243, %add3A_244 : i32
      %dma_wait3A_246 = arith.constant 0 : i32
      %dma_wait3A_247 = tpu.memref_slice %arg8[%add3A_243, %dma_wait3A_246] : memref<136x128xi32, #tpu.memory_space<vmem>> -> memref<1x128xi32, #tpu.memory_space<vmem>>
      %dma_wait3A_248 = tpu.memref_squeeze %dma_wait3A_247 : memref<1x128xi32, #tpu.memory_space<vmem>> -> memref<128xi32, #tpu.memory_space<vmem>>
      %dma_wait3A_249 = arith.constant 0 : i32
      %dma_wait3A_250 = arith.constant 0 : i32
      %dma_wait3A_251 = tpu.memref_slice %arg17[%dma_wait3A_249, %dma_wait3A_250] : memref<10112x32xf32, #tpu.memory_space<vmem_shared>> -> memref<10112x32xf32, #tpu.memory_space<vmem_shared>>
      tpu.wait_indirect_dma semaphore(%arg29 : memref<!tpu.dma_semaphore, #tpu.memory_space<semaphore_mem>>) src(%arg12 : memref<128x32xf32, #tpu.memory_space<vmem>>) dst(%dma_wait3A_251 : memref<10112x32xf32, #tpu.memory_space<vmem_shared>>)
      %lt3A_252 = arith.cmpi slt, %add3A_245, %select_n3A_2 : i32
      %convert_element_type3A_253 = arith.extui %lt3A_252 : i1 to i32
      %cond3A_254 = arith.constant 0 : i32
      %cond3A_255 = arith.cmpi ne, %convert_element_type3A_253, %cond3A_254 : i32
      scf.if %cond3A_255 {
        %dma_start3A_312 = arith.constant 0 : i32
        %dma_start3A_313 = tpu.memref_slice %arg7[%add3A_245, %dma_start3A_312] : memref<136x128xi32, #tpu.memory_space<vmem>> -> memref<1x128xi32, #tpu.memory_space<vmem>>
        %dma_start3A_314 = tpu.memref_squeeze %dma_start3A_313 : memref<1x128xi32, #tpu.memory_space<vmem>> -> memref<128xi32, #tpu.memory_space<vmem>>
        %dma_start3A_315 = arith.constant 0 : i32
        %dma_start3A_316 = arith.constant 0 : i32
        %dma_start3A_317 = tpu.memref_slice %arg2[%dma_start3A_315, %dma_start3A_316] : memref<10000x32xf32, #tpu.memory_space<hbm>> -> memref<10000x32xf32, #tpu.memory_space<hbm>>
        tpu.enqueue_indirect_dma source(%dma_start3A_317 : memref<10000x32xf32, #tpu.memory_space<hbm>>) target(%arg12 : memref<128x32xf32, #tpu.memory_space<vmem>>) offsets(%dma_start3A_314 : memref<128xi32, #tpu.memory_space<vmem>>) semaphore(%arg21 : memref<!tpu.dma_semaphore, #tpu.memory_space<semaphore_mem>>)
      } else {
      }
      %add3A_256 = arith.constant 4 : i32
      %add3A_257 = arith.addi %mul3A_92, %add3A_256 : i32
      %add3A_258 = arith.constant 8 : i32
      %add3A_259 = arith.addi %add3A_257, %add3A_258 : i32
      %dma_wait3A_260 = arith.constant 0 : i32
      %dma_wait3A_261 = tpu.memref_slice %arg8[%add3A_257, %dma_wait3A_260] : memref<136x128xi32, #tpu.memory_space<vmem>> -> memref<1x128xi32, #tpu.memory_space<vmem>>
      %dma_wait3A_262 = tpu.memref_squeeze %dma_wait3A_261 : memref<1x128xi32, #tpu.memory_space<vmem>> -> memref<128xi32, #tpu.memory_space<vmem>>
      %dma_wait3A_263 = arith.constant 0 : i32
      %dma_wait3A_264 = arith.constant 0 : i32
      %dma_wait3A_265 = tpu.memref_slice %arg17[%dma_wait3A_263, %dma_wait3A_264] : memref<10112x32xf32, #tpu.memory_space<vmem_shared>> -> memref<10112x32xf32, #tpu.memory_space<vmem_shared>>
      tpu.wait_indirect_dma semaphore(%arg30 : memref<!tpu.dma_semaphore, #tpu.memory_space<semaphore_mem>>) src(%arg13 : memref<128x32xf32, #tpu.memory_space<vmem>>) dst(%dma_wait3A_265 : memref<10112x32xf32, #tpu.memory_space<vmem_shared>>)
      %lt3A_266 = arith.cmpi slt, %add3A_259, %select_n3A_2 : i32
      %convert_element_type3A_267 = arith.extui %lt3A_266 : i1 to i32
      %cond3A_268 = arith.constant 0 : i32
      %cond3A_269 = arith.cmpi ne, %convert_element_type3A_267, %cond3A_268 : i32
      scf.if %cond3A_269 {
        %dma_start3A_312 = arith.constant 0 : i32
        %dma_start3A_313 = tpu.memref_slice %arg7[%add3A_259, %dma_start3A_312] : memref<136x128xi32, #tpu.memory_space<vmem>> -> memref<1x128xi32, #tpu.memory_space<vmem>>
        %dma_start3A_314 = tpu.memref_squeeze %dma_start3A_313 : memref<1x128xi32, #tpu.memory_space<vmem>> -> memref<128xi32, #tpu.memory_space<vmem>>
        %dma_start3A_315 = arith.constant 0 : i32
        %dma_start3A_316 = arith.constant 0 : i32
        %dma_start3A_317 = tpu.memref_slice %arg2[%dma_start3A_315, %dma_start3A_316] : memref<10000x32xf32, #tpu.memory_space<hbm>> -> memref<10000x32xf32, #tpu.memory_space<hbm>>
        tpu.enqueue_indirect_dma source(%dma_start3A_317 : memref<10000x32xf32, #tpu.memory_space<hbm>>) target(%arg13 : memref<128x32xf32, #tpu.memory_space<vmem>>) offsets(%dma_start3A_314 : memref<128xi32, #tpu.memory_space<vmem>>) semaphore(%arg22 : memref<!tpu.dma_semaphore, #tpu.memory_space<semaphore_mem>>)
      } else {
      }
      %add3A_270 = arith.constant 5 : i32
      %add3A_271 = arith.addi %mul3A_92, %add3A_270 : i32
      %add3A_272 = arith.constant 8 : i32
      %add3A_273 = arith.addi %add3A_271, %add3A_272 : i32
      %dma_wait3A_274 = arith.constant 0 : i32
      %dma_wait3A_275 = tpu.memref_slice %arg8[%add3A_271, %dma_wait3A_274] : memref<136x128xi32, #tpu.memory_space<vmem>> -> memref<1x128xi32, #tpu.memory_space<vmem>>
      %dma_wait3A_276 = tpu.memref_squeeze %dma_wait3A_275 : memref<1x128xi32, #tpu.memory_space<vmem>> -> memref<128xi32, #tpu.memory_space<vmem>>
      %dma_wait3A_277 = arith.constant 0 : i32
      %dma_wait3A_278 = arith.constant 0 : i32
      %dma_wait3A_279 = tpu.memref_slice %arg17[%dma_wait3A_277, %dma_wait3A_278] : memref<10112x32xf32, #tpu.memory_space<vmem_shared>> -> memref<10112x32xf32, #tpu.memory_space<vmem_shared>>
      tpu.wait_indirect_dma semaphore(%arg31 : memref<!tpu.dma_semaphore, #tpu.memory_space<semaphore_mem>>) src(%arg14 : memref<128x32xf32, #tpu.memory_space<vmem>>) dst(%dma_wait3A_279 : memref<10112x32xf32, #tpu.memory_space<vmem_shared>>)
      %lt3A_280 = arith.cmpi slt, %add3A_273, %select_n3A_2 : i32
      %convert_element_type3A_281 = arith.extui %lt3A_280 : i1 to i32
      %cond3A_282 = arith.constant 0 : i32
      %cond3A_283 = arith.cmpi ne, %convert_element_type3A_281, %cond3A_282 : i32
      scf.if %cond3A_283 {
        %dma_start3A_312 = arith.constant 0 : i32
        %dma_start3A_313 = tpu.memref_slice %arg7[%add3A_273, %dma_start3A_312] : memref<136x128xi32, #tpu.memory_space<vmem>> -> memref<1x128xi32, #tpu.memory_space<vmem>>
        %dma_start3A_314 = tpu.memref_squeeze %dma_start3A_313 : memref<1x128xi32, #tpu.memory_space<vmem>> -> memref<128xi32, #tpu.memory_space<vmem>>
        %dma_start3A_315 = arith.constant 0 : i32
        %dma_start3A_316 = arith.constant 0 : i32
        %dma_start3A_317 = tpu.memref_slice %arg2[%dma_start3A_315, %dma_start3A_316] : memref<10000x32xf32, #tpu.memory_space<hbm>> -> memref<10000x32xf32, #tpu.memory_space<hbm>>
        tpu.enqueue_indirect_dma source(%dma_start3A_317 : memref<10000x32xf32, #tpu.memory_space<hbm>>) target(%arg14 : memref<128x32xf32, #tpu.memory_space<vmem>>) offsets(%dma_start3A_314 : memref<128xi32, #tpu.memory_space<vmem>>) semaphore(%arg23 : memref<!tpu.dma_semaphore, #tpu.memory_space<semaphore_mem>>)
      } else {
      }
      %add3A_284 = arith.constant 6 : i32
      %add3A_285 = arith.addi %mul3A_92, %add3A_284 : i32
      %add3A_286 = arith.constant 8 : i32
      %add3A_287 = arith.addi %add3A_285, %add3A_286 : i32
      %dma_wait3A_288 = arith.constant 0 : i32
      %dma_wait3A_289 = tpu.memref_slice %arg8[%add3A_285, %dma_wait3A_288] : memref<136x128xi32, #tpu.memory_space<vmem>> -> memref<1x128xi32, #tpu.memory_space<vmem>>
      %dma_wait3A_290 = tpu.memref_squeeze %dma_wait3A_289 : memref<1x128xi32, #tpu.memory_space<vmem>> -> memref<128xi32, #tpu.memory_space<vmem>>
      %dma_wait3A_291 = arith.constant 0 : i32
      %dma_wait3A_292 = arith.constant 0 : i32
      %dma_wait3A_293 = tpu.memref_slice %arg17[%dma_wait3A_291, %dma_wait3A_292] : memref<10112x32xf32, #tpu.memory_space<vmem_shared>> -> memref<10112x32xf32, #tpu.memory_space<vmem_shared>>
      tpu.wait_indirect_dma semaphore(%arg32 : memref<!tpu.dma_semaphore, #tpu.memory_space<semaphore_mem>>) src(%arg15 : memref<128x32xf32, #tpu.memory_space<vmem>>) dst(%dma_wait3A_293 : memref<10112x32xf32, #tpu.memory_space<vmem_shared>>)
      %lt3A_294 = arith.cmpi slt, %add3A_287, %select_n3A_2 : i32
      %convert_element_type3A_295 = arith.extui %lt3A_294 : i1 to i32
      %cond3A_296 = arith.constant 0 : i32
      %cond3A_297 = arith.cmpi ne, %convert_element_type3A_295, %cond3A_296 : i32
      scf.if %cond3A_297 {
        %dma_start3A_312 = arith.constant 0 : i32
        %dma_start3A_313 = tpu.memref_slice %arg7[%add3A_287, %dma_start3A_312] : memref<136x128xi32, #tpu.memory_space<vmem>> -> memref<1x128xi32, #tpu.memory_space<vmem>>
        %dma_start3A_314 = tpu.memref_squeeze %dma_start3A_313 : memref<1x128xi32, #tpu.memory_space<vmem>> -> memref<128xi32, #tpu.memory_space<vmem>>
        %dma_start3A_315 = arith.constant 0 : i32
        %dma_start3A_316 = arith.constant 0 : i32
        %dma_start3A_317 = tpu.memref_slice %arg2[%dma_start3A_315, %dma_start3A_316] : memref<10000x32xf32, #tpu.memory_space<hbm>> -> memref<10000x32xf32, #tpu.memory_space<hbm>>
        tpu.enqueue_indirect_dma source(%dma_start3A_317 : memref<10000x32xf32, #tpu.memory_space<hbm>>) target(%arg15 : memref<128x32xf32, #tpu.memory_space<vmem>>) offsets(%dma_start3A_314 : memref<128xi32, #tpu.memory_space<vmem>>) semaphore(%arg24 : memref<!tpu.dma_semaphore, #tpu.memory_space<semaphore_mem>>)
      } else {
      }
      %add3A_298 = arith.constant 7 : i32
      %add3A_299 = arith.addi %mul3A_92, %add3A_298 : i32
      %add3A_300 = arith.constant 8 : i32
      %add3A_301 = arith.addi %add3A_299, %add3A_300 : i32
      %dma_wait3A_302 = arith.constant 0 : i32
      %dma_wait3A_303 = tpu.memref_slice %arg8[%add3A_299, %dma_wait3A_302] : memref<136x128xi32, #tpu.memory_space<vmem>> -> memref<1x128xi32, #tpu.memory_space<vmem>>
      %dma_wait3A_304 = tpu.memref_squeeze %dma_wait3A_303 : memref<1x128xi32, #tpu.memory_space<vmem>> -> memref<128xi32, #tpu.memory_space<vmem>>
      %dma_wait3A_305 = arith.constant 0 : i32
      %dma_wait3A_306 = arith.constant 0 : i32
      %dma_wait3A_307 = tpu.memref_slice %arg17[%dma_wait3A_305, %dma_wait3A_306] : memref<10112x32xf32, #tpu.memory_space<vmem_shared>> -> memref<10112x32xf32, #tpu.memory_space<vmem_shared>>
      tpu.wait_indirect_dma semaphore(%arg33 : memref<!tpu.dma_semaphore, #tpu.memory_space<semaphore_mem>>) src(%arg16 : memref<128x32xf32, #tpu.memory_space<vmem>>) dst(%dma_wait3A_307 : memref<10112x32xf32, #tpu.memory_space<vmem_shared>>)
      %lt3A_308 = arith.cmpi slt, %add3A_301, %select_n3A_2 : i32
      %convert_element_type3A_309 = arith.extui %lt3A_308 : i1 to i32
      %cond3A_310 = arith.constant 0 : i32
      %cond3A_311 = arith.cmpi ne, %convert_element_type3A_309, %cond3A_310 : i32
      scf.if %cond3A_311 {
        %dma_start3A_312 = arith.constant 0 : i32
        %dma_start3A_313 = tpu.memref_slice %arg7[%add3A_301, %dma_start3A_312] : memref<136x128xi32, #tpu.memory_space<vmem>> -> memref<1x128xi32, #tpu.memory_space<vmem>>
        %dma_start3A_314 = tpu.memref_squeeze %dma_start3A_313 : memref<1x128xi32, #tpu.memory_space<vmem>> -> memref<128xi32, #tpu.memory_space<vmem>>
        %dma_start3A_315 = arith.constant 0 : i32
        %dma_start3A_316 = arith.constant 0 : i32
        %dma_start3A_317 = tpu.memref_slice %arg2[%dma_start3A_315, %dma_start3A_316] : memref<10000x32xf32, #tpu.memory_space<hbm>> -> memref<10000x32xf32, #tpu.memory_space<hbm>>
        tpu.enqueue_indirect_dma source(%dma_start3A_317 : memref<10000x32xf32, #tpu.memory_space<hbm>>) target(%arg16 : memref<128x32xf32, #tpu.memory_space<vmem>>) offsets(%dma_start3A_314 : memref<128xi32, #tpu.memory_space<vmem>>) semaphore(%arg25 : memref<!tpu.dma_semaphore, #tpu.memory_space<semaphore_mem>>)
      } else {
      }
    }
    %while3A_84 = arith.constant 1 : i32
    scf.for %while3A_90 = %while3A_82 to %while3A_78 step %while3A_84  : i32 {
      %mul3A_91 = arith.constant 8 : i32
      %mul3A_92 = arith.muli %while3A_90, %mul3A_91 : i32
      %add3A = arith.constant 0 : i32
      %add3A_93 = arith.addi %mul3A_92, %add3A : i32
      %dma_wait3A = arith.constant 0 : i32
      %dma_wait3A_94 = tpu.memref_slice %arg7[%add3A_93, %dma_wait3A] : memref<136x128xi32, #tpu.memory_space<vmem>> -> memref<1x128xi32, #tpu.memory_space<vmem>>
      %dma_wait3A_95 = tpu.memref_squeeze %dma_wait3A_94 : memref<1x128xi32, #tpu.memory_space<vmem>> -> memref<128xi32, #tpu.memory_space<vmem>>
      %dma_wait3A_96 = arith.constant 0 : i32
      %dma_wait3A_97 = arith.constant 0 : i32
      %dma_wait3A_98 = tpu.memref_slice %arg2[%dma_wait3A_96, %dma_wait3A_97] : memref<10000x32xf32, #tpu.memory_space<hbm>> -> memref<10000x32xf32, #tpu.memory_space<hbm>>
      tpu.wait_indirect_dma semaphore(%arg18 : memref<!tpu.dma_semaphore, #tpu.memory_space<semaphore_mem>>) src(%dma_wait3A_98 : memref<10000x32xf32, #tpu.memory_space<hbm>>) dst(%arg9 : memref<128x32xf32, #tpu.memory_space<vmem>>)
      %dma_start3A_99 = arith.constant 0 : i32
      %dma_start3A_100 = tpu.memref_slice %arg8[%add3A_93, %dma_start3A_99] : memref<136x128xi32, #tpu.memory_space<vmem>> -> memref<1x128xi32, #tpu.memory_space<vmem>>
      %dma_start3A_101 = tpu.memref_squeeze %dma_start3A_100 : memref<1x128xi32, #tpu.memory_space<vmem>> -> memref<128xi32, #tpu.memory_space<vmem>>
      %dma_start3A_102 = arith.constant 0 : i32
      %dma_start3A_103 = arith.constant 0 : i32
      %dma_start3A_104 = tpu.memref_slice %arg17[%dma_start3A_102, %dma_start3A_103] : memref<10112x32xf32, #tpu.memory_space<vmem_shared>> -> memref<10112x32xf32, #tpu.memory_space<vmem_shared>>
      tpu.enqueue_indirect_dma source(%arg9 : memref<128x32xf32, #tpu.memory_space<vmem>>) target(%dma_start3A_104 : memref<10112x32xf32, #tpu.memory_space<vmem_shared>>) offsets(%dma_start3A_101 : memref<128xi32, #tpu.memory_space<vmem>>) semaphore(%arg26 : memref<!tpu.dma_semaphore, #tpu.memory_space<semaphore_mem>>) {add = true}
      %add3A_105 = arith.constant 1 : i32
      %add3A_106 = arith.addi %mul3A_92, %add3A_105 : i32
      %dma_wait3A_107 = arith.constant 0 : i32
      %dma_wait3A_108 = tpu.memref_slice %arg7[%add3A_106, %dma_wait3A_107] : memref<136x128xi32, #tpu.memory_space<vmem>> -> memref<1x128xi32, #tpu.memory_space<vmem>>
      %dma_wait3A_109 = tpu.memref_squeeze %dma_wait3A_108 : memref<1x128xi32, #tpu.memory_space<vmem>> -> memref<128xi32, #tpu.memory_space<vmem>>
      %dma_wait3A_110 = arith.constant 0 : i32
      %dma_wait3A_111 = arith.constant 0 : i32
      %dma_wait3A_112 = tpu.memref_slice %arg2[%dma_wait3A_110, %dma_wait3A_111] : memref<10000x32xf32, #tpu.memory_space<hbm>> -> memref<10000x32xf32, #tpu.memory_space<hbm>>
      tpu.wait_indirect_dma semaphore(%arg19 : memref<!tpu.dma_semaphore, #tpu.memory_space<semaphore_mem>>) src(%dma_wait3A_112 : memref<10000x32xf32, #tpu.memory_space<hbm>>) dst(%arg10 : memref<128x32xf32, #tpu.memory_space<vmem>>)
      %dma_start3A_113 = arith.constant 0 : i32
      %dma_start3A_114 = tpu.memref_slice %arg8[%add3A_106, %dma_start3A_113] : memref<136x128xi32, #tpu.memory_space<vmem>> -> memref<1x128xi32, #tpu.memory_space<vmem>>
      %dma_start3A_115 = tpu.memref_squeeze %dma_start3A_114 : memref<1x128xi32, #tpu.memory_space<vmem>> -> memref<128xi32, #tpu.memory_space<vmem>>
      %dma_start3A_116 = arith.constant 0 : i32
      %dma_start3A_117 = arith.constant 0 : i32
      %dma_start3A_118 = tpu.memref_slice %arg17[%dma_start3A_116, %dma_start3A_117] : memref<10112x32xf32, #tpu.memory_space<vmem_shared>> -> memref<10112x32xf32, #tpu.memory_space<vmem_shared>>
      tpu.enqueue_indirect_dma source(%arg10 : memref<128x32xf32, #tpu.memory_space<vmem>>) target(%dma_start3A_118 : memref<10112x32xf32, #tpu.memory_space<vmem_shared>>) offsets(%dma_start3A_115 : memref<128xi32, #tpu.memory_space<vmem>>) semaphore(%arg27 : memref<!tpu.dma_semaphore, #tpu.memory_space<semaphore_mem>>) {add = true}
      %add3A_119 = arith.constant 2 : i32
      %add3A_120 = arith.addi %mul3A_92, %add3A_119 : i32
      %dma_wait3A_121 = arith.constant 0 : i32
      %dma_wait3A_122 = tpu.memref_slice %arg7[%add3A_120, %dma_wait3A_121] : memref<136x128xi32, #tpu.memory_space<vmem>> -> memref<1x128xi32, #tpu.memory_space<vmem>>
      %dma_wait3A_123 = tpu.memref_squeeze %dma_wait3A_122 : memref<1x128xi32, #tpu.memory_space<vmem>> -> memref<128xi32, #tpu.memory_space<vmem>>
      %dma_wait3A_124 = arith.constant 0 : i32
      %dma_wait3A_125 = arith.constant 0 : i32
      %dma_wait3A_126 = tpu.memref_slice %arg2[%dma_wait3A_124, %dma_wait3A_125] : memref<10000x32xf32, #tpu.memory_space<hbm>> -> memref<10000x32xf32, #tpu.memory_space<hbm>>
      tpu.wait_indirect_dma semaphore(%arg20 : memref<!tpu.dma_semaphore, #tpu.memory_space<semaphore_mem>>) src(%dma_wait3A_126 : memref<10000x32xf32, #tpu.memory_space<hbm>>) dst(%arg11 : memref<128x32xf32, #tpu.memory_space<vmem>>)
      %dma_start3A_127 = arith.constant 0 : i32
      %dma_start3A_128 = tpu.memref_slice %arg8[%add3A_120, %dma_start3A_127] : memref<136x128xi32, #tpu.memory_space<vmem>> -> memref<1x128xi32, #tpu.memory_space<vmem>>
      %dma_start3A_129 = tpu.memref_squeeze %dma_start3A_128 : memref<1x128xi32, #tpu.memory_space<vmem>> -> memref<128xi32, #tpu.memory_space<vmem>>
      %dma_start3A_130 = arith.constant 0 : i32
      %dma_start3A_131 = arith.constant 0 : i32
      %dma_start3A_132 = tpu.memref_slice %arg17[%dma_start3A_130, %dma_start3A_131] : memref<10112x32xf32, #tpu.memory_space<vmem_shared>> -> memref<10112x32xf32, #tpu.memory_space<vmem_shared>>
      tpu.enqueue_indirect_dma source(%arg11 : memref<128x32xf32, #tpu.memory_space<vmem>>) target(%dma_start3A_132 : memref<10112x32xf32, #tpu.memory_space<vmem_shared>>) offsets(%dma_start3A_129 : memref<128xi32, #tpu.memory_space<vmem>>) semaphore(%arg28 : memref<!tpu.dma_semaphore, #tpu.memory_space<semaphore_mem>>) {add = true}
      %add3A_133 = arith.constant 3 : i32
      %add3A_134 = arith.addi %mul3A_92, %add3A_133 : i32
      %dma_wait3A_135 = arith.constant 0 : i32
      %dma_wait3A_136 = tpu.memref_slice %arg7[%add3A_134, %dma_wait3A_135] : memref<136x128xi32, #tpu.memory_space<vmem>> -> memref<1x128xi32, #tpu.memory_space<vmem>>
      %dma_wait3A_137 = tpu.memref_squeeze %dma_wait3A_136 : memref<1x128xi32, #tpu.memory_space<vmem>> -> memref<128xi32, #tpu.memory_space<vmem>>
      %dma_wait3A_138 = arith.constant 0 : i32
      %dma_wait3A_139 = arith.constant 0 : i32
      %dma_wait3A_140 = tpu.memref_slice %arg2[%dma_wait3A_138, %dma_wait3A_139] : memref<10000x32xf32, #tpu.memory_space<hbm>> -> memref<10000x32xf32, #tpu.memory_space<hbm>>
      tpu.wait_indirect_dma semaphore(%arg21 : memref<!tpu.dma_semaphore, #tpu.memory_space<semaphore_mem>>) src(%dma_wait3A_140 : memref<10000x32xf32, #tpu.memory_space<hbm>>) dst(%arg12 : memref<128x32xf32, #tpu.memory_space<vmem>>)
      %dma_start3A_141 = arith.constant 0 : i32
      %dma_start3A_142 = tpu.memref_slice %arg8[%add3A_134, %dma_start3A_141] : memref<136x128xi32, #tpu.memory_space<vmem>> -> memref<1x128xi32, #tpu.memory_space<vmem>>
      %dma_start3A_143 = tpu.memref_squeeze %dma_start3A_142 : memref<1x128xi32, #tpu.memory_space<vmem>> -> memref<128xi32, #tpu.memory_space<vmem>>
      %dma_start3A_144 = arith.constant 0 : i32
      %dma_start3A_145 = arith.constant 0 : i32
      %dma_start3A_146 = tpu.memref_slice %arg17[%dma_start3A_144, %dma_start3A_145] : memref<10112x32xf32, #tpu.memory_space<vmem_shared>> -> memref<10112x32xf32, #tpu.memory_space<vmem_shared>>
      tpu.enqueue_indirect_dma source(%arg12 : memref<128x32xf32, #tpu.memory_space<vmem>>) target(%dma_start3A_146 : memref<10112x32xf32, #tpu.memory_space<vmem_shared>>) offsets(%dma_start3A_143 : memref<128xi32, #tpu.memory_space<vmem>>) semaphore(%arg29 : memref<!tpu.dma_semaphore, #tpu.memory_space<semaphore_mem>>) {add = true}
      %add3A_147 = arith.constant 4 : i32
      %add3A_148 = arith.addi %mul3A_92, %add3A_147 : i32
      %dma_wait3A_149 = arith.constant 0 : i32
      %dma_wait3A_150 = tpu.memref_slice %arg7[%add3A_148, %dma_wait3A_149] : memref<136x128xi32, #tpu.memory_space<vmem>> -> memref<1x128xi32, #tpu.memory_space<vmem>>
      %dma_wait3A_151 = tpu.memref_squeeze %dma_wait3A_150 : memref<1x128xi32, #tpu.memory_space<vmem>> -> memref<128xi32, #tpu.memory_space<vmem>>
      %dma_wait3A_152 = arith.constant 0 : i32
      %dma_wait3A_153 = arith.constant 0 : i32
      %dma_wait3A_154 = tpu.memref_slice %arg2[%dma_wait3A_152, %dma_wait3A_153] : memref<10000x32xf32, #tpu.memory_space<hbm>> -> memref<10000x32xf32, #tpu.memory_space<hbm>>
      tpu.wait_indirect_dma semaphore(%arg22 : memref<!tpu.dma_semaphore, #tpu.memory_space<semaphore_mem>>) src(%dma_wait3A_154 : memref<10000x32xf32, #tpu.memory_space<hbm>>) dst(%arg13 : memref<128x32xf32, #tpu.memory_space<vmem>>)
      %dma_start3A_155 = arith.constant 0 : i32
      %dma_start3A_156 = tpu.memref_slice %arg8[%add3A_148, %dma_start3A_155] : memref<136x128xi32, #tpu.memory_space<vmem>> -> memref<1x128xi32, #tpu.memory_space<vmem>>
      %dma_start3A_157 = tpu.memref_squeeze %dma_start3A_156 : memref<1x128xi32, #tpu.memory_space<vmem>> -> memref<128xi32, #tpu.memory_space<vmem>>
      %dma_start3A_158 = arith.constant 0 : i32
      %dma_start3A_159 = arith.constant 0 : i32
      %dma_start3A_160 = tpu.memref_slice %arg17[%dma_start3A_158, %dma_start3A_159] : memref<10112x32xf32, #tpu.memory_space<vmem_shared>> -> memref<10112x32xf32, #tpu.memory_space<vmem_shared>>
      tpu.enqueue_indirect_dma source(%arg13 : memref<128x32xf32, #tpu.memory_space<vmem>>) target(%dma_start3A_160 : memref<10112x32xf32, #tpu.memory_space<vmem_shared>>) offsets(%dma_start3A_157 : memref<128xi32, #tpu.memory_space<vmem>>) semaphore(%arg30 : memref<!tpu.dma_semaphore, #tpu.memory_space<semaphore_mem>>) {add = true}
      %add3A_161 = arith.constant 5 : i32
      %add3A_162 = arith.addi %mul3A_92, %add3A_161 : i32
      %dma_wait3A_163 = arith.constant 0 : i32
      %dma_wait3A_164 = tpu.memref_slice %arg7[%add3A_162, %dma_wait3A_163] : memref<136x128xi32, #tpu.memory_space<vmem>> -> memref<1x128xi32, #tpu.memory_space<vmem>>
      %dma_wait3A_165 = tpu.memref_squeeze %dma_wait3A_164 : memref<1x128xi32, #tpu.memory_space<vmem>> -> memref<128xi32, #tpu.memory_space<vmem>>
      %dma_wait3A_166 = arith.constant 0 : i32
      %dma_wait3A_167 = arith.constant 0 : i32
      %dma_wait3A_168 = tpu.memref_slice %arg2[%dma_wait3A_166, %dma_wait3A_167] : memref<10000x32xf32, #tpu.memory_space<hbm>> -> memref<10000x32xf32, #tpu.memory_space<hbm>>
      tpu.wait_indirect_dma semaphore(%arg23 : memref<!tpu.dma_semaphore, #tpu.memory_space<semaphore_mem>>) src(%dma_wait3A_168 : memref<10000x32xf32, #tpu.memory_space<hbm>>) dst(%arg14 : memref<128x32xf32, #tpu.memory_space<vmem>>)
      %dma_start3A_169 = arith.constant 0 : i32
      %dma_start3A_170 = tpu.memref_slice %arg8[%add3A_162, %dma_start3A_169] : memref<136x128xi32, #tpu.memory_space<vmem>> -> memref<1x128xi32, #tpu.memory_space<vmem>>
      %dma_start3A_171 = tpu.memref_squeeze %dma_start3A_170 : memref<1x128xi32, #tpu.memory_space<vmem>> -> memref<128xi32, #tpu.memory_space<vmem>>
      %dma_start3A_172 = arith.constant 0 : i32
      %dma_start3A_173 = arith.constant 0 : i32
      %dma_start3A_174 = tpu.memref_slice %arg17[%dma_start3A_172, %dma_start3A_173] : memref<10112x32xf32, #tpu.memory_space<vmem_shared>> -> memref<10112x32xf32, #tpu.memory_space<vmem_shared>>
      tpu.enqueue_indirect_dma source(%arg14 : memref<128x32xf32, #tpu.memory_space<vmem>>) target(%dma_start3A_174 : memref<10112x32xf32, #tpu.memory_space<vmem_shared>>) offsets(%dma_start3A_171 : memref<128xi32, #tpu.memory_space<vmem>>) semaphore(%arg31 : memref<!tpu.dma_semaphore, #tpu.memory_space<semaphore_mem>>) {add = true}
      %add3A_175 = arith.constant 6 : i32
      %add3A_176 = arith.addi %mul3A_92, %add3A_175 : i32
      %dma_wait3A_177 = arith.constant 0 : i32
      %dma_wait3A_178 = tpu.memref_slice %arg7[%add3A_176, %dma_wait3A_177] : memref<136x128xi32, #tpu.memory_space<vmem>> -> memref<1x128xi32, #tpu.memory_space<vmem>>
      %dma_wait3A_179 = tpu.memref_squeeze %dma_wait3A_178 : memref<1x128xi32, #tpu.memory_space<vmem>> -> memref<128xi32, #tpu.memory_space<vmem>>
      %dma_wait3A_180 = arith.constant 0 : i32
      %dma_wait3A_181 = arith.constant 0 : i32
      %dma_wait3A_182 = tpu.memref_slice %arg2[%dma_wait3A_180, %dma_wait3A_181] : memref<10000x32xf32, #tpu.memory_space<hbm>> -> memref<10000x32xf32, #tpu.memory_space<hbm>>
      tpu.wait_indirect_dma semaphore(%arg24 : memref<!tpu.dma_semaphore, #tpu.memory_space<semaphore_mem>>) src(%dma_wait3A_182 : memref<10000x32xf32, #tpu.memory_space<hbm>>) dst(%arg15 : memref<128x32xf32, #tpu.memory_space<vmem>>)
      %dma_start3A_183 = arith.constant 0 : i32
      %dma_start3A_184 = tpu.memref_slice %arg8[%add3A_176, %dma_start3A_183] : memref<136x128xi32, #tpu.memory_space<vmem>> -> memref<1x128xi32, #tpu.memory_space<vmem>>
      %dma_start3A_185 = tpu.memref_squeeze %dma_start3A_184 : memref<1x128xi32, #tpu.memory_space<vmem>> -> memref<128xi32, #tpu.memory_space<vmem>>
      %dma_start3A_186 = arith.constant 0 : i32
      %dma_start3A_187 = arith.constant 0 : i32
      %dma_start3A_188 = tpu.memref_slice %arg17[%dma_start3A_186, %dma_start3A_187] : memref<10112x32xf32, #tpu.memory_space<vmem_shared>> -> memref<10112x32xf32, #tpu.memory_space<vmem_shared>>
      tpu.enqueue_indirect_dma source(%arg15 : memref<128x32xf32, #tpu.memory_space<vmem>>) target(%dma_start3A_188 : memref<10112x32xf32, #tpu.memory_space<vmem_shared>>) offsets(%dma_start3A_185 : memref<128xi32, #tpu.memory_space<vmem>>) semaphore(%arg32 : memref<!tpu.dma_semaphore, #tpu.memory_space<semaphore_mem>>) {add = true}
      %add3A_189 = arith.constant 7 : i32
      %add3A_190 = arith.addi %mul3A_92, %add3A_189 : i32
      %dma_wait3A_191 = arith.constant 0 : i32
      %dma_wait3A_192 = tpu.memref_slice %arg7[%add3A_190, %dma_wait3A_191] : memref<136x128xi32, #tpu.memory_space<vmem>> -> memref<1x128xi32, #tpu.memory_space<vmem>>
      %dma_wait3A_193 = tpu.memref_squeeze %dma_wait3A_192 : memref<1x128xi32, #tpu.memory_space<vmem>> -> memref<128xi32, #tpu.memory_space<vmem>>
      %dma_wait3A_194 = arith.constant 0 : i32
      %dma_wait3A_195 = arith.constant 0 : i32
      %dma_wait3A_196 = tpu.memref_slice %arg2[%dma_wait3A_194, %dma_wait3A_195] : memref<10000x32xf32, #tpu.memory_space<hbm>> -> memref<10000x32xf32, #tpu.memory_space<hbm>>
      tpu.wait_indirect_dma semaphore(%arg25 : memref<!tpu.dma_semaphore, #tpu.memory_space<semaphore_mem>>) src(%dma_wait3A_196 : memref<10000x32xf32, #tpu.memory_space<hbm>>) dst(%arg16 : memref<128x32xf32, #tpu.memory_space<vmem>>)
      %dma_start3A_197 = arith.constant 0 : i32
      %dma_start3A_198 = tpu.memref_slice %arg8[%add3A_190, %dma_start3A_197] : memref<136x128xi32, #tpu.memory_space<vmem>> -> memref<1x128xi32, #tpu.memory_space<vmem>>
      %dma_start3A_199 = tpu.memref_squeeze %dma_start3A_198 : memref<1x128xi32, #tpu.memory_space<vmem>> -> memref<128xi32, #tpu.memory_space<vmem>>
      %dma_start3A_200 = arith.constant 0 : i32
      %dma_start3A_201 = arith.constant 0 : i32
      %dma_start3A_202 = tpu.memref_slice %arg17[%dma_start3A_200, %dma_start3A_201] : memref<10112x32xf32, #tpu.memory_space<vmem_shared>> -> memref<10112x32xf32, #tpu.memory_space<vmem_shared>>
      tpu.enqueue_indirect_dma source(%arg16 : memref<128x32xf32, #tpu.memory_space<vmem>>) target(%dma_start3A_202 : memref<10112x32xf32, #tpu.memory_space<vmem_shared>>) offsets(%dma_start3A_199 : memref<128xi32, #tpu.memory_space<vmem>>) semaphore(%arg33 : memref<!tpu.dma_semaphore, #tpu.memory_space<semaphore_mem>>) {add = true}
      %add3A_203 = arith.constant 0 : i32
      %add3A_204 = arith.addi %mul3A_92, %add3A_203 : i32
      %add3A_205 = arith.constant 8 : i32
      %add3A_206 = arith.addi %add3A_204, %add3A_205 : i32
      %dma_wait3A_207 = arith.constant 0 : i32
      %dma_wait3A_208 = tpu.memref_slice %arg8[%add3A_204, %dma_wait3A_207] : memref<136x128xi32, #tpu.memory_space<vmem>> -> memref<1x128xi32, #tpu.memory_space<vmem>>
      %dma_wait3A_209 = tpu.memref_squeeze %dma_wait3A_208 : memref<1x128xi32, #tpu.memory_space<vmem>> -> memref<128xi32, #tpu.memory_space<vmem>>
      %dma_wait3A_210 = arith.constant 0 : i32
      %dma_wait3A_211 = arith.constant 0 : i32
      %dma_wait3A_212 = tpu.memref_slice %arg17[%dma_wait3A_210, %dma_wait3A_211] : memref<10112x32xf32, #tpu.memory_space<vmem_shared>> -> memref<10112x32xf32, #tpu.memory_space<vmem_shared>>
      tpu.wait_indirect_dma semaphore(%arg26 : memref<!tpu.dma_semaphore, #tpu.memory_space<semaphore_mem>>) src(%arg9 : memref<128x32xf32, #tpu.memory_space<vmem>>) dst(%dma_wait3A_212 : memref<10112x32xf32, #tpu.memory_space<vmem_shared>>)
      %lt3A = arith.cmpi slt, %add3A_206, %select_n3A_2 : i32
      %convert_element_type3A = arith.extui %lt3A : i1 to i32
      %cond3A = arith.constant 0 : i32
      %cond3A_213 = arith.cmpi ne, %convert_element_type3A, %cond3A : i32
      scf.if %cond3A_213 {
        %dma_start3A_312 = arith.constant 0 : i32
        %dma_start3A_313 = tpu.memref_slice %arg7[%add3A_206, %dma_start3A_312] : memref<136x128xi32, #tpu.memory_space<vmem>> -> memref<1x128xi32, #tpu.memory_space<vmem>>
        %dma_start3A_314 = tpu.memref_squeeze %dma_start3A_313 : memref<1x128xi32, #tpu.memory_space<vmem>> -> memref<128xi32, #tpu.memory_space<vmem>>
        %dma_start3A_315 = arith.constant 0 : i32
        %dma_start3A_316 = arith.constant 0 : i32
        %dma_start3A_317 = tpu.memref_slice %arg2[%dma_start3A_315, %dma_start3A_316] : memref<10000x32xf32, #tpu.memory_space<hbm>> -> memref<10000x32xf32, #tpu.memory_space<hbm>>
        tpu.enqueue_indirect_dma source(%dma_start3A_317 : memref<10000x32xf32, #tpu.memory_space<hbm>>) target(%arg9 : memref<128x32xf32, #tpu.memory_space<vmem>>) offsets(%dma_start3A_314 : memref<128xi32, #tpu.memory_space<vmem>>) semaphore(%arg18 : memref<!tpu.dma_semaphore, #tpu.memory_space<semaphore_mem>>)
      } else {
      }
      %add3A_214 = arith.constant 1 : i32
      %add3A_215 = arith.addi %mul3A_92, %add3A_214 : i32
      %add3A_216 = arith.constant 8 : i32
      %add3A_217 = arith.addi %add3A_215, %add3A_216 : i32
      %dma_wait3A_218 = arith.constant 0 : i32
      %dma_wait3A_219 = tpu.memref_slice %arg8[%add3A_215, %dma_wait3A_218] : memref<136x128xi32, #tpu.memory_space<vmem>> -> memref<1x128xi32, #tpu.memory_space<vmem>>
      %dma_wait3A_220 = tpu.memref_squeeze %dma_wait3A_219 : memref<1x128xi32, #tpu.memory_space<vmem>> -> memref<128xi32, #tpu.memory_space<vmem>>
      %dma_wait3A_221 = arith.constant 0 : i32
      %dma_wait3A_222 = arith.constant 0 : i32
      %dma_wait3A_223 = tpu.memref_slice %arg17[%dma_wait3A_221, %dma_wait3A_222] : memref<10112x32xf32, #tpu.memory_space<vmem_shared>> -> memref<10112x32xf32, #tpu.memory_space<vmem_shared>>
      tpu.wait_indirect_dma semaphore(%arg27 : memref<!tpu.dma_semaphore, #tpu.memory_space<semaphore_mem>>) src(%arg10 : memref<128x32xf32, #tpu.memory_space<vmem>>) dst(%dma_wait3A_223 : memref<10112x32xf32, #tpu.memory_space<vmem_shared>>)
      %lt3A_224 = arith.cmpi slt, %add3A_217, %select_n3A_2 : i32
      %convert_element_type3A_225 = arith.extui %lt3A_224 : i1 to i32
      %cond3A_226 = arith.constant 0 : i32
      %cond3A_227 = arith.cmpi ne, %convert_element_type3A_225, %cond3A_226 : i32
      scf.if %cond3A_227 {
        %dma_start3A_312 = arith.constant 0 : i32
        %dma_start3A_313 = tpu.memref_slice %arg7[%add3A_217, %dma_start3A_312] : memref<136x128xi32, #tpu.memory_space<vmem>> -> memref<1x128xi32, #tpu.memory_space<vmem>>
        %dma_start3A_314 = tpu.memref_squeeze %dma_start3A_313 : memref<1x128xi32, #tpu.memory_space<vmem>> -> memref<128xi32, #tpu.memory_space<vmem>>
        %dma_start3A_315 = arith.constant 0 : i32
        %dma_start3A_316 = arith.constant 0 : i32
        %dma_start3A_317 = tpu.memref_slice %arg2[%dma_start3A_315, %dma_start3A_316] : memref<10000x32xf32, #tpu.memory_space<hbm>> -> memref<10000x32xf32, #tpu.memory_space<hbm>>
        tpu.enqueue_indirect_dma source(%dma_start3A_317 : memref<10000x32xf32, #tpu.memory_space<hbm>>) target(%arg10 : memref<128x32xf32, #tpu.memory_space<vmem>>) offsets(%dma_start3A_314 : memref<128xi32, #tpu.memory_space<vmem>>) semaphore(%arg19 : memref<!tpu.dma_semaphore, #tpu.memory_space<semaphore_mem>>)
      } else {
      }
      %add3A_228 = arith.constant 2 : i32
      %add3A_229 = arith.addi %mul3A_92, %add3A_228 : i32
      %add3A_230 = arith.constant 8 : i32
      %add3A_231 = arith.addi %add3A_229, %add3A_230 : i32
      %dma_wait3A_232 = arith.constant 0 : i32
      %dma_wait3A_233 = tpu.memref_slice %arg8[%add3A_229, %dma_wait3A_232] : memref<136x128xi32, #tpu.memory_space<vmem>> -> memref<1x128xi32, #tpu.memory_space<vmem>>
      %dma_wait3A_234 = tpu.memref_squeeze %dma_wait3A_233 : memref<1x128xi32, #tpu.memory_space<vmem>> -> memref<128xi32, #tpu.memory_space<vmem>>
      %dma_wait3A_235 = arith.constant 0 : i32
      %dma_wait3A_236 = arith.constant 0 : i32
      %dma_wait3A_237 = tpu.memref_slice %arg17[%dma_wait3A_235, %dma_wait3A_236] : memref<10112x32xf32, #tpu.memory_space<vmem_shared>> -> memref<10112x32xf32, #tpu.memory_space<vmem_shared>>
      tpu.wait_indirect_dma semaphore(%arg28 : memref<!tpu.dma_semaphore, #tpu.memory_space<semaphore_mem>>) src(%arg11 : memref<128x32xf32, #tpu.memory_space<vmem>>) dst(%dma_wait3A_237 : memref<10112x32xf32, #tpu.memory_space<vmem_shared>>)
      %lt3A_238 = arith.cmpi slt, %add3A_231, %select_n3A_2 : i32
      %convert_element_type3A_239 = arith.extui %lt3A_238 : i1 to i32
      %cond3A_240 = arith.constant 0 : i32
      %cond3A_241 = arith.cmpi ne, %convert_element_type3A_239, %cond3A_240 : i32
      scf.if %cond3A_241 {
        %dma_start3A_312 = arith.constant 0 : i32
        %dma_start3A_313 = tpu.memref_slice %arg7[%add3A_231, %dma_start3A_312] : memref<136x128xi32, #tpu.memory_space<vmem>> -> memref<1x128xi32, #tpu.memory_space<vmem>>
        %dma_start3A_314 = tpu.memref_squeeze %dma_start3A_313 : memref<1x128xi32, #tpu.memory_space<vmem>> -> memref<128xi32, #tpu.memory_space<vmem>>
        %dma_start3A_315 = arith.constant 0 : i32
        %dma_start3A_316 = arith.constant 0 : i32
        %dma_start3A_317 = tpu.memref_slice %arg2[%dma_start3A_315, %dma_start3A_316] : memref<10000x32xf32, #tpu.memory_space<hbm>> -> memref<10000x32xf32, #tpu.memory_space<hbm>>
        tpu.enqueue_indirect_dma source(%dma_start3A_317 : memref<10000x32xf32, #tpu.memory_space<hbm>>) target(%arg11 : memref<128x32xf32, #tpu.memory_space<vmem>>) offsets(%dma_start3A_314 : memref<128xi32, #tpu.memory_space<vmem>>) semaphore(%arg20 : memref<!tpu.dma_semaphore, #tpu.memory_space<semaphore_mem>>)
      } else {
      }
      %add3A_242 = arith.constant 3 : i32
      %add3A_243 = arith.addi %mul3A_92, %add3A_242 : i32
      %add3A_244 = arith.constant 8 : i32
      %add3A_245 = arith.addi %add3A_243, %add3A_244 : i32
      %dma_wait3A_246 = arith.constant 0 : i32
      %dma_wait3A_247 = tpu.memref_slice %arg8[%add3A_243, %dma_wait3A_246] : memref<136x128xi32, #tpu.memory_space<vmem>> -> memref<1x128xi32, #tpu.memory_space<vmem>>
      %dma_wait3A_248 = tpu.memref_squeeze %dma_wait3A_247 : memref<1x128xi32, #tpu.memory_space<vmem>> -> memref<128xi32, #tpu.memory_space<vmem>>
      %dma_wait3A_249 = arith.constant 0 : i32
      %dma_wait3A_250 = arith.constant 0 : i32
      %dma_wait3A_251 = tpu.memref_slice %arg17[%dma_wait3A_249, %dma_wait3A_250] : memref<10112x32xf32, #tpu.memory_space<vmem_shared>> -> memref<10112x32xf32, #tpu.memory_space<vmem_shared>>
      tpu.wait_indirect_dma semaphore(%arg29 : memref<!tpu.dma_semaphore, #tpu.memory_space<semaphore_mem>>) src(%arg12 : memref<128x32xf32, #tpu.memory_space<vmem>>) dst(%dma_wait3A_251 : memref<10112x32xf32, #tpu.memory_space<vmem_shared>>)
      %lt3A_252 = arith.cmpi slt, %add3A_245, %select_n3A_2 : i32
      %convert_element_type3A_253 = arith.extui %lt3A_252 : i1 to i32
      %cond3A_254 = arith.constant 0 : i32
      %cond3A_255 = arith.cmpi ne, %convert_element_type3A_253, %cond3A_254 : i32
      scf.if %cond3A_255 {
        %dma_start3A_312 = arith.constant 0 : i32
        %dma_start3A_313 = tpu.memref_slice %arg7[%add3A_245, %dma_start3A_312] : memref<136x128xi32, #tpu.memory_space<vmem>> -> memref<1x128xi32, #tpu.memory_space<vmem>>
        %dma_start3A_314 = tpu.memref_squeeze %dma_start3A_313 : memref<1x128xi32, #tpu.memory_space<vmem>> -> memref<128xi32, #tpu.memory_space<vmem>>
        %dma_start3A_315 = arith.constant 0 : i32
        %dma_start3A_316 = arith.constant 0 : i32
        %dma_start3A_317 = tpu.memref_slice %arg2[%dma_start3A_315, %dma_start3A_316] : memref<10000x32xf32, #tpu.memory_space<hbm>> -> memref<10000x32xf32, #tpu.memory_space<hbm>>
        tpu.enqueue_indirect_dma source(%dma_start3A_317 : memref<10000x32xf32, #tpu.memory_space<hbm>>) target(%arg12 : memref<128x32xf32, #tpu.memory_space<vmem>>) offsets(%dma_start3A_314 : memref<128xi32, #tpu.memory_space<vmem>>) semaphore(%arg21 : memref<!tpu.dma_semaphore, #tpu.memory_space<semaphore_mem>>)
      } else {
      }
      %add3A_256 = arith.constant 4 : i32
      %add3A_257 = arith.addi %mul3A_92, %add3A_256 : i32
      %add3A_258 = arith.constant 8 : i32
      %add3A_259 = arith.addi %add3A_257, %add3A_258 : i32
      %dma_wait3A_260 = arith.constant 0 : i32
      %dma_wait3A_261 = tpu.memref_slice %arg8[%add3A_257, %dma_wait3A_260] : memref<136x128xi32, #tpu.memory_space<vmem>> -> memref<1x128xi32, #tpu.memory_space<vmem>>
      %dma_wait3A_262 = tpu.memref_squeeze %dma_wait3A_261 : memref<1x128xi32, #tpu.memory_space<vmem>> -> memref<128xi32, #tpu.memory_space<vmem>>
      %dma_wait3A_263 = arith.constant 0 : i32
      %dma_wait3A_264 = arith.constant 0 : i32
      %dma_wait3A_265 = tpu.memref_slice %arg17[%dma_wait3A_263, %dma_wait3A_264] : memref<10112x32xf32, #tpu.memory_space<vmem_shared>> -> memref<10112x32xf32, #tpu.memory_space<vmem_shared>>
      tpu.wait_indirect_dma semaphore(%arg30 : memref<!tpu.dma_semaphore, #tpu.memory_space<semaphore_mem>>) src(%arg13 : memref<128x32xf32, #tpu.memory_space<vmem>>) dst(%dma_wait3A_265 : memref<10112x32xf32, #tpu.memory_space<vmem_shared>>)
      %lt3A_266 = arith.cmpi slt, %add3A_259, %select_n3A_2 : i32
      %convert_element_type3A_267 = arith.extui %lt3A_266 : i1 to i32
      %cond3A_268 = arith.constant 0 : i32
      %cond3A_269 = arith.cmpi ne, %convert_element_type3A_267, %cond3A_268 : i32
      scf.if %cond3A_269 {
        %dma_start3A_312 = arith.constant 0 : i32
        %dma_start3A_313 = tpu.memref_slice %arg7[%add3A_259, %dma_start3A_312] : memref<136x128xi32, #tpu.memory_space<vmem>> -> memref<1x128xi32, #tpu.memory_space<vmem>>
        %dma_start3A_314 = tpu.memref_squeeze %dma_start3A_313 : memref<1x128xi32, #tpu.memory_space<vmem>> -> memref<128xi32, #tpu.memory_space<vmem>>
        %dma_start3A_315 = arith.constant 0 : i32
        %dma_start3A_316 = arith.constant 0 : i32
        %dma_start3A_317 = tpu.memref_slice %arg2[%dma_start3A_315, %dma_start3A_316] : memref<10000x32xf32, #tpu.memory_space<hbm>> -> memref<10000x32xf32, #tpu.memory_space<hbm>>
        tpu.enqueue_indirect_dma source(%dma_start3A_317 : memref<10000x32xf32, #tpu.memory_space<hbm>>) target(%arg13 : memref<128x32xf32, #tpu.memory_space<vmem>>) offsets(%dma_start3A_314 : memref<128xi32, #tpu.memory_space<vmem>>) semaphore(%arg22 : memref<!tpu.dma_semaphore, #tpu.memory_space<semaphore_mem>>)
      } else {
      }
      %add3A_270 = arith.constant 5 : i32
      %add3A_271 = arith.addi %mul3A_92, %add3A_270 : i32
      %add3A_272 = arith.constant 8 : i32
      %add3A_273 = arith.addi %add3A_271, %add3A_272 : i32
      %dma_wait3A_274 = arith.constant 0 : i32
      %dma_wait3A_275 = tpu.memref_slice %arg8[%add3A_271, %dma_wait3A_274] : memref<136x128xi32, #tpu.memory_space<vmem>> -> memref<1x128xi32, #tpu.memory_space<vmem>>
      %dma_wait3A_276 = tpu.memref_squeeze %dma_wait3A_275 : memref<1x128xi32, #tpu.memory_space<vmem>> -> memref<128xi32, #tpu.memory_space<vmem>>
      %dma_wait3A_277 = arith.constant 0 : i32
      %dma_wait3A_278 = arith.constant 0 : i32
      %dma_wait3A_279 = tpu.memref_slice %arg17[%dma_wait3A_277, %dma_wait3A_278] : memref<10112x32xf32, #tpu.memory_space<vmem_shared>> -> memref<10112x32xf32, #tpu.memory_space<vmem_shared>>
      tpu.wait_indirect_dma semaphore(%arg31 : memref<!tpu.dma_semaphore, #tpu.memory_space<semaphore_mem>>) src(%arg14 : memref<128x32xf32, #tpu.memory_space<vmem>>) dst(%dma_wait3A_279 : memref<10112x32xf32, #tpu.memory_space<vmem_shared>>)
      %lt3A_280 = arith.cmpi slt, %add3A_273, %select_n3A_2 : i32
      %convert_element_type3A_281 = arith.extui %lt3A_280 : i1 to i32
      %cond3A_282 = arith.constant 0 : i32
      %cond3A_283 = arith.cmpi ne, %convert_element_type3A_281, %cond3A_282 : i32
      scf.if %cond3A_283 {
        %dma_start3A_312 = arith.constant 0 : i32
        %dma_start3A_313 = tpu.memref_slice %arg7[%add3A_273, %dma_start3A_312] : memref<136x128xi32, #tpu.memory_space<vmem>> -> memref<1x128xi32, #tpu.memory_space<vmem>>
        %dma_start3A_314 = tpu.memref_squeeze %dma_start3A_313 : memref<1x128xi32, #tpu.memory_space<vmem>> -> memref<128xi32, #tpu.memory_space<vmem>>
        %dma_start3A_315 = arith.constant 0 : i32
        %dma_start3A_316 = arith.constant 0 : i32
        %dma_start3A_317 = tpu.memref_slice %arg2[%dma_start3A_315, %dma_start3A_316] : memref<10000x32xf32, #tpu.memory_space<hbm>> -> memref<10000x32xf32, #tpu.memory_space<hbm>>
        tpu.enqueue_indirect_dma source(%dma_start3A_317 : memref<10000x32xf32, #tpu.memory_space<hbm>>) target(%arg14 : memref<128x32xf32, #tpu.memory_space<vmem>>) offsets(%dma_start3A_314 : memref<128xi32, #tpu.memory_space<vmem>>) semaphore(%arg23 : memref<!tpu.dma_semaphore, #tpu.memory_space<semaphore_mem>>)
      } else {
      }
      %add3A_284 = arith.constant 6 : i32
      %add3A_285 = arith.addi %mul3A_92, %add3A_284 : i32
      %add3A_286 = arith.constant 8 : i32
      %add3A_287 = arith.addi %add3A_285, %add3A_286 : i32
      %dma_wait3A_288 = arith.constant 0 : i32
      %dma_wait3A_289 = tpu.memref_slice %arg8[%add3A_285, %dma_wait3A_288] : memref<136x128xi32, #tpu.memory_space<vmem>> -> memref<1x128xi32, #tpu.memory_space<vmem>>
      %dma_wait3A_290 = tpu.memref_squeeze %dma_wait3A_289 : memref<1x128xi32, #tpu.memory_space<vmem>> -> memref<128xi32, #tpu.memory_space<vmem>>
      %dma_wait3A_291 = arith.constant 0 : i32
      %dma_wait3A_292 = arith.constant 0 : i32
      %dma_wait3A_293 = tpu.memref_slice %arg17[%dma_wait3A_291, %dma_wait3A_292] : memref<10112x32xf32, #tpu.memory_space<vmem_shared>> -> memref<10112x32xf32, #tpu.memory_space<vmem_shared>>
      tpu.wait_indirect_dma semaphore(%arg32 : memref<!tpu.dma_semaphore, #tpu.memory_space<semaphore_mem>>) src(%arg15 : memref<128x32xf32, #tpu.memory_space<vmem>>) dst(%dma_wait3A_293 : memref<10112x32xf32, #tpu.memory_space<vmem_shared>>)
      %lt3A_294 = arith.cmpi slt, %add3A_287, %select_n3A_2 : i32
      %convert_element_type3A_295 = arith.extui %lt3A_294 : i1 to i32
      %cond3A_296 = arith.constant 0 : i32
      %cond3A_297 = arith.cmpi ne, %convert_element_type3A_295, %cond3A_296 : i32
      scf.if %cond3A_297 {
        %dma_start3A_312 = arith.constant 0 : i32
        %dma_start3A_313 = tpu.memref_slice %arg7[%add3A_287, %dma_start3A_312] : memref<136x128xi32, #tpu.memory_space<vmem>> -> memref<1x128xi32, #tpu.memory_space<vmem>>
        %dma_start3A_314 = tpu.memref_squeeze %dma_start3A_313 : memref<1x128xi32, #tpu.memory_space<vmem>> -> memref<128xi32, #tpu.memory_space<vmem>>
        %dma_start3A_315 = arith.constant 0 : i32
        %dma_start3A_316 = arith.constant 0 : i32
        %dma_start3A_317 = tpu.memref_slice %arg2[%dma_start3A_315, %dma_start3A_316] : memref<10000x32xf32, #tpu.memory_space<hbm>> -> memref<10000x32xf32, #tpu.memory_space<hbm>>
        tpu.enqueue_indirect_dma source(%dma_start3A_317 : memref<10000x32xf32, #tpu.memory_space<hbm>>) target(%arg15 : memref<128x32xf32, #tpu.memory_space<vmem>>) offsets(%dma_start3A_314 : memref<128xi32, #tpu.memory_space<vmem>>) semaphore(%arg24 : memref<!tpu.dma_semaphore, #tpu.memory_space<semaphore_mem>>)
      } else {
      }
      %add3A_298 = arith.constant 7 : i32
      %add3A_299 = arith.addi %mul3A_92, %add3A_298 : i32
      %add3A_300 = arith.constant 8 : i32
      %add3A_301 = arith.addi %add3A_299, %add3A_300 : i32
      %dma_wait3A_302 = arith.constant 0 : i32
      %dma_wait3A_303 = tpu.memref_slice %arg8[%add3A_299, %dma_wait3A_302] : memref<136x128xi32, #tpu.memory_space<vmem>> -> memref<1x128xi32, #tpu.memory_space<vmem>>
      %dma_wait3A_304 = tpu.memref_squeeze %dma_wait3A_303 : memref<1x128xi32, #tpu.memory_space<vmem>> -> memref<128xi32, #tpu.memory_space<vmem>>
      %dma_wait3A_305 = arith.constant 0 : i32
      %dma_wait3A_306 = arith.constant 0 : i32
      %dma_wait3A_307 = tpu.memref_slice %arg17[%dma_wait3A_305, %dma_wait3A_306] : memref<10112x32xf32, #tpu.memory_space<vmem_shared>> -> memref<10112x32xf32, #tpu.memory_space<vmem_shared>>
      tpu.wait_indirect_dma semaphore(%arg33 : memref<!tpu.dma_semaphore, #tpu.memory_space<semaphore_mem>>) src(%arg16 : memref<128x32xf32, #tpu.memory_space<vmem>>) dst(%dma_wait3A_307 : memref<10112x32xf32, #tpu.memory_space<vmem_shared>>)
      %lt3A_308 = arith.cmpi slt, %add3A_301, %select_n3A_2 : i32
      %convert_element_type3A_309 = arith.extui %lt3A_308 : i1 to i32
      %cond3A_310 = arith.constant 0 : i32
      %cond3A_311 = arith.cmpi ne, %convert_element_type3A_309, %cond3A_310 : i32
      scf.if %cond3A_311 {
        %dma_start3A_312 = arith.constant 0 : i32
        %dma_start3A_313 = tpu.memref_slice %arg7[%add3A_301, %dma_start3A_312] : memref<136x128xi32, #tpu.memory_space<vmem>> -> memref<1x128xi32, #tpu.memory_space<vmem>>
        %dma_start3A_314 = tpu.memref_squeeze %dma_start3A_313 : memref<1x128xi32, #tpu.memory_space<vmem>> -> memref<128xi32, #tpu.memory_space<vmem>>
        %dma_start3A_315 = arith.constant 0 : i32
        %dma_start3A_316 = arith.constant 0 : i32
        %dma_start3A_317 = tpu.memref_slice %arg2[%dma_start3A_315, %dma_start3A_316] : memref<10000x32xf32, #tpu.memory_space<hbm>> -> memref<10000x32xf32, #tpu.memory_space<hbm>>
        tpu.enqueue_indirect_dma source(%dma_start3A_317 : memref<10000x32xf32, #tpu.memory_space<hbm>>) target(%arg16 : memref<128x32xf32, #tpu.memory_space<vmem>>) offsets(%dma_start3A_314 : memref<128xi32, #tpu.memory_space<vmem>>) semaphore(%arg25 : memref<!tpu.dma_semaphore, #tpu.memory_space<semaphore_mem>>)
      } else {
      }
    }
    %barrier3A_85 = arith.constant 0 : index
    tpu.barrier barrier_id(%barrier3A_85)
    %mul3A_86 = arith.constant 632 : i32
    %mul3A_87 = arith.muli %arg1, %mul3A_86 : i32
    %mul3A_88 = arith.constant 632 : i32
    %mul3A_89 = arith.muli %arg1, %mul3A_88 : i32
    "tpu.region"() ({
      %run_scoped3A = tpu.sem_alloc : memref<!tpu.dma_semaphore, #tpu.memory_space<semaphore_mem>>
      %dma_start3A_90 = arith.constant 0 : i32
      %dma_start3A_91 = tpu.memref_slice %arg6[%arg0, %mul3A_89, %dma_start3A_90] : memref<2x10112x32xf32, #tpu.memory_space<hbm>> -> memref<1x632x32xf32, #tpu.memory_space<hbm>>
      %dma_start3A_92 = tpu.memref_squeeze %dma_start3A_91 : memref<1x632x32xf32, #tpu.memory_space<hbm>> -> memref<632x32xf32, #tpu.memory_space<hbm>>
      %dma_start3A_93 = arith.constant 0 : i32
      %dma_start3A_94 = tpu.memref_slice %arg17[%mul3A_87, %dma_start3A_93] : memref<10112x32xf32, #tpu.memory_space<vmem_shared>> -> memref<632x32xf32, #tpu.memory_space<vmem_shared>>
      tpu.enqueue_dma source(%dma_start3A_94 : memref<632x32xf32, #tpu.memory_space<vmem_shared>>) target(%dma_start3A_92 : memref<632x32xf32, #tpu.memory_space<hbm>>) target_semaphore(%run_scoped3A : memref<!tpu.dma_semaphore, #tpu.memory_space<semaphore_mem>>)
      %dma_wait3A = arith.constant 0 : i32
      %dma_wait3A_95 = tpu.memref_slice %arg6[%arg0, %mul3A_89, %dma_wait3A] : memref<2x10112x32xf32, #tpu.memory_space<hbm>> -> memref<1x632x32xf32, #tpu.memory_space<hbm>>
      %dma_wait3A_96 = tpu.memref_squeeze %dma_wait3A_95 : memref<1x632x32xf32, #tpu.memory_space<hbm>> -> memref<632x32xf32, #tpu.memory_space<hbm>>
      %dma_wait3A_97 = arith.constant 0 : i32
      %dma_wait3A_98 = tpu.memref_slice %arg17[%mul3A_87, %dma_wait3A_97] : memref<10112x32xf32, #tpu.memory_space<vmem_shared>> -> memref<632x32xf32, #tpu.memory_space<vmem_shared>>
      tpu.wait_dma2 semaphore(%run_scoped3A : memref<!tpu.dma_semaphore, #tpu.memory_space<semaphore_mem>>) src(%dma_wait3A_98 : memref<632x32xf32, #tpu.memory_space<vmem_shared>>) dst(%dma_wait3A_96 : memref<632x32xf32, #tpu.memory_space<hbm>>)
      tpu.yield
    }) : () -> ()
    return
  }
}

module attributes {stable_mosaic.version = 14 : i64} {
  func.func @_stage_a_body(%arg0: memref<10000x128xf32, #tpu.memory_space<vmem>>, %arg1: memref<128x32xf32, #tpu.memory_space<vmem>>, %arg2: memref<2x10112x16xf32, #tpu.memory_space<vmem>>, %arg3: memref<10000x32xf32, #tpu.memory_space<vmem>>) attributes {dimension_semantics = [], scalar_prefetch = 0 : i64, scratch_operands = 0 : i64, tpu.core_type = #tpu.core_type<tc>} {
    %get3A = arith.constant 0 : index
    %get3A_0 = arith.constant 0 : index
    %get3A_1 = arith.constant 0 : index
    %get3A_2 = vector.load %arg2[%get3A, %get3A_0, %get3A_1] : memref<2x10112x16xf32, #tpu.memory_space<vmem>>, vector<1x10000x1xf32>
    %get3A_3 = vector.shape_cast %get3A_2 : vector<1x10000x1xf32> to vector<10000x1xf32>
    %get3A_4 = arith.constant 1 : index
    %get3A_5 = arith.constant 0 : index
    %get3A_6 = arith.constant 0 : index
    %get3A_7 = vector.load %arg2[%get3A_4, %get3A_5, %get3A_6] : memref<2x10112x16xf32, #tpu.memory_space<vmem>>, vector<1x10000x1xf32>
    %get3A_8 = vector.shape_cast %get3A_7 : vector<1x10000x1xf32> to vector<10000x1xf32>
    %add3A = arith.addf %get3A_3, %get3A_8 : vector<10000x1xf32>
    %add3A_9 = arith.constant 1.000000e+00 : f32
    %add3A_10 = vector.broadcast %add3A_9 : f32 to vector<10000x1xf32>
    %add3A_11 = arith.addf %add3A, %add3A_10 : vector<10000x1xf32>
    %rsqrt3A = math.rsqrt %add3A_11 : vector<10000x1xf32>
    %get3A_12 = arith.constant 0 : index
    %get3A_13 = arith.constant 0 : index
    %get3A_14 = vector.load %arg0[%get3A_12, %get3A_13] : memref<10000x128xf32, #tpu.memory_space<vmem>>, vector<10000x128xf32>
    %get3A_15 = arith.constant 0 : index
    %get3A_16 = arith.constant 0 : index
    %get3A_17 = vector.load %arg1[%get3A_15, %get3A_16] : memref<128x32xf32, #tpu.memory_space<vmem>>, vector<128x32xf32>
    %dot_general3A = arith.constant dense<0.000000e+00> : vector<10000x32xf32>
    %dot_general3A_18 = tpu.matmul %get3A_14, %get3A_17, %dot_general3A {dimension_numbers = #tpu.dot_dimension_numbers<[1], [0], [0], [1], [0, 0, 1, 1], [], []>, transpose_lhs_hint = false} : vector<10000x128xf32>, vector<128x32xf32>, vector<10000x32xf32> -> vector<10000x32xf32>
    %mul3A = vector.broadcast %rsqrt3A : vector<10000x1xf32> to vector<10000x32xf32>
    %mul3A_19 = arith.mulf %dot_general3A_18, %mul3A : vector<10000x32xf32>
    %swap3A = arith.constant 0 : index
    %swap3A_20 = arith.constant 0 : index
    %swap3A_21 = vector.load %arg3[%swap3A, %swap3A_20] : memref<10000x32xf32, #tpu.memory_space<vmem>>, vector<10000x32xf32>
    tpu.vector_store %arg3[%swap3A, %swap3A_20], %mul3A_19 {strides = array<i32>} : memref<10000x32xf32, #tpu.memory_space<vmem>>, vector<10000x32xf32>,
    return
  }
}

module attributes {stable_mosaic.version = 14 : i64} {
  func.func @_stage_b_body(%arg0: memref<2x10112x32xf32, #tpu.memory_space<vmem>>, %arg1: memref<10000x32xf32, #tpu.memory_space<vmem>>, %arg2: memref<2x10112x16xf32, #tpu.memory_space<vmem>>, %arg3: memref<1x32xf32, #tpu.memory_space<vmem>>, %arg4: memref<32x32xf32, #tpu.memory_space<vmem>>, %arg5: memref<10000x32xf32, #tpu.memory_space<vmem>>) attributes {dimension_semantics = [], scalar_prefetch = 0 : i64, scratch_operands = 0 : i64, tpu.core_type = #tpu.core_type<tc>} {
    %get3A = arith.constant 0 : index
    %get3A_0 = arith.constant 0 : index
    %get3A_1 = arith.constant 0 : index
    %get3A_2 = vector.load %arg2[%get3A, %get3A_0, %get3A_1] : memref<2x10112x16xf32, #tpu.memory_space<vmem>>, vector<1x10000x1xf32>
    %get3A_3 = vector.shape_cast %get3A_2 : vector<1x10000x1xf32> to vector<10000x1xf32>
    %get3A_4 = arith.constant 1 : index
    %get3A_5 = arith.constant 0 : index
    %get3A_6 = arith.constant 0 : index
    %get3A_7 = vector.load %arg2[%get3A_4, %get3A_5, %get3A_6] : memref<2x10112x16xf32, #tpu.memory_space<vmem>>, vector<1x10000x1xf32>
    %get3A_8 = vector.shape_cast %get3A_7 : vector<1x10000x1xf32> to vector<10000x1xf32>
    %add3A = arith.addf %get3A_3, %get3A_8 : vector<10000x1xf32>
    %add3A_9 = arith.constant 1.000000e+00 : f32
    %add3A_10 = vector.broadcast %add3A_9 : f32 to vector<10000x1xf32>
    %add3A_11 = arith.addf %add3A, %add3A_10 : vector<10000x1xf32>
    %rsqrt3A = math.rsqrt %add3A_11 : vector<10000x1xf32>
    %get3A_12 = arith.constant 0 : index
    %get3A_13 = arith.constant 0 : index
    %get3A_14 = arith.constant 0 : index
    %get3A_15 = vector.load %arg0[%get3A_12, %get3A_13, %get3A_14] : memref<2x10112x32xf32, #tpu.memory_space<vmem>>, vector<1x10000x32xf32>
    %get3A_16 = vector.shape_cast %get3A_15 : vector<1x10000x32xf32> to vector<10000x32xf32>
    %get3A_17 = arith.constant 1 : index
    %get3A_18 = arith.constant 0 : index
    %get3A_19 = arith.constant 0 : index
    %get3A_20 = vector.load %arg0[%get3A_17, %get3A_18, %get3A_19] : memref<2x10112x32xf32, #tpu.memory_space<vmem>>, vector<1x10000x32xf32>
    %get3A_21 = vector.shape_cast %get3A_20 : vector<1x10000x32xf32> to vector<10000x32xf32>
    %add3A_22 = arith.addf %get3A_16, %get3A_21 : vector<10000x32xf32>
    %get3A_23 = arith.constant 0 : index
    %get3A_24 = arith.constant 0 : index
    %get3A_25 = vector.load %arg1[%get3A_23, %get3A_24] : memref<10000x32xf32, #tpu.memory_space<vmem>>, vector<10000x32xf32>
    %add3A_26 = arith.addf %add3A_22, %get3A_25 : vector<10000x32xf32>
    %mul3A = vector.broadcast %rsqrt3A : vector<10000x1xf32> to vector<10000x32xf32>
    %mul3A_27 = arith.mulf %add3A_26, %mul3A : vector<10000x32xf32>
    %get3A_28 = arith.constant 0 : index
    %get3A_29 = arith.constant 0 : index
    %get3A_30 = vector.load %arg3[%get3A_28, %get3A_29] : memref<1x32xf32, #tpu.memory_space<vmem>>, vector<1x32xf32>
    %add3A_31 = vector.broadcast %get3A_30 : vector<1x32xf32> to vector<10000x32xf32>
    %add3A_32 = arith.addf %mul3A_27, %add3A_31 : vector<10000x32xf32>
    %max3A = arith.constant 0.000000e+00 : f32
    %max3A_33 = vector.broadcast %max3A : f32 to vector<10000x32xf32>
    %max3A_34 = arith.maximumf %add3A_32, %max3A_33 : vector<10000x32xf32>
    %get3A_35 = arith.constant 0 : index
    %get3A_36 = arith.constant 0 : index
    %get3A_37 = vector.load %arg4[%get3A_35, %get3A_36] : memref<32x32xf32, #tpu.memory_space<vmem>>, vector<32x32xf32>
    %dot_general3A = arith.constant dense<0.000000e+00> : vector<10000x32xf32>
    %dot_general3A_38 = tpu.matmul %max3A_34, %get3A_37, %dot_general3A {dimension_numbers = #tpu.dot_dimension_numbers<[1], [0], [0], [1], [0, 0, 1, 1], [], []>, transpose_lhs_hint = false} : vector<10000x32xf32>, vector<32x32xf32>, vector<10000x32xf32> -> vector<10000x32xf32>
    %mul3A_39 = vector.broadcast %rsqrt3A : vector<10000x1xf32> to vector<10000x32xf32>
    %mul3A_40 = arith.mulf %dot_general3A_38, %mul3A_39 : vector<10000x32xf32>
    %swap3A = arith.constant 0 : index
    %swap3A_41 = arith.constant 0 : index
    %swap3A_42 = vector.load %arg5[%swap3A, %swap3A_41] : memref<10000x32xf32, #tpu.memory_space<vmem>>, vector<10000x32xf32>
    tpu.vector_store %arg5[%swap3A, %swap3A_41], %mul3A_40 {strides = array<i32>} : memref<10000x32xf32, #tpu.memory_space<vmem>>, vector<10000x32xf32>,
    return
  }
}

module attributes {stable_mosaic.version = 14 : i64} {
  func.func @_stage_c_body(%arg0: memref<9xi32, #tpu.memory_space<smem>>, %arg1: memref<2x10112x32xf32, #tpu.memory_space<vmem>>, %arg2: memref<10000x32xf32, #tpu.memory_space<vmem>>, %arg3: memref<2x10112x16xf32, #tpu.memory_space<vmem>>, %arg4: memref<1x32xf32, #tpu.memory_space<vmem>>, %arg5: memref<32x1xf32, #tpu.memory_space<vmem>>, %arg6: memref<1x1xf32, #tpu.memory_space<vmem>>, %arg7: memref<8x1xf32, #tpu.memory_space<vmem>>) attributes {dimension_semantics = [], scalar_prefetch = 0 : i64, scratch_operands = 0 : i64, tpu.core_type = #tpu.core_type<tc>} {
    %get3A = arith.constant 0 : index
    %get3A_0 = arith.constant 0 : index
    %get3A_1 = arith.constant 0 : index
    %get3A_2 = vector.load %arg3[%get3A, %get3A_0, %get3A_1] : memref<2x10112x16xf32, #tpu.memory_space<vmem>>, vector<1x10000x1xf32>
    %get3A_3 = vector.shape_cast %get3A_2 : vector<1x10000x1xf32> to vector<10000x1xf32>
    %get3A_4 = arith.constant 1 : index
    %get3A_5 = arith.constant 0 : index
    %get3A_6 = arith.constant 0 : index
    %get3A_7 = vector.load %arg3[%get3A_4, %get3A_5, %get3A_6] : memref<2x10112x16xf32, #tpu.memory_space<vmem>>, vector<1x10000x1xf32>
    %get3A_8 = vector.shape_cast %get3A_7 : vector<1x10000x1xf32> to vector<10000x1xf32>
    %add3A = arith.addf %get3A_3, %get3A_8 : vector<10000x1xf32>
    %add3A_9 = arith.constant 1.000000e+00 : f32
    %add3A_10 = vector.broadcast %add3A_9 : f32 to vector<10000x1xf32>
    %add3A_11 = arith.addf %add3A, %add3A_10 : vector<10000x1xf32>
    %rsqrt3A = math.rsqrt %add3A_11 : vector<10000x1xf32>
    %get3A_12 = arith.constant 0 : index
    %get3A_13 = arith.constant 0 : index
    %get3A_14 = arith.constant 0 : index
    %get3A_15 = vector.load %arg1[%get3A_12, %get3A_13, %get3A_14] : memref<2x10112x32xf32, #tpu.memory_space<vmem>>, vector<1x10000x32xf32>
    %get3A_16 = vector.shape_cast %get3A_15 : vector<1x10000x32xf32> to vector<10000x32xf32>
    %get3A_17 = arith.constant 1 : index
    %get3A_18 = arith.constant 0 : index
    %get3A_19 = arith.constant 0 : index
    %get3A_20 = vector.load %arg1[%get3A_17, %get3A_18, %get3A_19] : memref<2x10112x32xf32, #tpu.memory_space<vmem>>, vector<1x10000x32xf32>
    %get3A_21 = vector.shape_cast %get3A_20 : vector<1x10000x32xf32> to vector<10000x32xf32>
    %add3A_22 = arith.addf %get3A_16, %get3A_21 : vector<10000x32xf32>
    %get3A_23 = arith.constant 0 : index
    %get3A_24 = arith.constant 0 : index
    %get3A_25 = vector.load %arg2[%get3A_23, %get3A_24] : memref<10000x32xf32, #tpu.memory_space<vmem>>, vector<10000x32xf32>
    %add3A_26 = arith.addf %add3A_22, %get3A_25 : vector<10000x32xf32>
    %mul3A = vector.broadcast %rsqrt3A : vector<10000x1xf32> to vector<10000x32xf32>
    %mul3A_27 = arith.mulf %add3A_26, %mul3A : vector<10000x32xf32>
    %get3A_28 = arith.constant 0 : index
    %get3A_29 = arith.constant 0 : index
    %get3A_30 = vector.load %arg4[%get3A_28, %get3A_29] : memref<1x32xf32, #tpu.memory_space<vmem>>, vector<1x32xf32>
    %add3A_31 = vector.broadcast %get3A_30 : vector<1x32xf32> to vector<10000x32xf32>
    %add3A_32 = arith.addf %mul3A_27, %add3A_31 : vector<10000x32xf32>
    %max3A = arith.constant 0.000000e+00 : f32
    %max3A_33 = vector.broadcast %max3A : f32 to vector<10000x32xf32>
    %max3A_34 = arith.maximumf %add3A_32, %max3A_33 : vector<10000x32xf32>
    %iota3A = tpu.iota {dimensions = array<i32: 0>} : vector<10000x1xi32>
    %get3A_35 = arith.constant 0 : index
    %get3A_36 = memref.load %arg0[%get3A_35] : memref<9xi32, #tpu.memory_space<smem>>
    %get3A_37 = arith.constant 1 : index
    %get3A_38 = memref.load %arg0[%get3A_37] : memref<9xi32, #tpu.memory_space<smem>>
    %ge3A = vector.broadcast %get3A_36 : i32 to vector<10000x1xi32>
    %ge3A_39 = arith.cmpi sge, %iota3A, %ge3A : vector<10000x1xi32>
    %lt3A = vector.broadcast %get3A_38 : i32 to vector<10000x1xi32>
    %lt3A_40 = arith.cmpi slt, %iota3A, %lt3A : vector<10000x1xi32>
    %and3A = arith.andi %ge3A_39, %lt3A_40 : vector<10000x1xi1>
    %jit3A = arith.constant 0.000000e+00 : f32
    %broadcast_in_dim3A = vector.shape_cast %and3A : vector<10000x1xi1> to vector<10000x1xi1>
    %broadcast_in_dim3A_41 = vector.broadcast %broadcast_in_dim3A : vector<10000x1xi1> to vector<10000x32xi1>
    %broadcast_in_dim3A_42 = vector.broadcast %jit3A : f32 to vector<10000x32xf32>
    %select_n3A = arith.select %broadcast_in_dim3A_41, %max3A_34, %broadcast_in_dim3A_42 : vector<10000x32xi1>, vector<10000x32xf32>
    %reduce_sum3A = arith.constant dense<0.000000e+00> : vector<32xf32>
    %reduce_sum3A_43 = vector.multi_reduction <add>, %select_n3A, %reduce_sum3A [0] : vector<10000x32xf32> to vector<32xf32>
    %broadcast_in_dim3A_44 = vector.shape_cast %reduce_sum3A_43 : vector<32xf32> to vector<1x32xf32>
    %sub3A = arith.subi %get3A_38, %get3A_36 : i32
    %convert_element_type3A = arith.sitofp %sub3A : i32 to f32
    %max3A_45 = arith.constant 1.000000e+00 : f32
    %max3A_46 = arith.maximumf %convert_element_type3A, %max3A_45 : f32
    %div3A = vector.broadcast %max3A_46 : f32 to vector<1x32xf32>
    %div3A_47 = arith.divf %broadcast_in_dim3A_44, %div3A : vector<1x32xf32>
    %get3A_48 = arith.constant 1 : index
    %get3A_49 = memref.load %arg0[%get3A_48] : memref<9xi32, #tpu.memory_space<smem>>
    %get3A_50 = arith.constant 2 : index
    %get3A_51 = memref.load %arg0[%get3A_50] : memref<9xi32, #tpu.memory_space<smem>>
    %ge3A_52 = vector.broadcast %get3A_49 : i32 to vector<10000x1xi32>
    %ge3A_53 = arith.cmpi sge, %iota3A, %ge3A_52 : vector<10000x1xi32>
    %lt3A_54 = vector.broadcast %get3A_51 : i32 to vector<10000x1xi32>
    %lt3A_55 = arith.cmpi slt, %iota3A, %lt3A_54 : vector<10000x1xi32>
    %and3A_56 = arith.andi %ge3A_53, %lt3A_55 : vector<10000x1xi1>
    %jit3A_57 = arith.constant 0.000000e+00 : f32
    %broadcast_in_dim3A_58 = vector.shape_cast %and3A_56 : vector<10000x1xi1> to vector<10000x1xi1>
    %broadcast_in_dim3A_59 = vector.broadcast %broadcast_in_dim3A_58 : vector<10000x1xi1> to vector<10000x32xi1>
    %broadcast_in_dim3A_60 = vector.broadcast %jit3A_57 : f32 to vector<10000x32xf32>
    %select_n3A_61 = arith.select %broadcast_in_dim3A_59, %max3A_34, %broadcast_in_dim3A_60 : vector<10000x32xi1>, vector<10000x32xf32>
    %reduce_sum3A_62 = arith.constant dense<0.000000e+00> : vector<32xf32>
    %reduce_sum3A_63 = vector.multi_reduction <add>, %select_n3A_61, %reduce_sum3A_62 [0] : vector<10000x32xf32> to vector<32xf32>
    %broadcast_in_dim3A_64 = vector.shape_cast %reduce_sum3A_63 : vector<32xf32> to vector<1x32xf32>
    %sub3A_65 = arith.subi %get3A_51, %get3A_49 : i32
    %convert_element_type3A_66 = arith.sitofp %sub3A_65 : i32 to f32
    %max3A_67 = arith.constant 1.000000e+00 : f32
    %max3A_68 = arith.maximumf %convert_element_type3A_66, %max3A_67 : f32
    %div3A_69 = vector.broadcast %max3A_68 : f32 to vector<1x32xf32>
    %div3A_70 = arith.divf %broadcast_in_dim3A_64, %div3A_69 : vector<1x32xf32>
    %get3A_71 = arith.constant 2 : index
    %get3A_72 = memref.load %arg0[%get3A_71] : memref<9xi32, #tpu.memory_space<smem>>
    %get3A_73 = arith.constant 3 : index
    %get3A_74 = memref.load %arg0[%get3A_73] : memref<9xi32, #tpu.memory_space<smem>>
    %ge3A_75 = vector.broadcast %get3A_72 : i32 to vector<10000x1xi32>
    %ge3A_76 = arith.cmpi sge, %iota3A, %ge3A_75 : vector<10000x1xi32>
    %lt3A_77 = vector.broadcast %get3A_74 : i32 to vector<10000x1xi32>
    %lt3A_78 = arith.cmpi slt, %iota3A, %lt3A_77 : vector<10000x1xi32>
    %and3A_79 = arith.andi %ge3A_76, %lt3A_78 : vector<10000x1xi1>
    %jit3A_80 = arith.constant 0.000000e+00 : f32
    %broadcast_in_dim3A_81 = vector.shape_cast %and3A_79 : vector<10000x1xi1> to vector<10000x1xi1>
    %broadcast_in_dim3A_82 = vector.broadcast %broadcast_in_dim3A_81 : vector<10000x1xi1> to vector<10000x32xi1>
    %broadcast_in_dim3A_83 = vector.broadcast %jit3A_80 : f32 to vector<10000x32xf32>
    %select_n3A_84 = arith.select %broadcast_in_dim3A_82, %max3A_34, %broadcast_in_dim3A_83 : vector<10000x32xi1>, vector<10000x32xf32>
    %reduce_sum3A_85 = arith.constant dense<0.000000e+00> : vector<32xf32>
    %reduce_sum3A_86 = vector.multi_reduction <add>, %select_n3A_84, %reduce_sum3A_85 [0] : vector<10000x32xf32> to vector<32xf32>
    %broadcast_in_dim3A_87 = vector.shape_cast %reduce_sum3A_86 : vector<32xf32> to vector<1x32xf32>
    %sub3A_88 = arith.subi %get3A_74, %get3A_72 : i32
    %convert_element_type3A_89 = arith.sitofp %sub3A_88 : i32 to f32
    %max3A_90 = arith.constant 1.000000e+00 : f32
    %max3A_91 = arith.maximumf %convert_element_type3A_89, %max3A_90 : f32
    %div3A_92 = vector.broadcast %max3A_91 : f32 to vector<1x32xf32>
    %div3A_93 = arith.divf %broadcast_in_dim3A_87, %div3A_92 : vector<1x32xf32>
    %get3A_94 = arith.constant 3 : index
    %get3A_95 = memref.load %arg0[%get3A_94] : memref<9xi32, #tpu.memory_space<smem>>
    %get3A_96 = arith.constant 4 : index
    %get3A_97 = memref.load %arg0[%get3A_96] : memref<9xi32, #tpu.memory_space<smem>>
    %ge3A_98 = vector.broadcast %get3A_95 : i32 to vector<10000x1xi32>
    %ge3A_99 = arith.cmpi sge, %iota3A, %ge3A_98 : vector<10000x1xi32>
    %lt3A_100 = vector.broadcast %get3A_97 : i32 to vector<10000x1xi32>
    %lt3A_101 = arith.cmpi slt, %iota3A, %lt3A_100 : vector<10000x1xi32>
    %and3A_102 = arith.andi %ge3A_99, %lt3A_101 : vector<10000x1xi1>
    %jit3A_103 = arith.constant 0.000000e+00 : f32
    %broadcast_in_dim3A_104 = vector.shape_cast %and3A_102 : vector<10000x1xi1> to vector<10000x1xi1>
    %broadcast_in_dim3A_105 = vector.broadcast %broadcast_in_dim3A_104 : vector<10000x1xi1> to vector<10000x32xi1>
    %broadcast_in_dim3A_106 = vector.broadcast %jit3A_103 : f32 to vector<10000x32xf32>
    %select_n3A_107 = arith.select %broadcast_in_dim3A_105, %max3A_34, %broadcast_in_dim3A_106 : vector<10000x32xi1>, vector<10000x32xf32>
    %reduce_sum3A_108 = arith.constant dense<0.000000e+00> : vector<32xf32>
    %reduce_sum3A_109 = vector.multi_reduction <add>, %select_n3A_107, %reduce_sum3A_108 [0] : vector<10000x32xf32> to vector<32xf32>
    %broadcast_in_dim3A_110 = vector.shape_cast %reduce_sum3A_109 : vector<32xf32> to vector<1x32xf32>
    %sub3A_111 = arith.subi %get3A_97, %get3A_95 : i32
    %convert_element_type3A_112 = arith.sitofp %sub3A_111 : i32 to f32
    %max3A_113 = arith.constant 1.000000e+00 : f32
    %max3A_114 = arith.maximumf %convert_element_type3A_112, %max3A_113 : f32
    %div3A_115 = vector.broadcast %max3A_114 : f32 to vector<1x32xf32>
    %div3A_116 = arith.divf %broadcast_in_dim3A_110, %div3A_115 : vector<1x32xf32>
    %get3A_117 = arith.constant 4 : index
    %get3A_118 = memref.load %arg0[%get3A_117] : memref<9xi32, #tpu.memory_space<smem>>
    %get3A_119 = arith.constant 5 : index
    %get3A_120 = memref.load %arg0[%get3A_119] : memref<9xi32, #tpu.memory_space<smem>>
    %ge3A_121 = vector.broadcast %get3A_118 : i32 to vector<10000x1xi32>
    %ge3A_122 = arith.cmpi sge, %iota3A, %ge3A_121 : vector<10000x1xi32>
    %lt3A_123 = vector.broadcast %get3A_120 : i32 to vector<10000x1xi32>
    %lt3A_124 = arith.cmpi slt, %iota3A, %lt3A_123 : vector<10000x1xi32>
    %and3A_125 = arith.andi %ge3A_122, %lt3A_124 : vector<10000x1xi1>
    %jit3A_126 = arith.constant 0.000000e+00 : f32
    %broadcast_in_dim3A_127 = vector.shape_cast %and3A_125 : vector<10000x1xi1> to vector<10000x1xi1>
    %broadcast_in_dim3A_128 = vector.broadcast %broadcast_in_dim3A_127 : vector<10000x1xi1> to vector<10000x32xi1>
    %broadcast_in_dim3A_129 = vector.broadcast %jit3A_126 : f32 to vector<10000x32xf32>
    %select_n3A_130 = arith.select %broadcast_in_dim3A_128, %max3A_34, %broadcast_in_dim3A_129 : vector<10000x32xi1>, vector<10000x32xf32>
    %reduce_sum3A_131 = arith.constant dense<0.000000e+00> : vector<32xf32>
    %reduce_sum3A_132 = vector.multi_reduction <add>, %select_n3A_130, %reduce_sum3A_131 [0] : vector<10000x32xf32> to vector<32xf32>
    %broadcast_in_dim3A_133 = vector.shape_cast %reduce_sum3A_132 : vector<32xf32> to vector<1x32xf32>
    %sub3A_134 = arith.subi %get3A_120, %get3A_118 : i32
    %convert_element_type3A_135 = arith.sitofp %sub3A_134 : i32 to f32
    %max3A_136 = arith.constant 1.000000e+00 : f32
    %max3A_137 = arith.maximumf %convert_element_type3A_135, %max3A_136 : f32
    %div3A_138 = vector.broadcast %max3A_137 : f32 to vector<1x32xf32>
    %div3A_139 = arith.divf %broadcast_in_dim3A_133, %div3A_138 : vector<1x32xf32>
    %get3A_140 = arith.constant 5 : index
    %get3A_141 = memref.load %arg0[%get3A_140] : memref<9xi32, #tpu.memory_space<smem>>
    %get3A_142 = arith.constant 6 : index
    %get3A_143 = memref.load %arg0[%get3A_142] : memref<9xi32, #tpu.memory_space<smem>>
    %ge3A_144 = vector.broadcast %get3A_141 : i32 to vector<10000x1xi32>
    %ge3A_145 = arith.cmpi sge, %iota3A, %ge3A_144 : vector<10000x1xi32>
    %lt3A_146 = vector.broadcast %get3A_143 : i32 to vector<10000x1xi32>
    %lt3A_147 = arith.cmpi slt, %iota3A, %lt3A_146 : vector<10000x1xi32>
    %and3A_148 = arith.andi %ge3A_145, %lt3A_147 : vector<10000x1xi1>
    %jit3A_149 = arith.constant 0.000000e+00 : f32
    %broadcast_in_dim3A_150 = vector.shape_cast %and3A_148 : vector<10000x1xi1> to vector<10000x1xi1>
    %broadcast_in_dim3A_151 = vector.broadcast %broadcast_in_dim3A_150 : vector<10000x1xi1> to vector<10000x32xi1>
    %broadcast_in_dim3A_152 = vector.broadcast %jit3A_149 : f32 to vector<10000x32xf32>
    %select_n3A_153 = arith.select %broadcast_in_dim3A_151, %max3A_34, %broadcast_in_dim3A_152 : vector<10000x32xi1>, vector<10000x32xf32>
    %reduce_sum3A_154 = arith.constant dense<0.000000e+00> : vector<32xf32>
    %reduce_sum3A_155 = vector.multi_reduction <add>, %select_n3A_153, %reduce_sum3A_154 [0] : vector<10000x32xf32> to vector<32xf32>
    %broadcast_in_dim3A_156 = vector.shape_cast %reduce_sum3A_155 : vector<32xf32> to vector<1x32xf32>
    %sub3A_157 = arith.subi %get3A_143, %get3A_141 : i32
    %convert_element_type3A_158 = arith.sitofp %sub3A_157 : i32 to f32
    %max3A_159 = arith.constant 1.000000e+00 : f32
    %max3A_160 = arith.maximumf %convert_element_type3A_158, %max3A_159 : f32
    %div3A_161 = vector.broadcast %max3A_160 : f32 to vector<1x32xf32>
    %div3A_162 = arith.divf %broadcast_in_dim3A_156, %div3A_161 : vector<1x32xf32>
    %get3A_163 = arith.constant 6 : index
    %get3A_164 = memref.load %arg0[%get3A_163] : memref<9xi32, #tpu.memory_space<smem>>
    %get3A_165 = arith.constant 7 : index
    %get3A_166 = memref.load %arg0[%get3A_165] : memref<9xi32, #tpu.memory_space<smem>>
    %ge3A_167 = vector.broadcast %get3A_164 : i32 to vector<10000x1xi32>
    %ge3A_168 = arith.cmpi sge, %iota3A, %ge3A_167 : vector<10000x1xi32>
    %lt3A_169 = vector.broadcast %get3A_166 : i32 to vector<10000x1xi32>
    %lt3A_170 = arith.cmpi slt, %iota3A, %lt3A_169 : vector<10000x1xi32>
    %and3A_171 = arith.andi %ge3A_168, %lt3A_170 : vector<10000x1xi1>
    %jit3A_172 = arith.constant 0.000000e+00 : f32
    %broadcast_in_dim3A_173 = vector.shape_cast %and3A_171 : vector<10000x1xi1> to vector<10000x1xi1>
    %broadcast_in_dim3A_174 = vector.broadcast %broadcast_in_dim3A_173 : vector<10000x1xi1> to vector<10000x32xi1>
    %broadcast_in_dim3A_175 = vector.broadcast %jit3A_172 : f32 to vector<10000x32xf32>
    %select_n3A_176 = arith.select %broadcast_in_dim3A_174, %max3A_34, %broadcast_in_dim3A_175 : vector<10000x32xi1>, vector<10000x32xf32>
    %reduce_sum3A_177 = arith.constant dense<0.000000e+00> : vector<32xf32>
    %reduce_sum3A_178 = vector.multi_reduction <add>, %select_n3A_176, %reduce_sum3A_177 [0] : vector<10000x32xf32> to vector<32xf32>
    %broadcast_in_dim3A_179 = vector.shape_cast %reduce_sum3A_178 : vector<32xf32> to vector<1x32xf32>
    %sub3A_180 = arith.subi %get3A_166, %get3A_164 : i32
    %convert_element_type3A_181 = arith.sitofp %sub3A_180 : i32 to f32
    %max3A_182 = arith.constant 1.000000e+00 : f32
    %max3A_183 = arith.maximumf %convert_element_type3A_181, %max3A_182 : f32
    %div3A_184 = vector.broadcast %max3A_183 : f32 to vector<1x32xf32>
    %div3A_185 = arith.divf %broadcast_in_dim3A_179, %div3A_184 : vector<1x32xf32>
    %get3A_186 = arith.constant 7 : index
    %get3A_187 = memref.load %arg0[%get3A_186] : memref<9xi32, #tpu.memory_space<smem>>
    %get3A_188 = arith.constant 8 : index
    %get3A_189 = memref.load %arg0[%get3A_188] : memref<9xi32, #tpu.memory_space<smem>>
    %ge3A_190 = vector.broadcast %get3A_187 : i32 to vector<10000x1xi32>
    %ge3A_191 = arith.cmpi sge, %iota3A, %ge3A_190 : vector<10000x1xi32>
    %lt3A_192 = vector.broadcast %get3A_189 : i32 to vector<10000x1xi32>
    %lt3A_193 = arith.cmpi slt, %iota3A, %lt3A_192 : vector<10000x1xi32>
    %and3A_194 = arith.andi %ge3A_191, %lt3A_193 : vector<10000x1xi1>
    %jit3A_195 = arith.constant 0.000000e+00 : f32
    %broadcast_in_dim3A_196 = vector.shape_cast %and3A_194 : vector<10000x1xi1> to vector<10000x1xi1>
    %broadcast_in_dim3A_197 = vector.broadcast %broadcast_in_dim3A_196 : vector<10000x1xi1> to vector<10000x32xi1>
    %broadcast_in_dim3A_198 = vector.broadcast %jit3A_195 : f32 to vector<10000x32xf32>
    %select_n3A_199 = arith.select %broadcast_in_dim3A_197, %max3A_34, %broadcast_in_dim3A_198 : vector<10000x32xi1>, vector<10000x32xf32>
    %reduce_sum3A_200 = arith.constant dense<0.000000e+00> : vector<32xf32>
    %reduce_sum3A_201 = vector.multi_reduction <add>, %select_n3A_199, %reduce_sum3A_200 [0] : vector<10000x32xf32> to vector<32xf32>
    %broadcast_in_dim3A_202 = vector.shape_cast %reduce_sum3A_201 : vector<32xf32> to vector<1x32xf32>
    %sub3A_203 = arith.subi %get3A_189, %get3A_187 : i32
    %convert_element_type3A_204 = arith.sitofp %sub3A_203 : i32 to f32
    %max3A_205 = arith.constant 1.000000e+00 : f32
    %max3A_206 = arith.maximumf %convert_element_type3A_204, %max3A_205 : f32
    %div3A_207 = vector.broadcast %max3A_206 : f32 to vector<1x32xf32>
    %div3A_208 = arith.divf %broadcast_in_dim3A_202, %div3A_207 : vector<1x32xf32>
    %concatenate3A = tpu.concatenate %div3A_47, %div3A_70, %div3A_93, %div3A_116, %div3A_139, %div3A_162, %div3A_185, %div3A_208 in 0 : vector<1x32xf32>, vector<1x32xf32>, vector<1x32xf32>, vector<1x32xf32>, vector<1x32xf32>, vector<1x32xf32>, vector<1x32xf32>, vector<1x32xf32> -> vector<8x32xf32>
    %get3A_209 = arith.constant 0 : index
    %get3A_210 = arith.constant 0 : index
    %get3A_211 = vector.load %arg5[%get3A_209, %get3A_210] : memref<32x1xf32, #tpu.memory_space<vmem>>, vector<32x1xf32>
    %dot_general3A = arith.constant dense<0.000000e+00> : vector<8x1xf32>
    %dot_general3A_212 = tpu.matmul %concatenate3A, %get3A_211, %dot_general3A {dimension_numbers = #tpu.dot_dimension_numbers<[1], [0], [0], [1], [0, 0, 1, 1], [], []>, transpose_lhs_hint = false} : vector<8x32xf32>, vector<32x1xf32>, vector<8x1xf32> -> vector<8x1xf32>
    %get3A_213 = arith.constant 0 : index
    %get3A_214 = arith.constant 0 : index
    %get3A_215 = vector.load %arg6[%get3A_213, %get3A_214] : memref<1x1xf32, #tpu.memory_space<vmem>>, vector<1x1xf32>
    %add3A_216 = vector.broadcast %get3A_215 : vector<1x1xf32> to vector<8x1xf32>
    %add3A_217 = arith.addf %dot_general3A_212, %add3A_216 : vector<8x1xf32>
    %swap3A = arith.constant 0 : index
    %swap3A_218 = arith.constant 0 : index
    %swap3A_219 = vector.load %arg7[%swap3A, %swap3A_218] : memref<8x1xf32, #tpu.memory_space<vmem>>, vector<8x1xf32>
    tpu.vector_store %arg7[%swap3A, %swap3A_218], %add3A_217 {strides = array<i32>} : memref<8x1xf32, #tpu.memory_space<vmem>>, vector<8x1xf32>,
    return
  }
}

</mosaic_0001>

<sc_bundles>
// kernel: kernel.11.cloned.1.call-start
scs
__scs_entry_jumppad:
0x0: {  	(pc) =	sbr.rel $0x88, $3  }
0x1: {  	(tag) =	ssettag $0x0;
	lr =	simm.s32 $0x1  }
0x2: {  	[smem:$0x3F98] =	sst lr;
	_ =	strace $0xD0000000  }
0x3: {  	_ = 	snop  }
0x4: {  	_ = 	snop  }
0x5: {  	_ = 	snop  }
0x6: {  	_ = 	snop  }
0x7: {  	_ = 	snop  }
__scs_overlays_trampoline_lowered:
0x8: {  	[smem:$0x3FA7] =	sst s0  }
0x9: {  	[smem:$0x3FA8] =	sst s1  }
0xa: {  	[smem:$0x3FA9] =	sst s2  }
0xb: {  	[smem:$0x3FAA] =	sst s3  }
0xc: {  	[smem:$0x3FAB] =	sst s4  }
0xd: {  	[smem:$0x3FAC] =	sst s5  }
0xe: {  	[smem:$0x3FAD] =	sst s6  }
0xf: {  	[smem:$0x3FAE] =	sst s7  }
0x10: {  	[smem:$0x3FAF] =	sst s8  }
0x11: {  	[smem:$0x3FB0] =	sst s9;
	s0 =	simm.s32 @!p0 $0x0  }
0x12: {  	s1 =	sld [smem:$0x3F96];
	s0 =	simm.s32 @p0 $0x1  }
0x13: {  	[smem:$0x3FB1] =	sst s0;
	s0 =	simm.s32 @!p1 $0x0  }
0x14: {  	s2 =	sld [smem:$0x3F95];
	s0 =	simm.s32 @p1 $0x1  }
0x15: {  	[smem:$0x3FB2] =	sst s0;
	s0 =	simm.s32 @!p2 $0x0  }
0x16: {  	s3 =	sld [smem:$0x3FDB];
	s0 =	simm.s32 @p2 $0x1  }
0x17: {  	s4 =	simm.s32 $0x1BF5;
	[smem:$0x3FB4] =	sst s0  }
0x18: {  	s0 =	sld [smem:$0x3F97];
	_ =	swait.ge [sflag:s4], $0x0  }
0x19: {  	s7 =	sld [smem:$0x3F98]  }
0x1a: {  	s8 =	sadd.s32 $0xFFFFE003, lr  }
0x1b: {  	s9 =	sadd.s32 $0xFFFFFEF7, lr;
	s5 =	simm.s32 $0xFFFFFFFF;
	p2 =	slt.u32 s8, $0xFFFFF086  }
0x1c: {  	p1 =	slt.u32 s9, $0xF7A;
	s5 =	simm.s32 @!p2 $0x0  }
0x1d: {  	s5 =	simm.s32 @p1 $0x1;
	p0 =	seq.s32 s7, s2  }
0x1e: {  	s7 =	smul.u32 @!p0 $0xF7A, s2;
	p2 =	seq.s32 @!p0 s5, $0x0  }
0x1f: {  	s9 =	smul.u32 $0xF7A, s1;
	s8 =	simm.s32 @!p0 $0x1BF5;
	p2 =	por !p2, p0  }
0x20: {  	[sflag:s8] =	ssyncset.s32 @!p0 $0xFFFFF086;
	s6 =	sadd.s32 @!p0 s3, s7;
	s7 =	simm.s32 @!p0 $0x108  }
0x21: {  	s3 =	sadd.s32 s3, s9;
	s6 =	sadd.s32 @!p0 $0x88, s6;
	s7 =	simm.s32 @p2 $0x1082  }
0x22: {  	[simem:s7], [sflag:s8] =	dma.local @!p0 [hbm:s6], $0xF7A  }
0x23: {  	s9 =	sor.u32 $0xD0000000, s2;
	s6 =	simm.s32 $0x108;
	_ =	swait.ge @!p0 [sflag:s8], $0x0  }
0x24: {  	s3 =	sadd.s32 $0x88, s3;
	s6 =	simm.s32 @!p1 $0x1082;
	[sflag:s4] =	ssyncset.s32 $0xFFFFF086  }
0x25: {  	[simem:s6], [sflag:s4] =	dma.local [hbm:s3], $0xF7A  }
0x26: {  	[smem:$0x3F98] =	sst s1;
	(tag) =	ssettag s2;
	_ =	strace s9  }
0x27: {  	s1 =	sld [smem:$0x3FA8]  }
0x28: {  	s2 =	sld [smem:$0x3FA9]  }
0x29: {  	s4 =	sld [smem:$0x3FAB]  }
0x2a: {  	p0 =	seq.s32 s5, $0x0;
	s5 =	sld [smem:$0x3FAC]  }
0x2b: {  	s6 =	sld [smem:$0x3FAD]  }
0x2c: {  	s7 =	sld [smem:$0x3FAE]  }
0x2d: {  	s3 =	simm.s32 $0x108;
	s8 =	sld [smem:$0x3FAF]  }
0x2e: {  	s3 =	simm.s32 @!p0 $0x1082;
	s9 =	sld [smem:$0x3FB0]  }
0x2f: {  	lr =	sadd.s32 s0, s3;
	s0 =	sld [smem:$0x3FA7]  }
0x30: {  	s3 =	sld [smem:$0x3FAA]  }
0x31: {  	[smem:$0x3FB3] =	sst s10  }
0x32: {  	s10 =	sld [smem:$0x3FB1];
	_ =	sdelay $0x3  }
0x33: {  	p0 =	seq.s32 s10, $0x1;
	s10 =	sld [smem:$0x3FB3];
	_ =	sdelay $0x3  }
0x34: {  	[smem:$0x3FB3] =	sst s10  }
0x35: {  	s10 =	sld [smem:$0x3FB2];
	_ =	sdelay $0x3  }
0x36: {  	p1 =	seq.s32 s10, $0x1;
	s10 =	sld [smem:$0x3FB3];
	_ =	sdelay $0x3  }
0x37: {  	[smem:$0x3FB3] =	sst s10  }
0x38: {  	s10 =	sld [smem:$0x3FB4]  }
0x39: {  	_ = 	snop;
	(pc) =	sbr.ind lr, $3  }
0x3a: {  	_ = 	snop  }
0x3b: {  	_ = 	snop  }
0x3c: {  	p2 =	seq.s32 s10, $0x1;
	s10 =	sld [smem:$0x3FB3]  }
0x3d: {  	_ =	shalt  }
0x3e: {  	_ =	shalt  }
0x3f: {  	_ =	shalt  }
0x40: {  	_ =	shalt  }
0x41: {  	_ =	shalt  }
0x42: {  	_ =	shalt  }
0x43: {  	_ =	shalt  }
0x44: {  	_ =	shalt  }
0x45: {  	_ =	shalt  }
0x46: {  	_ =	shalt  }
0x47: {  	_ =	shalt  }
0x48: {  	_ =	shalt  }
0x49: {  	_ =	shalt  }
0x4a: {  	_ =	shalt  }
0x4b: {  	_ =	shalt  }
0x4c: {  	_ =	shalt  }
0x4d: {  	_ =	shalt  }
0x4e: {  	_ =	shalt  }
0x4f: {  	_ =	shalt  }
0x50: {  	_ =	shalt  }
0x51: {  	_ =	shalt  }
0x52: {  	_ =	shalt  }
0x53: {  	_ =	shalt  }
0x54: {  	_ =	shalt  }
0x55: {  	_ =	shalt  }
0x56: {  	_ =	shalt  }
0x57: {  	_ =	shalt  }
0x58: {  	_ =	shalt  }
0x59: {  	_ =	shalt  }
0x5a: {  	_ =	shalt  }
0x5b: {  	_ =	shalt  }
0x5c: {  	_ =	shalt  }
0x5d: {  	_ =	shalt  }
0x5e: {  	_ =	shalt  }
0x5f: {  	_ =	shalt  }
0x60: {  	_ =	shalt  }
0x61: {  	_ =	shalt  }
0x62: {  	_ =	shalt  }
0x63: {  	_ =	shalt  }
0x64: {  	_ =	shalt  }
0x65: {  	_ =	shalt  }
0x66: {  	_ =	shalt  }
0x67: {  	_ =	shalt  }
0x68: {  	_ =	shalt  }
0x69: {  	_ =	shalt  }
0x6a: {  	_ =	shalt  }
0x6b: {  	_ =	shalt  }
0x6c: {  	_ =	shalt  }
0x6d: {  	_ =	shalt  }
0x6e: {  	_ =	shalt  }
0x6f: {  	_ =	shalt  }
0x70: {  	_ =	shalt  }
0x71: {  	_ =	shalt  }
0x72: {  	_ =	shalt  }
0x73: {  	_ =	shalt  }
0x74: {  	_ =	shalt  }
0x75: {  	_ =	shalt  }
0x76: {  	_ =	shalt  }
0x77: {  	_ =	shalt  }
0x78: {  	_ =	shalt  }
0x79: {  	_ =	shalt  }
0x7a: {  	_ =	shalt  }
0x7b: {  	_ =	shalt  }
0x7c: {  	_ =	shalt  }
0x7d: {  	_ =	shalt  }
0x7e: {  	_ =	shalt  }
0x7f: {  	_ =	shalt  }
0x80: {  	_ =	shalt  }
0x81: {  	_ =	shalt  }
0x82: {  	_ =	shalt  }
0x83: {  	_ =	shalt  }
0x84: {  	_ =	shalt  }
0x85: {  	_ =	shalt  }
0x86: {  	_ =	shalt  }
0x87: {  	_ =	shalt  }
.Lfunc_end0:
.L_simem_size_0:
called_computation.1_lowered:
.L_overlay_start_0:
0x88: {  	s2 =	sld [smem:$0x3FD9]  }
0x89: {  	s3 =	sld [smem:$0x3FFE];
	_ =	sdelay $0x1  }
0x8a: {  	s1 =	srdreg.scid  }
0x8b: {  	s0 =	sand.u32 $0x1, s1  }
0x8c: {  	s16 =	sshll.u32 s0, $0xA;
	s2 =	sadd.s32 s3, s2  }
0x8d: {  	s2 =	sadd.s32 s2, s16  }
0x8e: {  	[smem:$0x3FBF] =	sst s2  }
0x8f: {  	_ = 	snop  }
0x90: {  	(tm) =	ssettm $0x1  }
0x91: {  	s17 =	sld [smem:$0x3FFB];
	_ =	sdelay $0x3  }
0x92: {  	_ =	strace s17  }
0x93: {  	s2 =	sld [smem:$0x3FFC];
	_ =	sdelay $0x3  }
0x94: {  	_ =	strace s2  }
0x95: {  	s2 =	sld [smem:$0x3FFD];
	_ =	sdelay $0x3  }
0x96: {  	_ =	strace s2  }
0x97: {  	_ =	strace $0x8FFFFFFF  }
0x98: {  	s18 =	sld [smem:$0x3FDB];
	_ =	sdelay $0x1  }
0x99: {  	s19 =	simm.s32 $_scs_section_size  }
0x9a: {  	s4 =	simm.s32 $_size__tile_overlayer_lowered;
	s5 =	simm.s32 $_tile_overlayer_lowered  }
0x9b: {  	s22 =	simm.s32 $0x1BFF;
	s21 =	sshll.u32 s5, $0x1;
	s2 =	sadd.s32 s19, s18  }
0x9c: {  	s6 =	simm.s32 $0x0;
	s20 =	sshll.u32 s4, $0x1;
	s4 =	sadd.s32 s21, s2  }
0x9d: {  	[timem:s6], [sflag:s22] =	dma.local [hbm:s4], s20  }
0x9e: {  	_ =	swait.ge [sflag:s22], s20  }
0x9f: {  	s3 =	ssub.s32 $0x0, s20;
	[sflag:s22] =	ssyncset.done $0x0  }
0xa0: {  	[sflag:s22] =	ssyncadd.s32 s3;
	_ =	sdelay $0x1  }
0xa1: {  	s23 =	simm.s32 $0x1B8B  }
0xa2: {  	_ =	swait.ge [sflag:s23], $0x1  }
0xa3: {  	[sflag:s23] =	ssyncset.done $0x0  }
0xa4: {  	s25 =	simm.s32 $0x1B8E;
	s24 =	sld [smem:$0x3FFE];
	[sflag:s23] =	ssyncadd.s32 $0xFFFFFFFF  }
0xa5: {  	s26 =	simm.s32 $execute0_lowered;
	[smem:$0x3FD2] =	sst s25  }
0xa6: {  	s4 =	sshll.u32 s26, $0x1;
	_ =	strace $0x80000049;
	[dreg:$0x1] =	wrdreg $0xFFFFFFFF  }
0xa7: {  	s28 =	simm.s32 $_size_execute0_lowered;
	s2 =	sadd.s32 s2, s4;
	[dreg:$0x0] =	wrdreg $0x0  }
0xa8: {  	s4 =	sshll.u32 s28, $0x1;
	[dreg:$0x2] =	wrdreg s2  }
0xa9: {  	[dreg:$0x3] =	wrdreg s4  }
0xaa: {  	[dreg:$0x4] =	wrdreg $0xC0  }
0xab: {  	_ =	task [dreg:s6], $0x5FFFF  }
0xac: {  	[dreg:$0x1] =	wrdreg $0xFFFFFFFF  }
0xad: {  	[dreg:$0x0] =	wrdreg $0x60  }
0xae: {  	[dreg:$0x2] =	wrdreg s24  }
0xaf: {  	[dreg:$0x3] =	wrdreg $0x108000  }
0xb0: {  	[dreg:$0x4] =	wrdreg $0x9  }
0xb1: {  	_ =	task.clear_ibuf [dreg:s6], $0x5FFFF;
	_ =	strace $0x90000049  }
0xb2: {  	s29 =	simm.s32 $0x9;
	_ =	strace $0x8000004B  }
0xb3: {  	_ =	swait.ge [sflag:s29], $0x1  }
0xb4: {  	[sflag:s29] =	ssyncadd.s32 $0xFFFFFFFF  }
0xb5: {  	_ =	strace $0x9000004B  }
0xb6: {  	_ =	sfence  }
0xb7: {  	s30 =	sld [smem:$0x0];
	_ =	sdelay $0x2  }
0xb8: {  	s31 =	sshll.u32 s1, $0xD;
	s1 =	sshrl.u32 s1, $0x2  }
0xb9: {  	s3 =	sand.u32 $0x4000, s31;
	s1 =	sadd.s32 s1, s30  }
0xba: {  	s0 =	sor.u32 s3, s0;
	s1 =	sshll.u32 s1, $0x11  }
0xbb: {  	s0 =	sor.u32 s1, s0  }
0xbc: {  	s0 =	sadd.s32 $0x8F2B, s0  }
0xbd: {  	[sflag:s0] =	ssyncadd.remote.s32 $0x1  }
0xbe: {  	_ =	sfence.sel $0xFFFF  }
0xbf: {  	[dreg:$0x0] =	wrdreg $0xFFFFFFFF;
	(pc) =	sbr.abs _section_cstart, $3  }
0xc0: {  	[dreg:$0x1] =	wrdreg $0xFFFFFFFF  }
0xc1: {  	_ =	task.clear_ibuf [dreg:s6], $0x2FFFF;
	_ =	strace $0x9FFFFFFF  }
0xc2: {  	(tm) =	ssettm $0x7FFFFFFF  }
0xc3: {  	_ =	shalt  }
tec
execute0_lowered:
.L_overlay_start_1:
0x0: {  	(tag) =	ssettag $0x1  }
0x1: {  	s0 =	srdreg.scid;
	s1 =	rddreg [dreg:$0x0]  }
0x2: {  	s8 =	stileid.u32;
	s2 =	rddreg [dreg:$0x1]  }
0x3: {  	s6 =	simm.s32 $0x0;
	s14 =	simm.s32 $0x11;
	s15 =	simm.s32 $0x80  }
0x4: {  	s31 =	simm.s32 $0x1;
	s12 =	simm.s32 $0x4;
	s18 =	simm.s32 $0x5  }
0x5: {  	s29 =	simm.s32 $0xA;
	s10 =	simm.s32 $0xF;
	s13 =	simm.s32 $0x0  }
0x6: {  	s28 =	simm.s32 $0xB800;
	s30 =	simm.s32 $0xC800;
	s4 =	smul.u32 $0x4400, s8  }
0x7: {  	s0 =	sand.u32 $0x1, s0;
	s5 =	smul.u32 $0x4F00, s8;
	[smem:$0x7FF] =	sst s6  }
0x8: {  	s9 =	sadd.s32 $0xA4A00, s1;
	s26 =	sshll.u32 s8, $0x6;
	s3 =	smul.u32 $0x44000, s0  }
0x9: {  	s8 =	simm.s32 $0xD;
	s19 =	smul.u32 $0x4F000, s0;
	_ =	strace $0x8000004A  }
0xa: {  	s7 =	ssub.s32 $0x2, s0;
	[dreg:$0x4] =	wrdreg s9;
	p0 =	seq.s32 s0, $0x0  }
0xb: {  	s17 =	sor.u32 $0x1C11, s26;
	s0 =	simm.s32 $0x3;
	s26 =	simm.s32 $0x9  }
0xc: {  	s9 =	simm.s32 $0xE;
	s20 =	sshrl.u32 s7, $0x1;
	s23 =	sadd.s32 s5, s2  }
0xd: {  	[dreg:$0x9] =	wrdreg s17;
	s3 =	sadd.s32 s4, s3;
	s4 =	sadd.s32 $0x13200, s1  }
0xe: {  	s6 =	sadd.s32 s5, s19;
	s7 =	ssub.s32 s7, s20;
	s19 =	sshrl.u32 s23, $0x3  }
0xf: {  	s20 =	simm.s32 $0x6;
	s5 =	simm.s32 $0xB;
	s23 =	simm.s32 $0xE800  }
0x10: {  	s3 =	sshrl.u32 s3, $0x3;
	s6 =	sshrl.u32 s6, $0x3;
	s25 =	smax.u32 s7, $0x1  }
0x11: {  	s7 =	simm.s32 $0xC;
	[dreg:$0xa] =	wrdreg s19;
	s3 =	sadd.s32 s3, s1  }
0x12: {  	s1 =	sadd.s32 s6, s1;
	[dreg:$0x8] =	wrdreg s25;
	s21 =	sadd.s32 $0x1D800, s3  }
0x13: {  	s6 =	simm.s32 $0x88;
	s22 =	sadd.s32 $0x2200, s3;
	[dreg:$0x5] =	wrdreg s21  }
0x14: {  	s25 =	simm.s32 $0xF800;
	s1 =	sadd.s32 $0xA5400, s1;
	[dreg:$0x6] =	wrdreg s22  }
0x15: {  	s6 =	simm.s32 @!p0 $0x18;
	s3 =	simm.s32 $0x10;
	[dreg:$0x7] =	wrdreg s1  }
0x16: {  	s24 =	sshll.u32 s6, $0x9;
	s1 =	simm.s32 $0x2;
	s22 =	simm.s32 $0x7  }
0x17: {  	s21 =	simm.s32 $0xD800;
	[dreg:$0x3] =	wrdreg s24;
	s24 =	simm.s32 $0x8  }
.LBB2_1:
0x18: {  	[dreg:$0xb] =	wrdreg s13  }
0x19: {  	s11 =	simm.s32 $0x0;
	s16 =	rddreg [dreg:$0x5]  }
0x1a: {  	[tilespmem:s11], [sflag:$0x11] =	stream.linear.gather [hbm4b:s16+s11], $0x4400, $0x38;
	[tilespmem:$0x15700] =	vst v63  }
0x1b: {  	_ =	swait.ge [sflag:s14], $0x4400  }
0x1c: {  	[sflag:s14] =	ssyncset.done $0x0  }
0x1d: {  	s16 =	simm.s32 $0x4400;
	s13 =	rddreg [dreg:$0x6];
	[sflag:s14] =	ssyncadd.s32 $0xFFFFBC00  }
0x1e: {  	[tilespmem:s16], [sflag:$0x11] =	stream.linear.gather [hbm4b:s13+s11], $0x4400, $0x38;
	[tilespmem:$0x15700] =	vst v63  }
0x1f: {  	_ =	swait.ge [sflag:s14], $0x4400  }
0x20: {  	[sflag:s14] =	ssyncset.done $0x0  }
0x21: {  	s16 =	rddreg [dreg:$0x4];
	[sflag:s14] =	ssyncadd.s32 $0xFFFFBC00  }
0x22: {  	[spmem:s19], [sflag:s17] =	dma.local [hbm:s16], $0x9E0  }
0x23: {  	_ =	swait.ge [sflag:s14], $0x9E0  }
0x24: {  	[sflag:s14] =	ssyncset.done $0x0  }
0x25: {  	[sflag:s14] =	ssyncadd.s32 $0xFFFFF620  }
0x26: {  	s14 =	simm.s32 $0x8800;
	[bflag:$0x0] =	sbarrier.arrive $0xFFFF  }
0x27: {  	[tilespmem:s14], [sflag:$0x1] =	stream.indirect.gather [hbm4b:s4+s15], $0x20, s11, s15, $0xb8;
	[tilespmem:$0x15700] =	vst v63  }
0x28: {  	s16 =	simm.s32 $0x9800  }
0x29: {  	[tilespmem:s16], [sflag:$0x2] =	stream.indirect.gather [hbm4b:s4+s15], $0x20, s15, s15, $0xb8;
	[tilespmem:$0x15700] =	vst v63  }
0x2a: {  	s17 =	simm.s32 $0x100;
	s19 =	simm.s32 $0xA800  }
0x2b: {  	[tilespmem:s19], [sflag:$0x3] =	stream.indirect.gather [hbm4b:s4+s15], $0x20, s17, s15, $0xb8;
	[tilespmem:$0x15700] =	vst v63  }
0x2c: {  	s13 =	simm.s32 $0x180  }
0x2d: {  	[tilespmem:s28], [sflag:$0x4] =	stream.indirect.gather [hbm4b:s4+s15], $0x20, s13, s15, $0xb8;
	[tilespmem:$0x15700] =	vst v63  }
0x2e: {  	s14 =	simm.s32 $0x200  }
0x2f: {  	[tilespmem:s30], [sflag:$0x5] =	stream.indirect.gather [hbm4b:s4+s15], $0x20, s14, s15, $0xb8;
	[tilespmem:$0x15700] =	vst v63  }
0x30: {  	s16 =	simm.s32 $0x280  }
0x31: {  	[tilespmem:s21], [sflag:$0x6] =	stream.indirect.gather [hbm4b:s4+s15], $0x20, s16, s15, $0xb8;
	[tilespmem:$0x15700] =	vst v63  }
0x32: {  	s17 =	simm.s32 $0x300  }
0x33: {  	[tilespmem:s23], [sflag:$0x7] =	stream.indirect.gather [hbm4b:s4+s15], $0x20, s17, s15, $0xb8;
	[tilespmem:$0x15700] =	vst v63  }
0x34: {  	s11 =	simm.s32 $0x0;
	s19 =	simm.s32 $0x380;
	s14 =	simm.s32 $0x8  }
0x35: {  	[tilespmem:s25], [sflag:$0x8] =	stream.indirect.gather [hbm4b:s4+s15], $0x20, s19, s15, $0xb8;
	[tilespmem:$0x15700] =	vst v63  }
.LBB2_2:
0x36: {  	_ =	swait.ge [sflag:s31], $0x1000  }
0x37: {  	s13 =	sshra.s32 s11, $0x2;
	[sflag:s31] =	ssyncset.done $0x0  }
0x38: {  	s17 =	simm.s32 $0x8800;
	s16 =	sadd.s32 $0x4400, s13;
	[sflag:s31] =	ssyncadd.s32 $0xFFFFF000  }
0x39: {  	[spmem:s2] =	stream.indirect.scatter.add.f32 [tilespmem:s17], [sflag:$0x9], $0x20, s16, s15, $0xb8;
	[tilespmem:$0x15700] =	vst v63  }
0x3a: {  	_ =	swait.ge [sflag:s1], $0x1000  }
0x3b: {  	[sflag:s1] =	ssyncset.done $0x0  }
0x3c: {  	s19 =	simm.s32 $0x9800;
	s17 =	sadd.s32 $0x4480, s13;
	[sflag:s1] =	ssyncadd.s32 $0xFFFFF000  }
0x3d: {  	[spmem:s2] =	stream.indirect.scatter.add.f32 [tilespmem:s19], [sflag:$0xA], $0x20, s17, s15, $0xb8;
	[tilespmem:$0x15700] =	vst v63  }
0x3e: {  	_ =	swait.ge [sflag:s0], $0x1000  }
0x3f: {  	[sflag:s0] =	ssyncset.done $0x0  }
0x40: {  	s17 =	sadd.s32 $0x4500, s13;
	s19 =	simm.s32 $0xA800;
	[sflag:s0] =	ssyncadd.s32 $0xFFFFF000  }
0x41: {  	[spmem:s2] =	stream.indirect.scatter.add.f32 [tilespmem:s19], [sflag:$0xB], $0x20, s17, s15, $0xb8;
	[tilespmem:$0x15700] =	vst v63  }
0x42: {  	_ =	swait.ge [sflag:s12], $0x1000  }
0x43: {  	[sflag:s12] =	ssyncset.done $0x0  }
0x44: {  	s19 =	sadd.s32 $0x4580, s13;
	[sflag:s12] =	ssyncadd.s32 $0xFFFFF000  }
0x45: {  	[spmem:s2] =	stream.indirect.scatter.add.f32 [tilespmem:s28], [sflag:$0xC], $0x20, s19, s15, $0xb8;
	[tilespmem:$0x15700] =	vst v63  }
0x46: {  	_ =	swait.ge [sflag:s18], $0x1000  }
0x47: {  	[sflag:s18] =	ssyncset.done $0x0  }
0x48: {  	s17 =	sadd.s32 $0x4600, s13;
	[sflag:s18] =	ssyncadd.s32 $0xFFFFF000  }
0x49: {  	[spmem:s2] =	stream.indirect.scatter.add.f32 [tilespmem:s30], [sflag:$0xD], $0x20, s17, s15, $0xb8;
	[tilespmem:$0x15700] =	vst v63  }
0x4a: {  	_ =	swait.ge [sflag:s20], $0x1000  }
0x4b: {  	[sflag:s20] =	ssyncset.done $0x0  }
0x4c: {  	s19 =	sadd.s32 $0x4680, s13;
	[sflag:s20] =	ssyncadd.s32 $0xFFFFF000  }
0x4d: {  	[spmem:s2] =	stream.indirect.scatter.add.f32 [tilespmem:s21], [sflag:$0xE], $0x20, s19, s15, $0xb8;
	[tilespmem:$0x15700] =	vst v63  }
0x4e: {  	_ =	swait.ge [sflag:s22], $0x1000  }
0x4f: {  	[sflag:s22] =	ssyncset.done $0x0  }
0x50: {  	s17 =	sadd.s32 $0x4700, s13;
	[sflag:s22] =	ssyncadd.s32 $0xFFFFF000  }
0x51: {  	[spmem:s2] =	stream.indirect.scatter.add.f32 [tilespmem:s23], [sflag:$0xF], $0x20, s17, s15, $0xb8;
	[tilespmem:$0x15700] =	vst v63  }
0x52: {  	_ =	swait.ge [sflag:s24], $0x1000  }
0x53: {  	[sflag:s24] =	ssyncset.done $0x0  }
0x54: {  	p0 =	sge.u32 s14, s6;
	s13 =	sadd.s32 $0x4780, s13;
	[sflag:s24] =	ssyncadd.s32 $0xFFFFF000  }
0x55: {  	[spmem:s2] =	stream.indirect.scatter.add.f32 [tilespmem:s25], [sflag:$0x10], $0x20, s13, s15, $0xb8;
	[tilespmem:$0x15700] =	vst v63  }
0x56: {  	s16 =	simm.s32 @!p0 $0x80;
	_ =	swait.ge [sflag:s26], $0x1000  }
0x57: {  	s19 =	sadd.s32 $0x1, s14;
	s13 =	sshra.s32 @!p0 s11, $0x2;
	[sflag:s26] =	ssyncset.done $0x0  }
0x58: {  	s17 =	simm.s32 @!p0 $0x8800;
	s13 =	sadd.s32 @!p0 $0x400, s13;
	[sflag:s26] =	ssyncadd.s32 $0xFFFFF000  }
0x59: {  	[tilespmem:s17], [sflag:$0x1] =	stream.indirect.gather @!p0 [hbm4b:s4+s16], $0x20, s13, s16, $0xb8;
	[tilespmem:$0x15700] =	vst v63  }
0x5a: {  	p0 =	sge.u32 s19, s6;
	_ =	swait.ge [sflag:s29], $0x1000  }
0x5b: {  	s13 =	sshra.s32 @!p0 s11, $0x2;
	s16 =	simm.s32 @!p0 $0x80;
	[sflag:s29] =	ssyncset.done $0x0  }
0x5c: {  	s17 =	simm.s32 @!p0 $0x9800;
	s13 =	sadd.s32 @!p0 $0x480, s13;
	[sflag:s29] =	ssyncadd.s32 $0xFFFFF000  }
0x5d: {  	[tilespmem:s17], [sflag:$0x2] =	stream.indirect.gather @!p0 [hbm4b:s4+s16], $0x20, s13, s16, $0xb8;
	[tilespmem:$0x15700] =	vst v63  }
0x5e: {  	s16 =	sadd.s32 $0x2, s14  }
0x5f: {  	_ =	swait.ge [sflag:s5], $0x1000;
	p0 =	sge.u32 s16, s6  }
0x60: {  	[sflag:s5] =	ssyncset.done $0x0;
	s13 =	sshra.s32 @!p0 s11, $0x2;
	s16 =	simm.s32 @!p0 $0x80  }
0x61: {  	s17 =	simm.s32 @!p0 $0xA800;
	[sflag:s5] =	ssyncadd.s32 $0xFFFFF000;
	s13 =	sadd.s32 @!p0 $0x500, s13  }
0x62: {  	[tilespmem:s17], [sflag:$0x3] =	stream.indirect.gather @!p0 [hbm4b:s4+s16], $0x20, s13, s16, $0xb8;
	[tilespmem:$0x15700] =	vst v63  }
0x63: {  	s17 =	sadd.s32 $0x3, s14  }
0x64: {  	s19 =	sadd.s32 $0x4, s14;
	_ =	swait.ge [sflag:s7], $0x1000;
	p0 =	sge.u32 s17, s6  }
0x65: {  	[sflag:s7] =	ssyncset.done $0x0;
	s13 =	sshra.s32 @!p0 s11, $0x2;
	s16 =	simm.s32 @!p0 $0x80  }
0x66: {  	s17 =	simm.s32 @!p0 $0xB800;
	[sflag:s7] =	ssyncadd.s32 $0xFFFFF000;
	s13 =	sadd.s32 @!p0 $0x580, s13  }
0x67: {  	[tilespmem:s17], [sflag:$0x4] =	stream.indirect.gather @!p0 [hbm4b:s4+s16], $0x20, s13, s16, $0xb8;
	[tilespmem:$0x15700] =	vst v63  }
0x68: {  	p0 =	sge.u32 s19, s6;
	_ =	swait.ge [sflag:s8], $0x1000  }
0x69: {  	s13 =	sshra.s32 @!p0 s11, $0x2;
	s16 =	simm.s32 @!p0 $0x80;
	[sflag:s8] =	ssyncset.done $0x0  }
0x6a: {  	s17 =	simm.s32 @!p0 $0xC800;
	s13 =	sadd.s32 @!p0 $0x600, s13;
	[sflag:s8] =	ssyncadd.s32 $0xFFFFF000  }
0x6b: {  	[tilespmem:s17], [sflag:$0x5] =	stream.indirect.gather @!p0 [hbm4b:s4+s16], $0x20, s13, s16, $0xb8;
	[tilespmem:$0x15700] =	vst v63  }
0x6c: {  	s16 =	sadd.s32 $0x5, s14  }
0x6d: {  	_ =	swait.ge [sflag:s9], $0x1000;
	p0 =	sge.u32 s16, s6  }
0x6e: {  	[sflag:s9] =	ssyncset.done $0x0;
	s13 =	sshra.s32 @!p0 s11, $0x2;
	s16 =	simm.s32 @!p0 $0x80  }
0x6f: {  	s17 =	simm.s32 @!p0 $0xD800;
	[sflag:s9] =	ssyncadd.s32 $0xFFFFF000;
	s13 =	sadd.s32 @!p0 $0x680, s13  }
0x70: {  	[tilespmem:s17], [sflag:$0x6] =	stream.indirect.gather @!p0 [hbm4b:s4+s16], $0x20, s13, s16, $0xb8;
	[tilespmem:$0x15700] =	vst v63  }
0x71: {  	s17 =	sadd.s32 $0x6, s14  }
0x72: {  	s19 =	sadd.s32 $0x7, s14;
	_ =	swait.ge [sflag:s10], $0x1000;
	p0 =	sge.u32 s17, s6  }
0x73: {  	[sflag:s10] =	ssyncset.done $0x0;
	s13 =	sshra.s32 @!p0 s11, $0x2;
	s16 =	simm.s32 @!p0 $0x80  }
0x74: {  	s17 =	simm.s32 @!p0 $0xE800;
	[sflag:s10] =	ssyncadd.s32 $0xFFFFF000;
	s13 =	sadd.s32 @!p0 $0x700, s13  }
0x75: {  	[tilespmem:s17], [sflag:$0x7] =	stream.indirect.gather @!p0 [hbm4b:s4+s16], $0x20, s13, s16, $0xb8;
	[tilespmem:$0x15700] =	vst v63  }
0x76: {  	p0 =	sge.u32 s19, s6  }
0x77: {  	_ =	swait.ge [sflag:s3], $0x1000;
	s13 =	sshra.s32 @!p0 s11, $0x2;
	s16 =	simm.s32 @!p0 $0x80  }
0x78: {  	s17 =	simm.s32 @!p0 $0xF800;
	s11 =	sadd.s32 $0x1000, s11;
	[sflag:s3] =	ssyncset.done $0x0  }
0x79: {  	s13 =	sadd.s32 @!p0 $0x780, s13;
	s19 =	rddreg [dreg:$0x3];
	[sflag:s3] =	ssyncadd.s32 $0xFFFFF000  }
0x7a: {  	[tilespmem:s17], [sflag:$0x8] =	stream.indirect.gather @!p0 [hbm4b:s4+s16], $0x20, s13, s16, $0xb8;
	[tilespmem:$0x15700] =	vst v63  }
0x7b: {  	p0 =	sne.s32 s19, s11  }
.Ltmp0:
0x7c: {  	_ = 	snop;
	(pc) =	sbr.rel @p0 .LBB2_2-.Ltmp0, $2  }
0x7d: {  	_ =	sdelay $0x2  }
0x7e: {  	s14 =	sadd.s32 $0x8, s14  }
0x7f: {  	[bflag:$0x0] =	sbarrier.arrive $0xFFFF  }
0x80: {  	s11 =	rddreg [dreg:$0x7]  }
0x81: {  	s17 =	rddreg [dreg:$0x9]  }
0x82: {  	s14 =	simm.s32 $0x11;
	s19 =	rddreg [dreg:$0xa]  }
0x83: {  	[hbm:s11], [sflag:s17] =	dma.local [spmem:s19], $0x9E0  }
0x84: {  	_ =	swait.ge [sflag:s14], $0x9E0  }
0x85: {  	s13 =	rddreg [dreg:$0xb]  }
0x86: {  	s16 =	rddreg [dreg:$0x8];
	s13 =	sadd.s32 $0x1, s13  }
0x87: {  	p0 =	sne.s32 s13, s16  }
.Ltmp1:
0x88: {  	_ = 	snop;
	(pc) =	sbr.rel @p0 .LBB2_1-.Ltmp1, $3  }
0x89: {  	_ =	sdelay $0x1  }
0x8a: {  	[sflag:s14] =	ssyncset.done $0x0  }
0x8b: {  	[sflag:s14] =	ssyncadd.s32 $0xFFFFF620  }
0x8c: {  	_ =	sfence.sel $0x180000  }
0x8d: {  	[bflag:$0x0] =	sbarrier.arrive $0xFFFF  }
0x8e: {  	_ =	strace $0x9000004A  }
0x8f: {  	s0 =	stileid.u32;
	[bflag:$0x2] =	sbarrier.arrive $0xFFFF  }
0x90: {  	p0 =	sne.s32 s0, $0x0;
	s0 =	rddreg [dreg:$0x2]  }
0x91: {  	s0 =	sadd.s32 @!p0 $0x100000, s0  }
0x92: {  	[sflag:s0] =	ssyncadd.tile.s32 @!p0 $0x1;
	_ =	shalt  }
.Lfunc_end2:
_tile_overlayer_lowered:
.L_overlay_start_2:
0x93: {  	(tag) =	ssettag $0x2  }
0x94: {  	s0 =	rddreg [dreg:$0x0];
	s2 =	stileid.u32  }
0x95: {  	s1 =	rddreg [dreg:$0x1];
	p0 =	sne.s32 s2, $0x0  }
0x96: {  	s3 =	rddreg [dreg:$0x2];
	[bflag:$0x3] =	sbarrier.arrive $0xFFFF;
	s2 =	simm.s32 @!p0 $0x1C11  }
0x97: {  	[timem:s3], [sflag:s2] =	dma.local @!p0 [hbm:s0], s1  }
0x98: {  	s0 =	simm.s32 @!p0 $0x11  }
0x99: {  	_ =	swait.ge @!p0 [sflag:s0], s1  }
0x9a: {  	s1 =	ssub.s32 @!p0 $0x0, s1;
	[sflag:s0] =	ssyncset.done @!p0 $0x0  }
0x9b: {  	[sflag:s0] =	ssyncadd.s32 @!p0 s1  }
0x9c: {  	[bflag:$0x3] =	sbarrier.arrive $0xFFFF  }
0x9d: {  	_ =	shalt  }

// kernel: kernel.14.cloned.1.call-start
scs
__scs_entry_jumppad:
0x0: {  	(pc) =	sbr.rel $0x88, $3  }
0x1: {  	(tag) =	ssettag $0x0;
	lr =	simm.s32 $0x1  }
0x2: {  	[smem:$0x3F98] =	sst lr;
	_ =	strace $0xD0000000  }
0x3: {  	_ = 	snop  }
0x4: {  	_ = 	snop  }
0x5: {  	_ = 	snop  }
0x6: {  	_ = 	snop  }
0x7: {  	_ = 	snop  }
__scs_overlays_trampoline_lowered:
0x8: {  	[smem:$0x3FA7] =	sst s0  }
0x9: {  	[smem:$0x3FA8] =	sst s1  }
0xa: {  	[smem:$0x3FA9] =	sst s2  }
0xb: {  	[smem:$0x3FAA] =	sst s3  }
0xc: {  	[smem:$0x3FAB] =	sst s4  }
0xd: {  	[smem:$0x3FAC] =	sst s5  }
0xe: {  	[smem:$0x3FAD] =	sst s6  }
0xf: {  	[smem:$0x3FAE] =	sst s7  }
0x10: {  	[smem:$0x3FAF] =	sst s8  }
0x11: {  	[smem:$0x3FB0] =	sst s9;
	s0 =	simm.s32 @!p0 $0x0  }
0x12: {  	s1 =	sld [smem:$0x3F96];
	s0 =	simm.s32 @p0 $0x1  }
0x13: {  	[smem:$0x3FB1] =	sst s0;
	s0 =	simm.s32 @!p1 $0x0  }
0x14: {  	s2 =	sld [smem:$0x3F95];
	s0 =	simm.s32 @p1 $0x1  }
0x15: {  	[smem:$0x3FB2] =	sst s0;
	s0 =	simm.s32 @!p2 $0x0  }
0x16: {  	s3 =	sld [smem:$0x3FDB];
	s0 =	simm.s32 @p2 $0x1  }
0x17: {  	s4 =	simm.s32 $0x1BF5;
	[smem:$0x3FB4] =	sst s0  }
0x18: {  	s0 =	sld [smem:$0x3F97];
	_ =	swait.ge [sflag:s4], $0x0  }
0x19: {  	s7 =	sld [smem:$0x3F98]  }
0x1a: {  	s8 =	sadd.s32 $0xFFFFE003, lr  }
0x1b: {  	s9 =	sadd.s32 $0xFFFFFEF7, lr;
	s5 =	simm.s32 $0xFFFFFFFF;
	p2 =	slt.u32 s8, $0xFFFFF086  }
0x1c: {  	p1 =	slt.u32 s9, $0xF7A;
	s5 =	simm.s32 @!p2 $0x0  }
0x1d: {  	s5 =	simm.s32 @p1 $0x1;
	p0 =	seq.s32 s7, s2  }
0x1e: {  	s7 =	smul.u32 @!p0 $0xF7A, s2;
	p2 =	seq.s32 @!p0 s5, $0x0  }
0x1f: {  	s9 =	smul.u32 $0xF7A, s1;
	s8 =	simm.s32 @!p0 $0x1BF5;
	p2 =	por !p2, p0  }
0x20: {  	[sflag:s8] =	ssyncset.s32 @!p0 $0xFFFFF086;
	s6 =	sadd.s32 @!p0 s3, s7;
	s7 =	simm.s32 @!p0 $0x108  }
0x21: {  	s3 =	sadd.s32 s3, s9;
	s6 =	sadd.s32 @!p0 $0x88, s6;
	s7 =	simm.s32 @p2 $0x1082  }
0x22: {  	[simem:s7], [sflag:s8] =	dma.local @!p0 [hbm:s6], $0xF7A  }
0x23: {  	s9 =	sor.u32 $0xD0000000, s2;
	s6 =	simm.s32 $0x108;
	_ =	swait.ge @!p0 [sflag:s8], $0x0  }
0x24: {  	s3 =	sadd.s32 $0x88, s3;
	s6 =	simm.s32 @!p1 $0x1082;
	[sflag:s4] =	ssyncset.s32 $0xFFFFF086  }
0x25: {  	[simem:s6], [sflag:s4] =	dma.local [hbm:s3], $0xF7A  }
0x26: {  	[smem:$0x3F98] =	sst s1;
	(tag) =	ssettag s2;
	_ =	strace s9  }
0x27: {  	s1 =	sld [smem:$0x3FA8]  }
0x28: {  	s2 =	sld [smem:$0x3FA9]  }
0x29: {  	s4 =	sld [smem:$0x3FAB]  }
0x2a: {  	p0 =	seq.s32 s5, $0x0;
	s5 =	sld [smem:$0x3FAC]  }
0x2b: {  	s6 =	sld [smem:$0x3FAD]  }
0x2c: {  	s7 =	sld [smem:$0x3FAE]  }
0x2d: {  	s3 =	simm.s32 $0x108;
	s8 =	sld [smem:$0x3FAF]  }
0x2e: {  	s3 =	simm.s32 @!p0 $0x1082;
	s9 =	sld [smem:$0x3FB0]  }
0x2f: {  	lr =	sadd.s32 s0, s3;
	s0 =	sld [smem:$0x3FA7]  }
0x30: {  	s3 =	sld [smem:$0x3FAA]  }
0x31: {  	[smem:$0x3FB3] =	sst s10  }
0x32: {  	s10 =	sld [smem:$0x3FB1];
	_ =	sdelay $0x3  }
0x33: {  	p0 =	seq.s32 s10, $0x1;
	s10 =	sld [smem:$0x3FB3];
	_ =	sdelay $0x3  }
0x34: {  	[smem:$0x3FB3] =	sst s10  }
0x35: {  	s10 =	sld [smem:$0x3FB2];
	_ =	sdelay $0x3  }
0x36: {  	p1 =	seq.s32 s10, $0x1;
	s10 =	sld [smem:$0x3FB3];
	_ =	sdelay $0x3  }
0x37: {  	[smem:$0x3FB3] =	sst s10  }
0x38: {  	s10 =	sld [smem:$0x3FB4]  }
0x39: {  	_ = 	snop;
	(pc) =	sbr.ind lr, $3  }
0x3a: {  	_ = 	snop  }
0x3b: {  	_ = 	snop  }
0x3c: {  	p2 =	seq.s32 s10, $0x1;
	s10 =	sld [smem:$0x3FB3]  }
0x3d: {  	_ =	shalt  }
0x3e: {  	_ =	shalt  }
0x3f: {  	_ =	shalt  }
0x40: {  	_ =	shalt  }
0x41: {  	_ =	shalt  }
0x42: {  	_ =	shalt  }
0x43: {  	_ =	shalt  }
0x44: {  	_ =	shalt  }
0x45: {  	_ =	shalt  }
0x46: {  	_ =	shalt  }
0x47: {  	_ =	shalt  }
0x48: {  	_ =	shalt  }
0x49: {  	_ =	shalt  }
0x4a: {  	_ =	shalt  }
0x4b: {  	_ =	shalt  }
0x4c: {  	_ =	shalt  }
0x4d: {  	_ =	shalt  }
0x4e: {  	_ =	shalt  }
0x4f: {  	_ =	shalt  }
0x50: {  	_ =	shalt  }
0x51: {  	_ =	shalt  }
0x52: {  	_ =	shalt  }
0x53: {  	_ =	shalt  }
0x54: {  	_ =	shalt  }
0x55: {  	_ =	shalt  }
0x56: {  	_ =	shalt  }
0x57: {  	_ =	shalt  }
0x58: {  	_ =	shalt  }
0x59: {  	_ =	shalt  }
0x5a: {  	_ =	shalt  }
0x5b: {  	_ =	shalt  }
0x5c: {  	_ =	shalt  }
0x5d: {  	_ =	shalt  }
0x5e: {  	_ =	shalt  }
0x5f: {  	_ =	shalt  }
0x60: {  	_ =	shalt  }
0x61: {  	_ =	shalt  }
0x62: {  	_ =	shalt  }
0x63: {  	_ =	shalt  }
0x64: {  	_ =	shalt  }
0x65: {  	_ =	shalt  }
0x66: {  	_ =	shalt  }
0x67: {  	_ =	shalt  }
0x68: {  	_ =	shalt  }
0x69: {  	_ =	shalt  }
0x6a: {  	_ =	shalt  }
0x6b: {  	_ =	shalt  }
0x6c: {  	_ =	shalt  }
0x6d: {  	_ =	shalt  }
0x6e: {  	_ =	shalt  }
0x6f: {  	_ =	shalt  }
0x70: {  	_ =	shalt  }
0x71: {  	_ =	shalt  }
0x72: {  	_ =	shalt  }
0x73: {  	_ =	shalt  }
0x74: {  	_ =	shalt  }
0x75: {  	_ =	shalt  }
0x76: {  	_ =	shalt  }
0x77: {  	_ =	shalt  }
0x78: {  	_ =	shalt  }
0x79: {  	_ =	shalt  }
0x7a: {  	_ =	shalt  }
0x7b: {  	_ =	shalt  }
0x7c: {  	_ =	shalt  }
0x7d: {  	_ =	shalt  }
0x7e: {  	_ =	shalt  }
0x7f: {  	_ =	shalt  }
0x80: {  	_ =	shalt  }
0x81: {  	_ =	shalt  }
0x82: {  	_ =	shalt  }
0x83: {  	_ =	shalt  }
0x84: {  	_ =	shalt  }
0x85: {  	_ =	shalt  }
0x86: {  	_ =	shalt  }
0x87: {  	_ =	shalt  }
.Lfunc_end0:
.L_simem_size_0:
called_computation.2_lowered:
.L_overlay_start_0:
0x88: {  	s2 =	sld [smem:$0x3FD9]  }
0x89: {  	s3 =	sld [smem:$0x3FFE];
	_ =	sdelay $0x1  }
0x8a: {  	s1 =	srdreg.scid  }
0x8b: {  	s0 =	sand.u32 $0x1, s1  }
0x8c: {  	s16 =	sshll.u32 s0, $0xA;
	s2 =	sadd.s32 s3, s2  }
0x8d: {  	s2 =	sadd.s32 s2, s16  }
0x8e: {  	[smem:$0x3FBF] =	sst s2  }
0x8f: {  	_ = 	snop  }
0x90: {  	(tm) =	ssettm $0x1  }
0x91: {  	s17 =	sld [smem:$0x3FFB];
	_ =	sdelay $0x3  }
0x92: {  	_ =	strace s17  }
0x93: {  	s2 =	sld [smem:$0x3FFC];
	_ =	sdelay $0x3  }
0x94: {  	_ =	strace s2  }
0x95: {  	s2 =	sld [smem:$0x3FFD];
	_ =	sdelay $0x3  }
0x96: {  	_ =	strace s2  }
0x97: {  	_ =	strace $0x8FFFFFFF  }
0x98: {  	s18 =	sld [smem:$0x3FDB];
	_ =	sdelay $0x1  }
0x99: {  	s19 =	simm.s32 $_scs_section_size  }
0x9a: {  	s4 =	simm.s32 $_size__tile_overlayer_lowered;
	s5 =	simm.s32 $_tile_overlayer_lowered  }
0x9b: {  	s22 =	simm.s32 $0x1BFF;
	s21 =	sshll.u32 s5, $0x1;
	s2 =	sadd.s32 s19, s18  }
0x9c: {  	s6 =	simm.s32 $0x0;
	s20 =	sshll.u32 s4, $0x1;
	s4 =	sadd.s32 s21, s2  }
0x9d: {  	[timem:s6], [sflag:s22] =	dma.local [hbm:s4], s20  }
0x9e: {  	_ =	swait.ge [sflag:s22], s20  }
0x9f: {  	s3 =	ssub.s32 $0x0, s20;
	[sflag:s22] =	ssyncset.done $0x0  }
0xa0: {  	[sflag:s22] =	ssyncadd.s32 s3;
	_ =	sdelay $0x1  }
0xa1: {  	s23 =	simm.s32 $0x1B8B  }
0xa2: {  	_ =	swait.ge [sflag:s23], $0x1  }
0xa3: {  	[sflag:s23] =	ssyncset.done $0x0  }
0xa4: {  	s25 =	simm.s32 $0x1B8E;
	s24 =	sld [smem:$0x3FFE];
	[sflag:s23] =	ssyncadd.s32 $0xFFFFFFFF  }
0xa5: {  	s26 =	simm.s32 $execute0_lowered;
	[smem:$0x3FD2] =	sst s25  }
0xa6: {  	s4 =	sshll.u32 s26, $0x1;
	_ =	strace $0x8000004C;
	[dreg:$0x1] =	wrdreg $0xFFFFFFFF  }
0xa7: {  	s28 =	simm.s32 $_size_execute0_lowered;
	s2 =	sadd.s32 s2, s4;
	[dreg:$0x0] =	wrdreg $0x0  }
0xa8: {  	s4 =	sshll.u32 s28, $0x1;
	[dreg:$0x2] =	wrdreg s2  }
0xa9: {  	[dreg:$0x3] =	wrdreg s4  }
0xaa: {  	[dreg:$0x4] =	wrdreg $0xC0  }
0xab: {  	_ =	task [dreg:s6], $0x5FFFF  }
0xac: {  	[dreg:$0x1] =	wrdreg $0xFFFFFFFF  }
0xad: {  	[dreg:$0x0] =	wrdreg $0x60  }
0xae: {  	[dreg:$0x2] =	wrdreg s24  }
0xaf: {  	[dreg:$0x3] =	wrdreg $0x108000  }
0xb0: {  	[dreg:$0x4] =	wrdreg $0x9  }
0xb1: {  	_ =	task.clear_ibuf [dreg:s6], $0x5FFFF;
	_ =	strace $0x9000004C  }
0xb2: {  	s29 =	simm.s32 $0x9;
	_ =	strace $0x8000004E  }
0xb3: {  	_ =	swait.ge [sflag:s29], $0x1  }
0xb4: {  	[sflag:s29] =	ssyncadd.s32 $0xFFFFFFFF  }
0xb5: {  	_ =	strace $0x9000004E  }
0xb6: {  	_ =	sfence  }
0xb7: {  	s30 =	sld [smem:$0x0];
	_ =	sdelay $0x2  }
0xb8: {  	s31 =	sshll.u32 s1, $0xD;
	s1 =	sshrl.u32 s1, $0x2  }
0xb9: {  	s3 =	sand.u32 $0x4000, s31;
	s1 =	sadd.s32 s1, s30  }
0xba: {  	s0 =	sor.u32 s3, s0;
	s1 =	sshll.u32 s1, $0x11  }
0xbb: {  	s0 =	sor.u32 s1, s0  }
0xbc: {  	s0 =	sadd.s32 $0x8F2B, s0  }
0xbd: {  	[sflag:s0] =	ssyncadd.remote.s32 $0x1  }
0xbe: {  	_ =	sfence.sel $0xFFFF  }
0xbf: {  	[dreg:$0x0] =	wrdreg $0xFFFFFFFF;
	(pc) =	sbr.abs _section_cstart, $3  }
0xc0: {  	[dreg:$0x1] =	wrdreg $0xFFFFFFFF  }
0xc1: {  	_ =	task.clear_ibuf [dreg:s6], $0x2FFFF;
	_ =	strace $0x9FFFFFFF  }
0xc2: {  	(tm) =	ssettm $0x7FFFFFFF  }
0xc3: {  	_ =	shalt  }
tec
execute0_lowered:
.L_overlay_start_1:
0x0: {  	(tag) =	ssettag $0x1  }
0x1: {  	s0 =	srdreg.scid;
	s1 =	rddreg [dreg:$0x0]  }
0x2: {  	s8 =	stileid.u32;
	s2 =	rddreg [dreg:$0x1]  }
0x3: {  	s6 =	simm.s32 $0x0;
	s14 =	simm.s32 $0x11;
	s15 =	simm.s32 $0x80  }
0x4: {  	s31 =	simm.s32 $0x1;
	s12 =	simm.s32 $0x4;
	s18 =	simm.s32 $0x5  }
0x5: {  	s29 =	simm.s32 $0xA;
	s10 =	simm.s32 $0xF;
	s13 =	simm.s32 $0x0  }
0x6: {  	s28 =	simm.s32 $0xB800;
	s30 =	simm.s32 $0xC800;
	s4 =	smul.u32 $0x4400, s8  }
0x7: {  	s0 =	sand.u32 $0x1, s0;
	s5 =	smul.u32 $0x4F00, s8;
	[smem:$0x7FF] =	sst s6  }
0x8: {  	s9 =	sadd.s32 $0xA4A00, s1;
	s26 =	sshll.u32 s8, $0x6;
	s3 =	smul.u32 $0x44000, s0  }
0x9: {  	s8 =	simm.s32 $0xD;
	s19 =	smul.u32 $0x4F000, s0;
	_ =	strace $0x8000004D  }
0xa: {  	s7 =	ssub.s32 $0x2, s0;
	[dreg:$0x4] =	wrdreg s9;
	p0 =	seq.s32 s0, $0x0  }
0xb: {  	s17 =	sor.u32 $0x1C11, s26;
	s0 =	simm.s32 $0x3;
	s26 =	simm.s32 $0x9  }
0xc: {  	s9 =	simm.s32 $0xE;
	s20 =	sshrl.u32 s7, $0x1;
	s23 =	sadd.s32 s5, s2  }
0xd: {  	[dreg:$0x9] =	wrdreg s17;
	s3 =	sadd.s32 s4, s3;
	s4 =	sadd.s32 $0x13200, s1  }
0xe: {  	s6 =	sadd.s32 s5, s19;
	s7 =	ssub.s32 s7, s20;
	s19 =	sshrl.u32 s23, $0x3  }
0xf: {  	s20 =	simm.s32 $0x6;
	s5 =	simm.s32 $0xB;
	s23 =	simm.s32 $0xE800  }
0x10: {  	s3 =	sshrl.u32 s3, $0x3;
	s6 =	sshrl.u32 s6, $0x3;
	s25 =	smax.u32 s7, $0x1  }
0x11: {  	s7 =	simm.s32 $0xC;
	[dreg:$0xa] =	wrdreg s19;
	s3 =	sadd.s32 s3, s1  }
0x12: {  	s1 =	sadd.s32 s6, s1;
	[dreg:$0x8] =	wrdreg s25;
	s21 =	sadd.s32 $0x1D800, s3  }
0x13: {  	s6 =	simm.s32 $0x88;
	s22 =	sadd.s32 $0x2200, s3;
	[dreg:$0x5] =	wrdreg s21  }
0x14: {  	s25 =	simm.s32 $0xF800;
	s1 =	sadd.s32 $0x7D800, s1;
	[dreg:$0x6] =	wrdreg s22  }
0x15: {  	s6 =	simm.s32 @!p0 $0x18;
	s3 =	simm.s32 $0x10;
	[dreg:$0x7] =	wrdreg s1  }
0x16: {  	s24 =	sshll.u32 s6, $0x9;
	s1 =	simm.s32 $0x2;
	s22 =	simm.s32 $0x7  }
0x17: {  	s21 =	simm.s32 $0xD800;
	[dreg:$0x3] =	wrdreg s24;
	s24 =	simm.s32 $0x8  }
.LBB2_1:
0x18: {  	[dreg:$0xb] =	wrdreg s13  }
0x19: {  	s11 =	simm.s32 $0x0;
	s16 =	rddreg [dreg:$0x5]  }
0x1a: {  	[tilespmem:s11], [sflag:$0x11] =	stream.linear.gather [hbm4b:s16+s11], $0x4400, $0x38;
	[tilespmem:$0x15700] =	vst v63  }
0x1b: {  	_ =	swait.ge [sflag:s14], $0x4400  }
0x1c: {  	[sflag:s14] =	ssyncset.done $0x0  }
0x1d: {  	s16 =	simm.s32 $0x4400;
	s13 =	rddreg [dreg:$0x6];
	[sflag:s14] =	ssyncadd.s32 $0xFFFFBC00  }
0x1e: {  	[tilespmem:s16], [sflag:$0x11] =	stream.linear.gather [hbm4b:s13+s11], $0x4400, $0x38;
	[tilespmem:$0x15700] =	vst v63  }
0x1f: {  	_ =	swait.ge [sflag:s14], $0x4400  }
0x20: {  	[sflag:s14] =	ssyncset.done $0x0  }
0x21: {  	s16 =	rddreg [dreg:$0x4];
	[sflag:s14] =	ssyncadd.s32 $0xFFFFBC00  }
0x22: {  	[spmem:s19], [sflag:s17] =	dma.local [hbm:s16], $0x9E0  }
0x23: {  	_ =	swait.ge [sflag:s14], $0x9E0  }
0x24: {  	[sflag:s14] =	ssyncset.done $0x0  }
0x25: {  	[sflag:s14] =	ssyncadd.s32 $0xFFFFF620  }
0x26: {  	s14 =	simm.s32 $0x8800;
	[bflag:$0x0] =	sbarrier.arrive $0xFFFF  }
0x27: {  	[tilespmem:s14], [sflag:$0x1] =	stream.indirect.gather [hbm4b:s4+s15], $0x20, s11, s15, $0xb8;
	[tilespmem:$0x15700] =	vst v63  }
0x28: {  	s16 =	simm.s32 $0x9800  }
0x29: {  	[tilespmem:s16], [sflag:$0x2] =	stream.indirect.gather [hbm4b:s4+s15], $0x20, s15, s15, $0xb8;
	[tilespmem:$0x15700] =	vst v63  }
0x2a: {  	s17 =	simm.s32 $0x100;
	s19 =	simm.s32 $0xA800  }
0x2b: {  	[tilespmem:s19], [sflag:$0x3] =	stream.indirect.gather [hbm4b:s4+s15], $0x20, s17, s15, $0xb8;
	[tilespmem:$0x15700] =	vst v63  }
0x2c: {  	s13 =	simm.s32 $0x180  }
0x2d: {  	[tilespmem:s28], [sflag:$0x4] =	stream.indirect.gather [hbm4b:s4+s15], $0x20, s13, s15, $0xb8;
	[tilespmem:$0x15700] =	vst v63  }
0x2e: {  	s14 =	simm.s32 $0x200  }
0x2f: {  	[tilespmem:s30], [sflag:$0x5] =	stream.indirect.gather [hbm4b:s4+s15], $0x20, s14, s15, $0xb8;
	[tilespmem:$0x15700] =	vst v63  }
0x30: {  	s16 =	simm.s32 $0x280  }
0x31: {  	[tilespmem:s21], [sflag:$0x6] =	stream.indirect.gather [hbm4b:s4+s15], $0x20, s16, s15, $0xb8;
	[tilespmem:$0x15700] =	vst v63  }
0x32: {  	s17 =	simm.s32 $0x300  }
0x33: {  	[tilespmem:s23], [sflag:$0x7] =	stream.indirect.gather [hbm4b:s4+s15], $0x20, s17, s15, $0xb8;
	[tilespmem:$0x15700] =	vst v63  }
0x34: {  	s11 =	simm.s32 $0x0;
	s19 =	simm.s32 $0x380;
	s14 =	simm.s32 $0x8  }
0x35: {  	[tilespmem:s25], [sflag:$0x8] =	stream.indirect.gather [hbm4b:s4+s15], $0x20, s19, s15, $0xb8;
	[tilespmem:$0x15700] =	vst v63  }
.LBB2_2:
0x36: {  	_ =	swait.ge [sflag:s31], $0x1000  }
0x37: {  	s13 =	sshra.s32 s11, $0x2;
	[sflag:s31] =	ssyncset.done $0x0  }
0x38: {  	s17 =	simm.s32 $0x8800;
	s16 =	sadd.s32 $0x4400, s13;
	[sflag:s31] =	ssyncadd.s32 $0xFFFFF000  }
0x39: {  	[spmem:s2] =	stream.indirect.scatter.add.f32 [tilespmem:s17], [sflag:$0x9], $0x20, s16, s15, $0xb8;
	[tilespmem:$0x15700] =	vst v63  }
0x3a: {  	_ =	swait.ge [sflag:s1], $0x1000  }
0x3b: {  	[sflag:s1] =	ssyncset.done $0x0  }
0x3c: {  	s19 =	simm.s32 $0x9800;
	s17 =	sadd.s32 $0x4480, s13;
	[sflag:s1] =	ssyncadd.s32 $0xFFFFF000  }
0x3d: {  	[spmem:s2] =	stream.indirect.scatter.add.f32 [tilespmem:s19], [sflag:$0xA], $0x20, s17, s15, $0xb8;
	[tilespmem:$0x15700] =	vst v63  }
0x3e: {  	_ =	swait.ge [sflag:s0], $0x1000  }
0x3f: {  	[sflag:s0] =	ssyncset.done $0x0  }
0x40: {  	s17 =	sadd.s32 $0x4500, s13;
	s19 =	simm.s32 $0xA800;
	[sflag:s0] =	ssyncadd.s32 $0xFFFFF000  }
0x41: {  	[spmem:s2] =	stream.indirect.scatter.add.f32 [tilespmem:s19], [sflag:$0xB], $0x20, s17, s15, $0xb8;
	[tilespmem:$0x15700] =	vst v63  }
0x42: {  	_ =	swait.ge [sflag:s12], $0x1000  }
0x43: {  	[sflag:s12] =	ssyncset.done $0x0  }
0x44: {  	s19 =	sadd.s32 $0x4580, s13;
	[sflag:s12] =	ssyncadd.s32 $0xFFFFF000  }
0x45: {  	[spmem:s2] =	stream.indirect.scatter.add.f32 [tilespmem:s28], [sflag:$0xC], $0x20, s19, s15, $0xb8;
	[tilespmem:$0x15700] =	vst v63  }
0x46: {  	_ =	swait.ge [sflag:s18], $0x1000  }
0x47: {  	[sflag:s18] =	ssyncset.done $0x0  }
0x48: {  	s17 =	sadd.s32 $0x4600, s13;
	[sflag:s18] =	ssyncadd.s32 $0xFFFFF000  }
0x49: {  	[spmem:s2] =	stream.indirect.scatter.add.f32 [tilespmem:s30], [sflag:$0xD], $0x20, s17, s15, $0xb8;
	[tilespmem:$0x15700] =	vst v63  }
0x4a: {  	_ =	swait.ge [sflag:s20], $0x1000  }
0x4b: {  	[sflag:s20] =	ssyncset.done $0x0  }
0x4c: {  	s19 =	sadd.s32 $0x4680, s13;
	[sflag:s20] =	ssyncadd.s32 $0xFFFFF000  }
0x4d: {  	[spmem:s2] =	stream.indirect.scatter.add.f32 [tilespmem:s21], [sflag:$0xE], $0x20, s19, s15, $0xb8;
	[tilespmem:$0x15700] =	vst v63  }
0x4e: {  	_ =	swait.ge [sflag:s22], $0x1000  }
0x4f: {  	[sflag:s22] =	ssyncset.done $0x0  }
0x50: {  	s17 =	sadd.s32 $0x4700, s13;
	[sflag:s22] =	ssyncadd.s32 $0xFFFFF000  }
0x51: {  	[spmem:s2] =	stream.indirect.scatter.add.f32 [tilespmem:s23], [sflag:$0xF], $0x20, s17, s15, $0xb8;
	[tilespmem:$0x15700] =	vst v63  }
0x52: {  	_ =	swait.ge [sflag:s24], $0x1000  }
0x53: {  	[sflag:s24] =	ssyncset.done $0x0  }
0x54: {  	p0 =	sge.u32 s14, s6;
	s13 =	sadd.s32 $0x4780, s13;
	[sflag:s24] =	ssyncadd.s32 $0xFFFFF000  }
0x55: {  	[spmem:s2] =	stream.indirect.scatter.add.f32 [tilespmem:s25], [sflag:$0x10], $0x20, s13, s15, $0xb8;
	[tilespmem:$0x15700] =	vst v63  }
0x56: {  	s16 =	simm.s32 @!p0 $0x80;
	_ =	swait.ge [sflag:s26], $0x1000  }
0x57: {  	s19 =	sadd.s32 $0x1, s14;
	s13 =	sshra.s32 @!p0 s11, $0x2;
	[sflag:s26] =	ssyncset.done $0x0  }
0x58: {  	s17 =	simm.s32 @!p0 $0x8800;
	s13 =	sadd.s32 @!p0 $0x400, s13;
	[sflag:s26] =	ssyncadd.s32 $0xFFFFF000  }
0x59: {  	[tilespmem:s17], [sflag:$0x1] =	stream.indirect.gather @!p0 [hbm4b:s4+s16], $0x20, s13, s16, $0xb8;
	[tilespmem:$0x15700] =	vst v63  }
0x5a: {  	p0 =	sge.u32 s19, s6;
	_ =	swait.ge [sflag:s29], $0x1000  }
0x5b: {  	s13 =	sshra.s32 @!p0 s11, $0x2;
	s16 =	simm.s32 @!p0 $0x80;
	[sflag:s29] =	ssyncset.done $0x0  }
0x5c: {  	s17 =	simm.s32 @!p0 $0x9800;
	s13 =	sadd.s32 @!p0 $0x480, s13;
	[sflag:s29] =	ssyncadd.s32 $0xFFFFF000  }
0x5d: {  	[tilespmem:s17], [sflag:$0x2] =	stream.indirect.gather @!p0 [hbm4b:s4+s16], $0x20, s13, s16, $0xb8;
	[tilespmem:$0x15700] =	vst v63  }
0x5e: {  	s16 =	sadd.s32 $0x2, s14  }
0x5f: {  	_ =	swait.ge [sflag:s5], $0x1000;
	p0 =	sge.u32 s16, s6  }
0x60: {  	[sflag:s5] =	ssyncset.done $0x0;
	s13 =	sshra.s32 @!p0 s11, $0x2;
	s16 =	simm.s32 @!p0 $0x80  }
0x61: {  	s17 =	simm.s32 @!p0 $0xA800;
	[sflag:s5] =	ssyncadd.s32 $0xFFFFF000;
	s13 =	sadd.s32 @!p0 $0x500, s13  }
0x62: {  	[tilespmem:s17], [sflag:$0x3] =	stream.indirect.gather @!p0 [hbm4b:s4+s16], $0x20, s13, s16, $0xb8;
	[tilespmem:$0x15700] =	vst v63  }
0x63: {  	s17 =	sadd.s32 $0x3, s14  }
0x64: {  	s19 =	sadd.s32 $0x4, s14;
	_ =	swait.ge [sflag:s7], $0x1000;
	p0 =	sge.u32 s17, s6  }
0x65: {  	[sflag:s7] =	ssyncset.done $0x0;
	s13 =	sshra.s32 @!p0 s11, $0x2;
	s16 =	simm.s32 @!p0 $0x80  }
0x66: {  	s17 =	simm.s32 @!p0 $0xB800;
	[sflag:s7] =	ssyncadd.s32 $0xFFFFF000;
	s13 =	sadd.s32 @!p0 $0x580, s13  }
0x67: {  	[tilespmem:s17], [sflag:$0x4] =	stream.indirect.gather @!p0 [hbm4b:s4+s16], $0x20, s13, s16, $0xb8;
	[tilespmem:$0x15700] =	vst v63  }
0x68: {  	p0 =	sge.u32 s19, s6;
	_ =	swait.ge [sflag:s8], $0x1000  }
0x69: {  	s13 =	sshra.s32 @!p0 s11, $0x2;
	s16 =	simm.s32 @!p0 $0x80;
	[sflag:s8] =	ssyncset.done $0x0  }
0x6a: {  	s17 =	simm.s32 @!p0 $0xC800;
	s13 =	sadd.s32 @!p0 $0x600, s13;
	[sflag:s8] =	ssyncadd.s32 $0xFFFFF000  }
0x6b: {  	[tilespmem:s17], [sflag:$0x5] =	stream.indirect.gather @!p0 [hbm4b:s4+s16], $0x20, s13, s16, $0xb8;
	[tilespmem:$0x15700] =	vst v63  }
0x6c: {  	s16 =	sadd.s32 $0x5, s14  }
0x6d: {  	_ =	swait.ge [sflag:s9], $0x1000;
	p0 =	sge.u32 s16, s6  }
0x6e: {  	[sflag:s9] =	ssyncset.done $0x0;
	s13 =	sshra.s32 @!p0 s11, $0x2;
	s16 =	simm.s32 @!p0 $0x80  }
0x6f: {  	s17 =	simm.s32 @!p0 $0xD800;
	[sflag:s9] =	ssyncadd.s32 $0xFFFFF000;
	s13 =	sadd.s32 @!p0 $0x680, s13  }
0x70: {  	[tilespmem:s17], [sflag:$0x6] =	stream.indirect.gather @!p0 [hbm4b:s4+s16], $0x20, s13, s16, $0xb8;
	[tilespmem:$0x15700] =	vst v63  }
0x71: {  	s17 =	sadd.s32 $0x6, s14  }
0x72: {  	s19 =	sadd.s32 $0x7, s14;
	_ =	swait.ge [sflag:s10], $0x1000;
	p0 =	sge.u32 s17, s6  }
0x73: {  	[sflag:s10] =	ssyncset.done $0x0;
	s13 =	sshra.s32 @!p0 s11, $0x2;
	s16 =	simm.s32 @!p0 $0x80  }
0x74: {  	s17 =	simm.s32 @!p0 $0xE800;
	[sflag:s10] =	ssyncadd.s32 $0xFFFFF000;
	s13 =	sadd.s32 @!p0 $0x700, s13  }
0x75: {  	[tilespmem:s17], [sflag:$0x7] =	stream.indirect.gather @!p0 [hbm4b:s4+s16], $0x20, s13, s16, $0xb8;
	[tilespmem:$0x15700] =	vst v63  }
0x76: {  	p0 =	sge.u32 s19, s6  }
0x77: {  	_ =	swait.ge [sflag:s3], $0x1000;
	s13 =	sshra.s32 @!p0 s11, $0x2;
	s16 =	simm.s32 @!p0 $0x80  }
0x78: {  	s17 =	simm.s32 @!p0 $0xF800;
	s11 =	sadd.s32 $0x1000, s11;
	[sflag:s3] =	ssyncset.done $0x0  }
0x79: {  	s13 =	sadd.s32 @!p0 $0x780, s13;
	s19 =	rddreg [dreg:$0x3];
	[sflag:s3] =	ssyncadd.s32 $0xFFFFF000  }
0x7a: {  	[tilespmem:s17], [sflag:$0x8] =	stream.indirect.gather @!p0 [hbm4b:s4+s16], $0x20, s13, s16, $0xb8;
	[tilespmem:$0x15700] =	vst v63  }
0x7b: {  	p0 =	sne.s32 s19, s11  }
.Ltmp0:
0x7c: {  	_ = 	snop;
	(pc) =	sbr.rel @p0 .LBB2_2-.Ltmp0, $2  }
0x7d: {  	_ =	sdelay $0x2  }
0x7e: {  	s14 =	sadd.s32 $0x8, s14  }
0x7f: {  	[bflag:$0x0] =	sbarrier.arrive $0xFFFF  }
0x80: {  	s11 =	rddreg [dreg:$0x7]  }
0x81: {  	s17 =	rddreg [dreg:$0x9]  }
0x82: {  	s14 =	simm.s32 $0x11;
	s19 =	rddreg [dreg:$0xa]  }
0x83: {  	[hbm:s11], [sflag:s17] =	dma.local [spmem:s19], $0x9E0  }
0x84: {  	_ =	swait.ge [sflag:s14], $0x9E0  }
0x85: {  	s13 =	rddreg [dreg:$0xb]  }
0x86: {  	s16 =	rddreg [dreg:$0x8];
	s13 =	sadd.s32 $0x1, s13  }
0x87: {  	p0 =	sne.s32 s13, s16  }
.Ltmp1:
0x88: {  	_ = 	snop;
	(pc) =	sbr.rel @p0 .LBB2_1-.Ltmp1, $3  }
0x89: {  	_ =	sdelay $0x1  }
0x8a: {  	[sflag:s14] =	ssyncset.done $0x0  }
0x8b: {  	[sflag:s14] =	ssyncadd.s32 $0xFFFFF620  }
0x8c: {  	_ =	sfence.sel $0x180000  }
0x8d: {  	[bflag:$0x0] =	sbarrier.arrive $0xFFFF  }
0x8e: {  	_ =	strace $0x9000004D  }
0x8f: {  	s0 =	stileid.u32;
	[bflag:$0x2] =	sbarrier.arrive $0xFFFF  }
0x90: {  	p0 =	sne.s32 s0, $0x0;
	s0 =	rddreg [dreg:$0x2]  }
0x91: {  	s0 =	sadd.s32 @!p0 $0x100000, s0  }
0x92: {  	[sflag:s0] =	ssyncadd.tile.s32 @!p0 $0x1;
	_ =	shalt  }
.Lfunc_end2:
_tile_overlayer_lowered:
.L_overlay_start_2:
0x93: {  	(tag) =	ssettag $0x2  }
0x94: {  	s0 =	rddreg [dreg:$0x0];
	s2 =	stileid.u32  }
0x95: {  	s1 =	rddreg [dreg:$0x1];
	p0 =	sne.s32 s2, $0x0  }
0x96: {  	s3 =	rddreg [dreg:$0x2];
	[bflag:$0x3] =	sbarrier.arrive $0xFFFF;
	s2 =	simm.s32 @!p0 $0x1C11  }
0x97: {  	[timem:s3], [sflag:s2] =	dma.local @!p0 [hbm:s0], s1  }
0x98: {  	s0 =	simm.s32 @!p0 $0x11  }
0x99: {  	_ =	swait.ge @!p0 [sflag:s0], s1  }
0x9a: {  	s1 =	ssub.s32 @!p0 $0x0, s1;
	[sflag:s0] =	ssyncset.done @!p0 $0x0  }
0x9b: {  	[sflag:s0] =	ssyncadd.s32 @!p0 s1  }
0x9c: {  	[bflag:$0x3] =	sbarrier.arrive $0xFFFF  }
0x9d: {  	_ =	shalt  }

// kernel: kernel.8.cloned.1.call-start
scs
__scs_entry_jumppad:
0x0: {  	(pc) =	sbr.rel $0x88, $3  }
0x1: {  	(tag) =	ssettag $0x0;
	lr =	simm.s32 $0x1  }
0x2: {  	[smem:$0x3F98] =	sst lr;
	_ =	strace $0xD0000000  }
0x3: {  	_ = 	snop  }
0x4: {  	_ = 	snop  }
0x5: {  	_ = 	snop  }
0x6: {  	_ = 	snop  }
0x7: {  	_ = 	snop  }
__scs_overlays_trampoline_lowered:
0x8: {  	[smem:$0x3FA7] =	sst s0  }
0x9: {  	[smem:$0x3FA8] =	sst s1  }
0xa: {  	[smem:$0x3FA9] =	sst s2  }
0xb: {  	[smem:$0x3FAA] =	sst s3  }
0xc: {  	[smem:$0x3FAB] =	sst s4  }
0xd: {  	[smem:$0x3FAC] =	sst s5  }
0xe: {  	[smem:$0x3FAD] =	sst s6  }
0xf: {  	[smem:$0x3FAE] =	sst s7  }
0x10: {  	[smem:$0x3FAF] =	sst s8  }
0x11: {  	[smem:$0x3FB0] =	sst s9;
	s0 =	simm.s32 @!p0 $0x0  }
0x12: {  	s1 =	sld [smem:$0x3F96];
	s0 =	simm.s32 @p0 $0x1  }
0x13: {  	[smem:$0x3FB1] =	sst s0;
	s0 =	simm.s32 @!p1 $0x0  }
0x14: {  	s2 =	sld [smem:$0x3F95];
	s0 =	simm.s32 @p1 $0x1  }
0x15: {  	[smem:$0x3FB2] =	sst s0;
	s0 =	simm.s32 @!p2 $0x0  }
0x16: {  	s3 =	sld [smem:$0x3FDB];
	s0 =	simm.s32 @p2 $0x1  }
0x17: {  	s4 =	simm.s32 $0x1BF5;
	[smem:$0x3FB4] =	sst s0  }
0x18: {  	s0 =	sld [smem:$0x3F97];
	_ =	swait.ge [sflag:s4], $0x0  }
0x19: {  	s7 =	sld [smem:$0x3F98]  }
0x1a: {  	s8 =	sadd.s32 $0xFFFFE003, lr  }
0x1b: {  	s9 =	sadd.s32 $0xFFFFFEF7, lr;
	s5 =	simm.s32 $0xFFFFFFFF;
	p2 =	slt.u32 s8, $0xFFFFF086  }
0x1c: {  	p1 =	slt.u32 s9, $0xF7A;
	s5 =	simm.s32 @!p2 $0x0  }
0x1d: {  	s5 =	simm.s32 @p1 $0x1;
	p0 =	seq.s32 s7, s2  }
0x1e: {  	s7 =	smul.u32 @!p0 $0xF7A, s2;
	p2 =	seq.s32 @!p0 s5, $0x0  }
0x1f: {  	s9 =	smul.u32 $0xF7A, s1;
	s8 =	simm.s32 @!p0 $0x1BF5;
	p2 =	por !p2, p0  }
0x20: {  	[sflag:s8] =	ssyncset.s32 @!p0 $0xFFFFF086;
	s6 =	sadd.s32 @!p0 s3, s7;
	s7 =	simm.s32 @!p0 $0x108  }
0x21: {  	s3 =	sadd.s32 s3, s9;
	s6 =	sadd.s32 @!p0 $0x88, s6;
	s7 =	simm.s32 @p2 $0x1082  }
0x22: {  	[simem:s7], [sflag:s8] =	dma.local @!p0 [hbm:s6], $0xF7A  }
0x23: {  	s9 =	sor.u32 $0xD0000000, s2;
	s6 =	simm.s32 $0x108;
	_ =	swait.ge @!p0 [sflag:s8], $0x0  }
0x24: {  	s3 =	sadd.s32 $0x88, s3;
	s6 =	simm.s32 @!p1 $0x1082;
	[sflag:s4] =	ssyncset.s32 $0xFFFFF086  }
0x25: {  	[simem:s6], [sflag:s4] =	dma.local [hbm:s3], $0xF7A  }
0x26: {  	[smem:$0x3F98] =	sst s1;
	(tag) =	ssettag s2;
	_ =	strace s9  }
0x27: {  	s1 =	sld [smem:$0x3FA8]  }
0x28: {  	s2 =	sld [smem:$0x3FA9]  }
0x29: {  	s4 =	sld [smem:$0x3FAB]  }
0x2a: {  	p0 =	seq.s32 s5, $0x0;
	s5 =	sld [smem:$0x3FAC]  }
0x2b: {  	s6 =	sld [smem:$0x3FAD]  }
0x2c: {  	s7 =	sld [smem:$0x3FAE]  }
0x2d: {  	s3 =	simm.s32 $0x108;
	s8 =	sld [smem:$0x3FAF]  }
0x2e: {  	s3 =	simm.s32 @!p0 $0x1082;
	s9 =	sld [smem:$0x3FB0]  }
0x2f: {  	lr =	sadd.s32 s0, s3;
	s0 =	sld [smem:$0x3FA7]  }
0x30: {  	s3 =	sld [smem:$0x3FAA]  }
0x31: {  	[smem:$0x3FB3] =	sst s10  }
0x32: {  	s10 =	sld [smem:$0x3FB1];
	_ =	sdelay $0x3  }
0x33: {  	p0 =	seq.s32 s10, $0x1;
	s10 =	sld [smem:$0x3FB3];
	_ =	sdelay $0x3  }
0x34: {  	[smem:$0x3FB3] =	sst s10  }
0x35: {  	s10 =	sld [smem:$0x3FB2];
	_ =	sdelay $0x3  }
0x36: {  	p1 =	seq.s32 s10, $0x1;
	s10 =	sld [smem:$0x3FB3];
	_ =	sdelay $0x3  }
0x37: {  	[smem:$0x3FB3] =	sst s10  }
0x38: {  	s10 =	sld [smem:$0x3FB4]  }
0x39: {  	_ = 	snop;
	(pc) =	sbr.ind lr, $3  }
0x3a: {  	_ = 	snop  }
0x3b: {  	_ = 	snop  }
0x3c: {  	p2 =	seq.s32 s10, $0x1;
	s10 =	sld [smem:$0x3FB3]  }
0x3d: {  	_ =	shalt  }
0x3e: {  	_ =	shalt  }
0x3f: {  	_ =	shalt  }
0x40: {  	_ =	shalt  }
0x41: {  	_ =	shalt  }
0x42: {  	_ =	shalt  }
0x43: {  	_ =	shalt  }
0x44: {  	_ =	shalt  }
0x45: {  	_ =	shalt  }
0x46: {  	_ =	shalt  }
0x47: {  	_ =	shalt  }
0x48: {  	_ =	shalt  }
0x49: {  	_ =	shalt  }
0x4a: {  	_ =	shalt  }
0x4b: {  	_ =	shalt  }
0x4c: {  	_ =	shalt  }
0x4d: {  	_ =	shalt  }
0x4e: {  	_ =	shalt  }
0x4f: {  	_ =	shalt  }
0x50: {  	_ =	shalt  }
0x51: {  	_ =	shalt  }
0x52: {  	_ =	shalt  }
0x53: {  	_ =	shalt  }
0x54: {  	_ =	shalt  }
0x55: {  	_ =	shalt  }
0x56: {  	_ =	shalt  }
0x57: {  	_ =	shalt  }
0x58: {  	_ =	shalt  }
0x59: {  	_ =	shalt  }
0x5a: {  	_ =	shalt  }
0x5b: {  	_ =	shalt  }
0x5c: {  	_ =	shalt  }
0x5d: {  	_ =	shalt  }
0x5e: {  	_ =	shalt  }
0x5f: {  	_ =	shalt  }
0x60: {  	_ =	shalt  }
0x61: {  	_ =	shalt  }
0x62: {  	_ =	shalt  }
0x63: {  	_ =	shalt  }
0x64: {  	_ =	shalt  }
0x65: {  	_ =	shalt  }
0x66: {  	_ =	shalt  }
0x67: {  	_ =	shalt  }
0x68: {  	_ =	shalt  }
0x69: {  	_ =	shalt  }
0x6a: {  	_ =	shalt  }
0x6b: {  	_ =	shalt  }
0x6c: {  	_ =	shalt  }
0x6d: {  	_ =	shalt  }
0x6e: {  	_ =	shalt  }
0x6f: {  	_ =	shalt  }
0x70: {  	_ =	shalt  }
0x71: {  	_ =	shalt  }
0x72: {  	_ =	shalt  }
0x73: {  	_ =	shalt  }
0x74: {  	_ =	shalt  }
0x75: {  	_ =	shalt  }
0x76: {  	_ =	shalt  }
0x77: {  	_ =	shalt  }
0x78: {  	_ =	shalt  }
0x79: {  	_ =	shalt  }
0x7a: {  	_ =	shalt  }
0x7b: {  	_ =	shalt  }
0x7c: {  	_ =	shalt  }
0x7d: {  	_ =	shalt  }
0x7e: {  	_ =	shalt  }
0x7f: {  	_ =	shalt  }
0x80: {  	_ =	shalt  }
0x81: {  	_ =	shalt  }
0x82: {  	_ =	shalt  }
0x83: {  	_ =	shalt  }
0x84: {  	_ =	shalt  }
0x85: {  	_ =	shalt  }
0x86: {  	_ =	shalt  }
0x87: {  	_ =	shalt  }
.Lfunc_end0:
.L_simem_size_0:
called_computation_lowered:
.L_overlay_start_0:
0x88: {  	s2 =	sld [smem:$0x3FD9]  }
0x89: {  	s3 =	sld [smem:$0x3FFE];
	_ =	sdelay $0x1  }
0x8a: {  	s1 =	srdreg.scid  }
0x8b: {  	s0 =	sand.u32 $0x1, s1  }
0x8c: {  	s16 =	sshll.u32 s0, $0xA;
	s2 =	sadd.s32 s3, s2  }
0x8d: {  	s2 =	sadd.s32 s2, s16  }
0x8e: {  	[smem:$0x3FBF] =	sst s2  }
0x8f: {  	_ = 	snop  }
0x90: {  	(tm) =	ssettm $0x1  }
0x91: {  	s17 =	sld [smem:$0x3FFB];
	_ =	sdelay $0x3  }
0x92: {  	_ =	strace s17  }
0x93: {  	s2 =	sld [smem:$0x3FFC];
	_ =	sdelay $0x3  }
0x94: {  	_ =	strace s2  }
0x95: {  	s2 =	sld [smem:$0x3FFD];
	_ =	sdelay $0x3  }
0x96: {  	_ =	strace s2  }
0x97: {  	_ =	strace $0x8FFFFFFF  }
0x98: {  	s18 =	sld [smem:$0x3FDB];
	_ =	sdelay $0x1  }
0x99: {  	s19 =	simm.s32 $_scs_section_size  }
0x9a: {  	s4 =	simm.s32 $_size__tile_overlayer_lowered;
	s5 =	simm.s32 $_tile_overlayer_lowered  }
0x9b: {  	s22 =	simm.s32 $0x1BFF;
	s21 =	sshll.u32 s5, $0x1;
	s2 =	sadd.s32 s19, s18  }
0x9c: {  	s6 =	simm.s32 $0x0;
	s20 =	sshll.u32 s4, $0x1;
	s4 =	sadd.s32 s21, s2  }
0x9d: {  	[timem:s6], [sflag:s22] =	dma.local [hbm:s4], s20  }
0x9e: {  	_ =	swait.ge [sflag:s22], s20  }
0x9f: {  	s3 =	ssub.s32 $0x0, s20;
	[sflag:s22] =	ssyncset.done $0x0  }
0xa0: {  	[sflag:s22] =	ssyncadd.s32 s3;
	_ =	sdelay $0x1  }
0xa1: {  	s23 =	simm.s32 $0x1B8B  }
0xa2: {  	_ =	swait.ge [sflag:s23], $0x1  }
0xa3: {  	[sflag:s23] =	ssyncset.done $0x0  }
0xa4: {  	s25 =	simm.s32 $0x1B8E;
	s24 =	sld [smem:$0x3FFE];
	[sflag:s23] =	ssyncadd.s32 $0xFFFFFFFF  }
0xa5: {  	s26 =	simm.s32 $execute0_lowered;
	[smem:$0x3FD2] =	sst s25  }
0xa6: {  	s4 =	sshll.u32 s26, $0x1;
	_ =	strace $0x80000046;
	[dreg:$0x1] =	wrdreg $0xFFFFFFFF  }
0xa7: {  	s28 =	simm.s32 $_size_execute0_lowered;
	s2 =	sadd.s32 s2, s4;
	[dreg:$0x0] =	wrdreg $0x0  }
0xa8: {  	s4 =	sshll.u32 s28, $0x1;
	[dreg:$0x2] =	wrdreg s2  }
0xa9: {  	[dreg:$0x3] =	wrdreg s4  }
0xaa: {  	[dreg:$0x4] =	wrdreg $0xC0  }
0xab: {  	_ =	task [dreg:s6], $0x5FFFF  }
0xac: {  	[dreg:$0x1] =	wrdreg $0xFFFFFFFF  }
0xad: {  	[dreg:$0x0] =	wrdreg $0x60  }
0xae: {  	[dreg:$0x2] =	wrdreg s24  }
0xaf: {  	[dreg:$0x3] =	wrdreg $0x4C000  }
0xb0: {  	[dreg:$0x4] =	wrdreg $0x9  }
0xb1: {  	_ =	task.clear_ibuf [dreg:s6], $0x5FFFF;
	_ =	strace $0x90000046  }
0xb2: {  	s29 =	simm.s32 $0x9;
	_ =	strace $0x80000048  }
0xb3: {  	_ =	swait.ge [sflag:s29], $0x1  }
0xb4: {  	[sflag:s29] =	ssyncadd.s32 $0xFFFFFFFF  }
0xb5: {  	_ =	strace $0x90000048  }
0xb6: {  	_ =	sfence  }
0xb7: {  	s30 =	sld [smem:$0x0];
	_ =	sdelay $0x2  }
0xb8: {  	s31 =	sshll.u32 s1, $0xD;
	s1 =	sshrl.u32 s1, $0x2  }
0xb9: {  	s3 =	sand.u32 $0x4000, s31;
	s1 =	sadd.s32 s1, s30  }
0xba: {  	s0 =	sor.u32 s3, s0;
	s1 =	sshll.u32 s1, $0x11  }
0xbb: {  	s0 =	sor.u32 s1, s0  }
0xbc: {  	s0 =	sadd.s32 $0x8F2B, s0  }
0xbd: {  	[sflag:s0] =	ssyncadd.remote.s32 $0x1  }
0xbe: {  	_ =	sfence.sel $0xFFFF  }
0xbf: {  	[dreg:$0x0] =	wrdreg $0xFFFFFFFF;
	(pc) =	sbr.abs _section_cstart, $3  }
0xc0: {  	[dreg:$0x1] =	wrdreg $0xFFFFFFFF  }
0xc1: {  	_ =	task.clear_ibuf [dreg:s6], $0x2FFFF;
	_ =	strace $0x9FFFFFFF  }
0xc2: {  	(tm) =	ssettm $0x7FFFFFFF  }
0xc3: {  	_ =	shalt  }
tec
execute0_lowered:
.L_overlay_start_1:
0x0: {  	(tag) =	ssettag $0x1  }
0x1: {  	s0 =	srdreg.scid;
	s6 =	rddreg [dreg:$0x0]  }
0x2: {  	s2 =	rddreg [dreg:$0x1];
	s7 =	sand.u32 $0x1, s0  }
0x3: {  	s0 =	stileid.u32;
	s4 =	smul.u32 $0x44000, s7  }
0x4: {  	s1 =	rddreg [dreg:$0x2];
	s5 =	smul.u32 $0x4400, s0  }
0x5: {  	s3 =	simm.s32 $0x0;
	s14 =	simm.s32 $0x80;
	s8 =	smul.u32 $0x2780, s0  }
0x6: {  	s15 =	simm.s32 $0x0;
	[smem:$0x7FF] =	sst s3;
	s30 =	smul.u32 $0x27800, s7  }
0x7: {  	_ =	strace $0x80000047;
	s11 =	ssub.s32 $0x2, s7;
	s12 =	sshll.u32 s0, $0x6  }
0x8: {  	p0 =	seq.s32 s7, $0x0;
	s31 =	sshrl.u32 s11, $0x1;
	s12 =	sor.u32 $0x1C01, s12  }
0x9: {  	s4 =	sadd.s32 s5, s4;
	s5 =	sadd.s32 s8, s30;
	s11 =	ssub.s32 s11, s31  }
0xa: {  	s13 =	sadd.s32 s8, s2;
	s4 =	sshrl.u32 s4, $0x3;
	s10 =	sshrl.u32 s5, $0x3  }
0xb: {  	s5 =	sadd.s32 $0x13200, s6;
	s13 =	sshrl.u32 s13, $0x3;
	s9 =	sadd.s32 s4, s6  }
0xc: {  	s4 =	sadd.s32 $0x13800, s6;
	s10 =	sadd.s32 s10, s6;
	s6 =	simm.s32 $0x88  }
0xd: {  	s6 =	simm.s32 @!p0 $0x18;
	s7 =	sadd.s32 $0x2200, s9;
	s8 =	sadd.s32 $0x13A00, s10  }
0xe: {  	s9 =	smax.u32 s11, $0x1;
	s10 =	simm.s32 $0x1;
	s11 =	simm.s32 $0x4400  }
.LBB2_1:
0xf: {  	[tilespmem:s3], [sflag:$0x1] =	stream.linear.gather [hbm4b:s7+s3], $0x4400, $0x38;
	[tilespmem:$0x7380] =	vst v63  }
0x10: {  	_ =	swait.ge [sflag:s10], $0x4400  }
0x11: {  	[sflag:s10] =	ssyncset.done $0x0  }
0x12: {  	[sflag:s10] =	ssyncadd.s32 $0xFFFFBC00  }
0x13: {  	[tilespmem:s11], [sflag:$0x1] =	stream.linear.gather [hbm4b:s4+s3], $0x800, $0x38;
	[tilespmem:$0x7380] =	vst v63  }
0x14: {  	_ =	swait.ge [sflag:s10], $0x800  }
0x15: {  	[sflag:s10] =	ssyncset.done $0x0  }
0x16: {  	[sflag:s10] =	ssyncadd.s32 $0xFFFFF800  }
0x17: {  	[spmem:s13], [sflag:s12] =	dma.local [hbm:s5], $0x4F0  }
0x18: {  	_ =	swait.ge [sflag:s10], $0x4F0  }
0x19: {  	p0 =	sne.s32 s6, $0x1;
	[sflag:s10] =	ssyncset.done $0x0  }
.Ltmp0:
0x1a: {  	[sflag:s10] =	ssyncadd.s32 $0xFFFFFB10;
	(pc) =	sbr.rel @!p0 .LBB2_3-.Ltmp0, $4  }
0x1b: {  	[bflag:$0x0] =	sbarrier.arrive $0xFFFF  }
0x1c: {  	[spmem:s2] =	stream.indirect.scatter.add.f32 [tilespmem:s11], [sflag:$0x1], $0x10, s3, s14, $0xb8;
	[tilespmem:$0x7380] =	vst v63  }
0x1d: {  	_ =	swait.ge [sflag:s10], $0x800  }
0x1e: {  	s16 =	sadd.s32 $0xFFFFFFFF, s6;
	s17 =	simm.s32 $0x0;
	[sflag:s10] =	ssyncset.done $0x0  }
.LBB2_2:
0x1f: {  	p0 =	sne.s32 s16, $0x1;
	[sflag:s10] =	ssyncadd.s32 $0xFFFFF800;
	s17 =	sadd.s32 $0x80, s17  }
.Ltmp1:
0x20: {  	s16 =	sadd.s32 $0xFFFFFFFF, s16;
	(pc) =	sbr.rel @p0 .LBB2_2-.Ltmp1, $4  }
0x21: {  	_ = 	snop  }
0x22: {  	[spmem:s2] =	stream.indirect.scatter.add.f32 [tilespmem:s11], [sflag:$0x1], $0x10, s17, s14, $0xb8;
	[tilespmem:$0x7380] =	vst v63  }
0x23: {  	_ =	swait.ge [sflag:s10], $0x800  }
0x24: {  	[sflag:s10] =	ssyncset.done $0x0  }
.LBB2_3:
0x25: {  	s15 =	sadd.s32 $0x1, s15  }
0x26: {  	[sflag:s10] =	ssyncadd.s32 $0xFFFFF800;
	p0 =	sne.s32 s15, s9  }
.Ltmp2:
0x27: {  	[bflag:$0x0] =	sbarrier.arrive $0xFFFF;
	(pc) =	sbr.rel @p0 .LBB2_1-.Ltmp2, $4  }
0x28: {  	[hbm:s8], [sflag:s12] =	dma.local [spmem:s13], $0x4F0  }
0x29: {  	_ =	swait.ge [sflag:s10], $0x4F0  }
0x2a: {  	[sflag:s10] =	ssyncset.done $0x0  }
0x2b: {  	[sflag:s10] =	ssyncadd.s32 $0xFFFFFB10  }
0x2c: {  	_ =	sfence.sel $0x180000  }
0x2d: {  	[bflag:$0x0] =	sbarrier.arrive $0xFFFF  }
0x2e: {  	p0 =	sne.s32 s0, $0x0;
	_ =	strace $0x90000047  }
0x2f: {  	s0 =	sadd.s32 @!p0 $0x100000, s1;
	[bflag:$0x2] =	sbarrier.arrive $0xFFFF  }
0x30: {  	[sflag:s0] =	ssyncadd.tile.s32 @!p0 $0x1;
	_ =	shalt  }
.Lfunc_end2:
_tile_overlayer_lowered:
.L_overlay_start_2:
0x31: {  	(tag) =	ssettag $0x2  }
0x32: {  	s0 =	rddreg [dreg:$0x0];
	s2 =	stileid.u32  }
0x33: {  	s1 =	rddreg [dreg:$0x1];
	p0 =	sne.s32 s2, $0x0  }
0x34: {  	s3 =	rddreg [dreg:$0x2];
	[bflag:$0x3] =	sbarrier.arrive $0xFFFF;
	s2 =	simm.s32 @!p0 $0x1C01  }
0x35: {  	[timem:s3], [sflag:s2] =	dma.local @!p0 [hbm:s0], s1  }
0x36: {  	s0 =	simm.s32 @!p0 $0x1  }
0x37: {  	_ =	swait.ge @!p0 [sflag:s0], s1  }
0x38: {  	s1 =	ssub.s32 @!p0 $0x0, s1;
	[sflag:s0] =	ssyncset.done @!p0 $0x0  }
0x39: {  	[sflag:s0] =	ssyncadd.s32 @!p0 s1  }
0x3a: {  	[bflag:$0x3] =	sbarrier.arrive $0xFFFF  }
0x3b: {  	_ =	shalt  }

</sc_bundles>
